<compile_context>
chip_gen: v7x
topology: tpu7x:2x2x1
jax: 0.10.2.dev20260603
libtpu: 0.0.44.dev20260713+nightly
codegen_flags: <defaults>
</compile_context>

<pallas_src>
import functools

import jax
import jax.numpy as jnp
from jax import lax
from jax.experimental import pallas as pl
from jax.experimental.pallas import tpu as pltpu
from jax.experimental.pallas import tpu_sc as plsc

VOCAB = 1000000
EMBED_DIM = 64
HIDDEN_DIM = 128
OUTPUT_DIM = 64
BATCH = 4096
BAG_LEN = 200
TOTAL_TOKENS = BATCH * BAG_LEN

NC = 2
NS = 16
NW = NC * NS

BAGS_PER_CORE = BATCH // NC
BAGS_PER_W = BATCH // NW
TOK_PER_W = BAGS_PER_W * BAG_LEN
TOK_PER_CORE = BAGS_PER_CORE * BAG_LEN

STREAM = 128
CHUNK_T = 512
N_STREAMS = CHUNK_T // STREAM
N_CHUNKS = TOK_PER_W // CHUNK_T
IDX_ROWS = TOK_PER_W // STREAM
SEG_PERIOD = 3200 // STREAM


def _sc_embedding_bag_sums(tokens2d, seg2d, zinit, table):
    mesh = plsc.VectorSubcoreMesh(
        core_axis_name="c", subcore_axis_name="s", num_cores=NC, num_subcores=NS
    )

    @functools.partial(
        pl.kernel,
        mesh=mesh,
        compiler_params=pltpu.CompilerParams(use_tc_tiling_on_sc=False),
        out_type=jax.ShapeDtypeStruct((BATCH, EMBED_DIM), jnp.float32),
        scratch_types=[
            pltpu.VMEM((IDX_ROWS, STREAM), jnp.int32),
            pltpu.VMEM((SEG_PERIOD, STREAM), jnp.int32),
            pltpu.VMEM((2, N_STREAMS, STREAM), jnp.int32),
            pltpu.VMEM((2, CHUNK_T, EMBED_DIM), jnp.float32),
            pltpu.VMEM_SHARED((2, BAGS_PER_CORE, EMBED_DIM), jnp.float32),
            pltpu.SemaphoreType.DMA,
            pltpu.SemaphoreType.DMA,
        ],
    )
    def body(tok_hbm, seg_hbm, zinit_hbm, table_hbm, out_hbm,
             idx_all, segb_v, seg_use, rows_v, acc_sh, sem_g, sem_s):
        c = lax.axis_index("c")
        s = lax.axis_index("s")
        acc_base = s * BAGS_PER_W
        pltpu.sync_copy(zinit_hbm, acc_sh.at[0, pl.ds(acc_base, BAGS_PER_W)])
        pltpu.sync_copy(zinit_hbm, acc_sh.at[1, pl.ds(acc_base, BAGS_PER_W)])
        tok_row0 = pl.multiple_of(
            (c * TOK_PER_CORE + s * TOK_PER_W) // STREAM, N_STREAMS)
        pltpu.sync_copy(tok_hbm.at[pl.ds(tok_row0, IDX_ROWS)], idx_all)
        pltpu.sync_copy(seg_hbm, segb_v)

        def compute_seg(ci, b):
            for j in range(N_STREAMS):
                r = ci * N_STREAMS + j
                q = r // SEG_PERIOD
                rr = r % SEG_PERIOD
                addv = s * BAGS_PER_W + 16 * q
                for k in range(STREAM // 16):
                    seg_use[b, j, pl.ds(k * 16, 16)] = (
                        segb_v[rr, pl.ds(k * 16, 16)] + addv)

        def fire_gathers(ci, b):
            for j in range(N_STREAMS):
                pltpu.async_copy(
                    table_hbm.at[idx_all.at[ci * N_STREAMS + j]],
                    rows_v.at[b, pl.ds(j * STREAM, STREAM)],
                    sem_g,
                )

        def wait_gathers(b):
            for j in range(N_STREAMS):
                pltpu.make_async_copy(
                    table_hbm.at[idx_all.at[0]],
                    rows_v.at[b, pl.ds(j * STREAM, STREAM)],
                    sem_g,
                ).wait()

        def fire_scatters(ci, b):
            for j in range(N_STREAMS):
                pltpu.async_copy(
                    rows_v.at[b, pl.ds(j * STREAM, STREAM)],
                    acc_sh.at[j % 2].at[seg_use.at[b, j]],
                    sem_s,
                    add=True,
                ).wait()

        fire_gathers(0, 0)
        def chunk(ci, carry):
            b = lax.rem(ci, 2)
            wait_gathers(b)
            compute_seg(ci, b)
            fire_scatters(ci, b)
            fire_gathers(ci + 1, 1 - b)
            return carry
        lax.fori_loop(0, N_CHUNKS - 1, chunk, 0)
        b_last = (N_CHUNKS - 1) % 2
        wait_gathers(b_last)
        compute_seg(N_CHUNKS - 1, b_last)
        fire_scatters(N_CHUNKS - 1, b_last)

        pltpu.sync_copy(acc_sh.at[0, pl.ds(acc_base, BAGS_PER_W)],
                        rows_v.at[0, pl.ds(0, BAGS_PER_W)])
        pltpu.sync_copy(acc_sh.at[1, pl.ds(acc_base, BAGS_PER_W)],
                        rows_v.at[1, pl.ds(0, BAGS_PER_W)])

        def combine(i, carry):
            for k in range(EMBED_DIM // 16):
                rows_v[0, i, pl.ds(k * 16, 16)] = (
                    rows_v[0, i, pl.ds(k * 16, 16)]
                    + rows_v[1, i, pl.ds(k * 16, 16)])
            return carry
        lax.fori_loop(0, BAGS_PER_W, combine, 0)

        out_base = pl.multiple_of(c * BAGS_PER_CORE + s * BAGS_PER_W, BAGS_PER_W)
        pltpu.sync_copy(
            rows_v.at[0, pl.ds(0, BAGS_PER_W)],
            out_hbm.at[pl.ds(out_base, BAGS_PER_W)],
        )

    return body(tokens2d, seg2d, zinit, table)


REPACK_NB = 4096
REPACK_G = -(-VOCAB // REPACK_NB)
VROWS = REPACK_G * REPACK_NB


def _repack_body(in_ref, out_ref):
    xT = in_ref[...].T
    out_ref[...] = jnp.concatenate(
        [xT[: REPACK_NB // 2], xT[REPACK_NB // 2 :]], axis=1)


def _tc_repack(tableT):
    return pl.pallas_call(
        _repack_body,
        grid=(REPACK_G,),
        in_specs=[pl.BlockSpec((EMBED_DIM, REPACK_NB), lambda i: (0, i))],
        out_specs=pl.BlockSpec((REPACK_NB // 2, 2 * EMBED_DIM), lambda i: (i, 0)),
        out_shape=jax.ShapeDtypeStruct(
            (REPACK_G * REPACK_NB // 2, 2 * EMBED_DIM), jnp.float32),
    )(tableT)


BM = 256


def _mlp_body(x_ref, w1_ref, b1_ref, w2_ref, b2_ref, o_ref):
    x = x_ref[...] * (1.0 / BAG_LEN)
    h = jnp.dot(x, w1_ref[...], preferred_element_type=jnp.float32) + b1_ref[...]
    h = jnp.maximum(h, 0.0)
    p = jnp.dot(h, w2_ref[...], preferred_element_type=jnp.float32) + b2_ref[...]
    norm = jnp.sqrt(jnp.sum(p * p, axis=-1, keepdims=True))
    norm = jnp.maximum(norm, 1e-15)
    maxnorm = 1.0 - 1e-5
    scale = jnp.where(norm > maxnorm, maxnorm / norm, 1.0)
    o_ref[...] = p * scale


def _tc_mlp(sums, W1, b1, W2, b2):
    return pl.pallas_call(
        _mlp_body,
        grid=(BATCH // BM,),
        in_specs=[
            pl.BlockSpec((BM, EMBED_DIM), lambda i: (i, 0)),
            pl.BlockSpec((EMBED_DIM, HIDDEN_DIM), lambda i: (0, 0)),
            pl.BlockSpec((1, HIDDEN_DIM), lambda i: (0, 0)),
            pl.BlockSpec((HIDDEN_DIM, OUTPUT_DIM), lambda i: (0, 0)),
            pl.BlockSpec((1, OUTPUT_DIM), lambda i: (0, 0)),
        ],
        out_specs=pl.BlockSpec((BM, OUTPUT_DIM), lambda i: (i, 0)),
        out_shape=jax.ShapeDtypeStruct((BATCH, OUTPUT_DIM), jnp.float32),
    )(sums, W1, b1, W2, b2)


def kernel(tokens, offsets, table, W1, b1, W2, b2):
    del offsets
    t32 = tokens.astype(jnp.int32)
    g = t32 // REPACK_NB
    r = t32 % REPACK_NB
    nidx = g * REPACK_NB + 2 * (r & (REPACK_NB // 2 - 1)) + (r >> 11)
    tokens2d = nidx.reshape(TOTAL_TOKENS // STREAM, STREAM)
    seg = (jnp.arange(SEG_PERIOD * STREAM, dtype=jnp.int32) // BAG_LEN).reshape(
        SEG_PERIOD, STREAM)
    zinit = jnp.zeros((BAGS_PER_W, EMBED_DIM), jnp.float32)
    table_lin = _tc_repack(table.T).reshape(VROWS, EMBED_DIM)
    sums = _sc_embedding_bag_sums(tokens2d, seg, zinit, table_lin)
    return _tc_mlp(sums, W1, b1.reshape(1, -1), W2, b2.reshape(1, -1))

# --- scband reference (transcript-rebuilt; emitter-appended) ---
"""Pipeline reference for scband-hyperbolic-doc-encoder-9388798509479 (READ-ONLY COPY).

The authoritative reference and input builder live on the scoring server;
editing this copy changes nothing except your own understanding.
"""

import jax, jax.numpy as jnp
import numpy as np

VOCAB = 1000000
EMBED_DIM = 64
HIDDEN_DIM = 128
OUTPUT_DIM = 64
CURVATURE = -1.0
BATCH = 4096
BAG_LEN = 200
TOTAL_TOKENS = BATCH * BAG_LEN


def setup_inputs(seed: int = 0) -> dict:
    key = jax.random.key(seed)
    k_tok, k_tab, k_w1, k_b1, k_w2, k_b2 = jax.random.split(key, 6)
    tokens = jax.random.randint(k_tok, (TOTAL_TOKENS,), 0, VOCAB, dtype=jnp.int64 if jax.config.jax_enable_x64 else jnp.int32)
    # offsets per input_specs: arange scaled by bag length (fixed-length bags of 200)
    offsets = jnp.arange(BATCH, dtype=tokens.dtype) * BAG_LEN
    table = jax.random.normal(k_tab, (VOCAB, EMBED_DIM), dtype=jnp.float32) * 0.02
    W1 = jax.random.normal(k_w1, (EMBED_DIM, HIDDEN_DIM), dtype=jnp.float32) * (1.0 / np.sqrt(EMBED_DIM))
    b1 = jnp.zeros((HIDDEN_DIM,), dtype=jnp.float32)
    W2 = jax.random.normal(k_w2, (HIDDEN_DIM, OUTPUT_DIM), dtype=jnp.float32) * (1.0 / np.sqrt(HIDDEN_DIM))
    b2 = jnp.zeros((OUTPUT_DIM,), dtype=jnp.float32)
    return {"tokens": tokens, "offsets": offsets, "table": table, "W1": W1, "b1": b1, "W2": W2, "b2": b2}


def _embedding_bag_mean(table, tokens, offsets, batch):
    # torch.nn.EmbeddingBag(mode='mean') with offsets
    n = tokens.shape[0]
    seg = jnp.searchsorted(offsets, jnp.arange(n, dtype=offsets.dtype), side='right') - 1
    seg = jnp.clip(seg, 0, batch - 1)
    emb = jnp.take(table, tokens, axis=0)  # gather [N, D]
    sums = jax.ops.segment_sum(emb, seg, num_segments=batch)
    counts = jax.ops.segment_sum(jnp.ones((n,), dtype=jnp.float32), seg, num_segments=batch)
    counts = jnp.maximum(counts, 1.0)
    return sums / counts[:, None]


def _poincare_project(x, curvature):
    c = -curvature  # c > 0
    eps = 1e-5
    maxnorm = (1.0 - eps) / jnp.sqrt(c)
    norm = jnp.linalg.norm(x, axis=-1, keepdims=True)
    norm = jnp.maximum(norm, 1e-15)
    scale = jnp.where(norm > maxnorm, maxnorm / norm, jnp.ones_like(norm))
    return x * scale


def reference(tokens, offsets, table, W1, b1, W2, b2):
    bow = _embedding_bag_mean(table, tokens, offsets, BATCH)
    h = jnp.maximum(bow @ W1 + b1, 0.0)
    proj = h @ W2 + b2
    hyp = _poincare_project(proj, CURVATURE)
    return hyp

if __name__ == "__main__":
    import jax
    _d = setup_inputs()
    print(jax.jit(kernel)(*tuple(_d.values())))

</pallas_src>

<mosaic_0001>
#map = affine_map<(d0, d1) -> (0, 0)>
module attributes {stable_mosaic.version = 14 : i64} {
  func.func @body(%arg0: i32, %arg1: i32, %arg2: memref<6400x128xi32, #tpu.memory_space<hbm>>, %arg3: memref<25x128xi32, #tpu.memory_space<hbm>>, %arg4: memref<128x64xf32, #tpu.memory_space<hbm>>, %arg5: memref<1003520x64xf32, #tpu.memory_space<hbm>>, %arg6: memref<4096x64xf32, #tpu.memory_space<hbm>>, %arg7: memref<200x128xi32, #tpu.memory_space<vmem>>, %arg8: memref<25x128xi32, #tpu.memory_space<vmem>>, %arg9: memref<2x4x128xi32, #tpu.memory_space<vmem>>, %arg10: memref<2x512x64xf32, #tpu.memory_space<vmem>>, %arg11: memref<2x2048x64xf32, #tpu.memory_space<vmem_shared>>, %arg12: memref<!tpu.dma_semaphore, #tpu.memory_space<semaphore_mem>>, %arg13: memref<!tpu.dma_semaphore, #tpu.memory_space<semaphore_mem>>) attributes {dimension_semantics = [#tpu.dimension_semantics<core_parallel>, #tpu.dimension_semantics<subcore_parallel>], iteration_bounds = array<i64: 2, 16>, scalar_prefetch = 0 : i64, scratch_operands = 7 : i64, tpu.core_type = #tpu.core_type<sc_vector_subcore>, window_params = [{transform_indices = #map}, {transform_indices = #map}, {transform_indices = #map}, {transform_indices = #map}, {transform_indices = #map}]} {
    %mul3A = arith.constant 128 : i32
    %mul3A_0 = arith.muli %arg1, %mul3A : i32
    %run_scoped3A = arith.constant 0 : i32
    "tpu.region"() ({
      %run_scoped3A_776 = tpu.sem_alloc : memref<!tpu.dma_semaphore, #tpu.memory_space<semaphore_mem>>
      %dma_start3A_777 = arith.constant 0 : i32
      %dma_start3A_778 = tpu.memref_slice %arg11[%run_scoped3A, %mul3A_0, %dma_start3A_777] : memref<2x2048x64xf32, #tpu.memory_space<vmem_shared>> -> memref<1x128x64xf32, #tpu.memory_space<vmem_shared>>
      %dma_start3A_779 = tpu.memref_squeeze %dma_start3A_778 : memref<1x128x64xf32, #tpu.memory_space<vmem_shared>> -> memref<128x64xf32, #tpu.memory_space<vmem_shared>>
      tpu.enqueue_dma source(%arg4 : memref<128x64xf32, #tpu.memory_space<hbm>>) target(%dma_start3A_779 : memref<128x64xf32, #tpu.memory_space<vmem_shared>>) target_semaphore(%run_scoped3A_776 : memref<!tpu.dma_semaphore, #tpu.memory_space<semaphore_mem>>)
      %dma_wait3A_780 = arith.constant 0 : i32
      %dma_wait3A_781 = tpu.memref_slice %arg11[%run_scoped3A, %mul3A_0, %dma_wait3A_780] : memref<2x2048x64xf32, #tpu.memory_space<vmem_shared>> -> memref<1x128x64xf32, #tpu.memory_space<vmem_shared>>
      %dma_wait3A_782 = tpu.memref_squeeze %dma_wait3A_781 : memref<1x128x64xf32, #tpu.memory_space<vmem_shared>> -> memref<128x64xf32, #tpu.memory_space<vmem_shared>>
      tpu.wait_dma2 semaphore(%run_scoped3A_776 : memref<!tpu.dma_semaphore, #tpu.memory_space<semaphore_mem>>) src(%arg4 : memref<128x64xf32, #tpu.memory_space<hbm>>) dst(%dma_wait3A_782 : memref<128x64xf32, #tpu.memory_space<vmem_shared>>)
      tpu.yield
    }) : () -> ()
    %run_scoped3A_1 = arith.constant 1 : i32
    "tpu.region"() ({
      %run_scoped3A_776 = tpu.sem_alloc : memref<!tpu.dma_semaphore, #tpu.memory_space<semaphore_mem>>
      %dma_start3A_777 = arith.constant 0 : i32
      %dma_start3A_778 = tpu.memref_slice %arg11[%run_scoped3A_1, %mul3A_0, %dma_start3A_777] : memref<2x2048x64xf32, #tpu.memory_space<vmem_shared>> -> memref<1x128x64xf32, #tpu.memory_space<vmem_shared>>
      %dma_start3A_779 = tpu.memref_squeeze %dma_start3A_778 : memref<1x128x64xf32, #tpu.memory_space<vmem_shared>> -> memref<128x64xf32, #tpu.memory_space<vmem_shared>>
      tpu.enqueue_dma source(%arg4 : memref<128x64xf32, #tpu.memory_space<hbm>>) target(%dma_start3A_779 : memref<128x64xf32, #tpu.memory_space<vmem_shared>>) target_semaphore(%run_scoped3A_776 : memref<!tpu.dma_semaphore, #tpu.memory_space<semaphore_mem>>)
      %dma_wait3A_780 = arith.constant 0 : i32
      %dma_wait3A_781 = tpu.memref_slice %arg11[%run_scoped3A_1, %mul3A_0, %dma_wait3A_780] : memref<2x2048x64xf32, #tpu.memory_space<vmem_shared>> -> memref<1x128x64xf32, #tpu.memory_space<vmem_shared>>
      %dma_wait3A_782 = tpu.memref_squeeze %dma_wait3A_781 : memref<1x128x64xf32, #tpu.memory_space<vmem_shared>> -> memref<128x64xf32, #tpu.memory_space<vmem_shared>>
      tpu.wait_dma2 semaphore(%run_scoped3A_776 : memref<!tpu.dma_semaphore, #tpu.memory_space<semaphore_mem>>) src(%arg4 : memref<128x64xf32, #tpu.memory_space<hbm>>) dst(%dma_wait3A_782 : memref<128x64xf32, #tpu.memory_space<vmem_shared>>)
      tpu.yield
    }) : () -> ()
    %mul3A_2 = arith.constant 409600 : i32
    %mul3A_3 = arith.muli %arg0, %mul3A_2 : i32
    %mul3A_4 = arith.constant 25600 : i32
    %mul3A_5 = arith.muli %arg1, %mul3A_4 : i32
    %add3A = arith.addi %mul3A_3, %mul3A_5 : i32
    %jit3A = arith.constant 128 : i32
    %div3A = arith.divsi %add3A, %jit3A : i32
    %sign3A = arith.constant 0 : i32
    %sign3A_6 = arith.cmpi sgt, %add3A, %sign3A : i32
    %sign3A_7 = arith.extui %sign3A_6 : i1 to i32
    %sign3A_8 = arith.constant 0 : i32
    %sign3A_9 = arith.cmpi slt, %add3A, %sign3A_8 : i32
    %sign3A_10 = arith.extui %sign3A_9 : i1 to i32
    %sign3A_11 = arith.subi %sign3A_7, %sign3A_10 : i32
    %sign3A_12 = arith.constant 0 : i32
    %sign3A_13 = arith.cmpi sgt, %jit3A, %sign3A_12 : i32
    %sign3A_14 = arith.extui %sign3A_13 : i1 to i32
    %sign3A_15 = arith.constant 0 : i32
    %sign3A_16 = arith.cmpi slt, %jit3A, %sign3A_15 : i32
    %sign3A_17 = arith.extui %sign3A_16 : i1 to i32
    %sign3A_18 = arith.subi %sign3A_14, %sign3A_17 : i32
    %ne3A = arith.cmpi ne, %sign3A_11, %sign3A_18 : i32
    %rem3A = arith.remsi %add3A, %jit3A : i32
    %ne3A_19 = arith.constant 0 : i32
    %ne3A_20 = arith.cmpi ne, %rem3A, %ne3A_19 : i32
    %and3A = arith.andi %ne3A, %ne3A_20 : i1
    %sub3A = arith.constant 1 : i32
    %sub3A_21 = arith.subi %div3A, %sub3A : i32
    %select_n3A = arith.select %and3A, %sub3A_21, %div3A : i32
    %multiple_of3A = tpu.assume_multiple %select_n3A, 4 : i32
    "tpu.region"() ({
      %run_scoped3A_776 = tpu.sem_alloc : memref<!tpu.dma_semaphore, #tpu.memory_space<semaphore_mem>>
      %dma_start3A_777 = arith.constant 0 : i32
      %dma_start3A_778 = tpu.memref_slice %arg2[%multiple_of3A, %dma_start3A_777] : memref<6400x128xi32, #tpu.memory_space<hbm>> -> memref<200x128xi32, #tpu.memory_space<hbm>>
      %dma_start3A_779 = arith.constant 0 : i32
      %dma_start3A_780 = tpu.memref_slice %arg2[%multiple_of3A, %dma_start3A_779] : memref<6400x128xi32, #tpu.memory_space<hbm>> -> memref<200x128xi32, #tpu.memory_space<hbm>>
      tpu.enqueue_dma source(%dma_start3A_780 : memref<200x128xi32, #tpu.memory_space<hbm>>) target(%arg7 : memref<200x128xi32, #tpu.memory_space<vmem>>) target_semaphore(%run_scoped3A_776 : memref<!tpu.dma_semaphore, #tpu.memory_space<semaphore_mem>>)
      %dma_wait3A_781 = arith.constant 0 : i32
      %dma_wait3A_782 = tpu.memref_slice %arg2[%multiple_of3A, %dma_wait3A_781] : memref<6400x128xi32, #tpu.memory_space<hbm>> -> memref<200x128xi32, #tpu.memory_space<hbm>>
      %dma_wait3A_783 = arith.constant 0 : i32
      %dma_wait3A_784 = tpu.memref_slice %arg2[%multiple_of3A, %dma_wait3A_783] : memref<6400x128xi32, #tpu.memory_space<hbm>> -> memref<200x128xi32, #tpu.memory_space<hbm>>
      tpu.wait_dma2 semaphore(%run_scoped3A_776 : memref<!tpu.dma_semaphore, #tpu.memory_space<semaphore_mem>>) src(%dma_wait3A_784 : memref<200x128xi32, #tpu.memory_space<hbm>>) dst(%arg7 : memref<200x128xi32, #tpu.memory_space<vmem>>)
      tpu.yield
    }) : () -> ()
    "tpu.region"() ({
      %run_scoped3A_776 = tpu.sem_alloc : memref<!tpu.dma_semaphore, #tpu.memory_space<semaphore_mem>>
      tpu.enqueue_dma source(%arg3 : memref<25x128xi32, #tpu.memory_space<hbm>>) target(%arg8 : memref<25x128xi32, #tpu.memory_space<vmem>>) target_semaphore(%run_scoped3A_776 : memref<!tpu.dma_semaphore, #tpu.memory_space<semaphore_mem>>)
      tpu.wait_dma2 semaphore(%run_scoped3A_776 : memref<!tpu.dma_semaphore, #tpu.memory_space<semaphore_mem>>) src(%arg3 : memref<25x128xi32, #tpu.memory_space<hbm>>) dst(%arg8 : memref<25x128xi32, #tpu.memory_space<vmem>>)
      tpu.yield
    }) : () -> ()
    %dma_start3A = arith.constant 0 : i32
    %dma_start3A_22 = arith.constant 0 : i32
    %dma_start3A_23 = arith.constant 0 : i32
    %dma_start3A_24 = arith.constant 0 : i32
    %dma_start3A_25 = tpu.memref_slice %arg10[%dma_start3A_22, %dma_start3A_23, %dma_start3A_24] : memref<2x512x64xf32, #tpu.memory_space<vmem>> -> memref<1x128x64xf32, #tpu.memory_space<vmem>>
    %dma_start3A_26 = tpu.memref_squeeze %dma_start3A_25 : memref<1x128x64xf32, #tpu.memory_space<vmem>> -> memref<128x64xf32, #tpu.memory_space<vmem>>
    %dma_start3A_27 = arith.constant 0 : i32
    %dma_start3A_28 = tpu.memref_slice %arg7[%dma_start3A, %dma_start3A_27] : memref<200x128xi32, #tpu.memory_space<vmem>> -> memref<1x128xi32, #tpu.memory_space<vmem>>
    %dma_start3A_29 = tpu.memref_squeeze %dma_start3A_28 : memref<1x128xi32, #tpu.memory_space<vmem>> -> memref<128xi32, #tpu.memory_space<vmem>>
    %dma_start3A_30 = arith.constant 0 : i32
    %dma_start3A_31 = arith.constant 0 : i32
    %dma_start3A_32 = tpu.memref_slice %arg5[%dma_start3A_30, %dma_start3A_31] : memref<1003520x64xf32, #tpu.memory_space<hbm>> -> memref<1003520x64xf32, #tpu.memory_space<hbm>>
    tpu.enqueue_indirect_dma source(%dma_start3A_32 : memref<1003520x64xf32, #tpu.memory_space<hbm>>) target(%dma_start3A_26 : memref<128x64xf32, #tpu.memory_space<vmem>>) offsets(%dma_start3A_29 : memref<128xi32, #tpu.memory_space<vmem>>) semaphore(%arg12 : memref<!tpu.dma_semaphore, #tpu.memory_space<semaphore_mem>>)
    %dma_start3A_33 = arith.constant 1 : i32
    %dma_start3A_34 = arith.constant 0 : i32
    %dma_start3A_35 = arith.constant 128 : i32
    %dma_start3A_36 = arith.constant 0 : i32
    %dma_start3A_37 = tpu.memref_slice %arg10[%dma_start3A_34, %dma_start3A_35, %dma_start3A_36] : memref<2x512x64xf32, #tpu.memory_space<vmem>> -> memref<1x128x64xf32, #tpu.memory_space<vmem>>
    %dma_start3A_38 = tpu.memref_squeeze %dma_start3A_37 : memref<1x128x64xf32, #tpu.memory_space<vmem>> -> memref<128x64xf32, #tpu.memory_space<vmem>>
    %dma_start3A_39 = arith.constant 0 : i32
    %dma_start3A_40 = tpu.memref_slice %arg7[%dma_start3A_33, %dma_start3A_39] : memref<200x128xi32, #tpu.memory_space<vmem>> -> memref<1x128xi32, #tpu.memory_space<vmem>>
    %dma_start3A_41 = tpu.memref_squeeze %dma_start3A_40 : memref<1x128xi32, #tpu.memory_space<vmem>> -> memref<128xi32, #tpu.memory_space<vmem>>
    %dma_start3A_42 = arith.constant 0 : i32
    %dma_start3A_43 = arith.constant 0 : i32
    %dma_start3A_44 = tpu.memref_slice %arg5[%dma_start3A_42, %dma_start3A_43] : memref<1003520x64xf32, #tpu.memory_space<hbm>> -> memref<1003520x64xf32, #tpu.memory_space<hbm>>
    tpu.enqueue_indirect_dma source(%dma_start3A_44 : memref<1003520x64xf32, #tpu.memory_space<hbm>>) target(%dma_start3A_38 : memref<128x64xf32, #tpu.memory_space<vmem>>) offsets(%dma_start3A_41 : memref<128xi32, #tpu.memory_space<vmem>>) semaphore(%arg12 : memref<!tpu.dma_semaphore, #tpu.memory_space<semaphore_mem>>)
    %dma_start3A_45 = arith.constant 2 : i32
    %dma_start3A_46 = arith.constant 0 : i32
    %dma_start3A_47 = arith.constant 256 : i32
    %dma_start3A_48 = arith.constant 0 : i32
    %dma_start3A_49 = tpu.memref_slice %arg10[%dma_start3A_46, %dma_start3A_47, %dma_start3A_48] : memref<2x512x64xf32, #tpu.memory_space<vmem>> -> memref<1x128x64xf32, #tpu.memory_space<vmem>>
    %dma_start3A_50 = tpu.memref_squeeze %dma_start3A_49 : memref<1x128x64xf32, #tpu.memory_space<vmem>> -> memref<128x64xf32, #tpu.memory_space<vmem>>
    %dma_start3A_51 = arith.constant 0 : i32
    %dma_start3A_52 = tpu.memref_slice %arg7[%dma_start3A_45, %dma_start3A_51] : memref<200x128xi32, #tpu.memory_space<vmem>> -> memref<1x128xi32, #tpu.memory_space<vmem>>
    %dma_start3A_53 = tpu.memref_squeeze %dma_start3A_52 : memref<1x128xi32, #tpu.memory_space<vmem>> -> memref<128xi32, #tpu.memory_space<vmem>>
    %dma_start3A_54 = arith.constant 0 : i32
    %dma_start3A_55 = arith.constant 0 : i32
    %dma_start3A_56 = tpu.memref_slice %arg5[%dma_start3A_54, %dma_start3A_55] : memref<1003520x64xf32, #tpu.memory_space<hbm>> -> memref<1003520x64xf32, #tpu.memory_space<hbm>>
    tpu.enqueue_indirect_dma source(%dma_start3A_56 : memref<1003520x64xf32, #tpu.memory_space<hbm>>) target(%dma_start3A_50 : memref<128x64xf32, #tpu.memory_space<vmem>>) offsets(%dma_start3A_53 : memref<128xi32, #tpu.memory_space<vmem>>) semaphore(%arg12 : memref<!tpu.dma_semaphore, #tpu.memory_space<semaphore_mem>>)
    %dma_start3A_57 = arith.constant 3 : i32
    %dma_start3A_58 = arith.constant 0 : i32
    %dma_start3A_59 = arith.constant 384 : i32
    %dma_start3A_60 = arith.constant 0 : i32
    %dma_start3A_61 = tpu.memref_slice %arg10[%dma_start3A_58, %dma_start3A_59, %dma_start3A_60] : memref<2x512x64xf32, #tpu.memory_space<vmem>> -> memref<1x128x64xf32, #tpu.memory_space<vmem>>
    %dma_start3A_62 = tpu.memref_squeeze %dma_start3A_61 : memref<1x128x64xf32, #tpu.memory_space<vmem>> -> memref<128x64xf32, #tpu.memory_space<vmem>>
    %dma_start3A_63 = arith.constant 0 : i32
    %dma_start3A_64 = tpu.memref_slice %arg7[%dma_start3A_57, %dma_start3A_63] : memref<200x128xi32, #tpu.memory_space<vmem>> -> memref<1x128xi32, #tpu.memory_space<vmem>>
    %dma_start3A_65 = tpu.memref_squeeze %dma_start3A_64 : memref<1x128xi32, #tpu.memory_space<vmem>> -> memref<128xi32, #tpu.memory_space<vmem>>
    %dma_start3A_66 = arith.constant 0 : i32
    %dma_start3A_67 = arith.constant 0 : i32
    %dma_start3A_68 = tpu.memref_slice %arg5[%dma_start3A_66, %dma_start3A_67] : memref<1003520x64xf32, #tpu.memory_space<hbm>> -> memref<1003520x64xf32, #tpu.memory_space<hbm>>
    tpu.enqueue_indirect_dma source(%dma_start3A_68 : memref<1003520x64xf32, #tpu.memory_space<hbm>>) target(%dma_start3A_62 : memref<128x64xf32, #tpu.memory_space<vmem>>) offsets(%dma_start3A_65 : memref<128xi32, #tpu.memory_space<vmem>>) semaphore(%arg12 : memref<!tpu.dma_semaphore, #tpu.memory_space<semaphore_mem>>)
    %scan3A = arith.constant 0 : i32
    %scan3A_69 = arith.constant 0 : i32
    %scan3A_70 = arith.constant 49 : i32
    %scan3A_71 = arith.addi %scan3A_69, %scan3A_70 : i32
    %scan3A_72 = arith.constant 1 : i32
    scf.for %scan3A_776 = %scan3A_69 to %scan3A_71 step %scan3A_72  : i32 {
      %rem3A_777 = arith.constant 2 : i32
      %rem3A_778 = arith.remsi %scan3A_776, %rem3A_777 : i32
      %dma_wait3A_779 = arith.constant 0 : i32
      %dma_wait3A_780 = arith.constant 0 : i32
      %dma_wait3A_781 = arith.constant 0 : i32
      %dma_wait3A_782 = tpu.memref_slice %arg10[%rem3A_778, %dma_wait3A_780, %dma_wait3A_781] : memref<2x512x64xf32, #tpu.memory_space<vmem>> -> memref<1x128x64xf32, #tpu.memory_space<vmem>>
      %dma_wait3A_783 = tpu.memref_squeeze %dma_wait3A_782 : memref<1x128x64xf32, #tpu.memory_space<vmem>> -> memref<128x64xf32, #tpu.memory_space<vmem>>
      %dma_wait3A_784 = arith.constant 0 : i32
      %dma_wait3A_785 = tpu.memref_slice %arg7[%dma_wait3A_779, %dma_wait3A_784] : memref<200x128xi32, #tpu.memory_space<vmem>> -> memref<1x128xi32, #tpu.memory_space<vmem>>
      %dma_wait3A_786 = tpu.memref_squeeze %dma_wait3A_785 : memref<1x128xi32, #tpu.memory_space<vmem>> -> memref<128xi32, #tpu.memory_space<vmem>>
      %dma_wait3A_787 = arith.constant 0 : i32
      %dma_wait3A_788 = arith.constant 0 : i32
      %dma_wait3A_789 = tpu.memref_slice %arg5[%dma_wait3A_787, %dma_wait3A_788] : memref<1003520x64xf32, #tpu.memory_space<hbm>> -> memref<1003520x64xf32, #tpu.memory_space<hbm>>
      tpu.wait_indirect_dma semaphore(%arg12 : memref<!tpu.dma_semaphore, #tpu.memory_space<semaphore_mem>>) src(%dma_wait3A_789 : memref<1003520x64xf32, #tpu.memory_space<hbm>>) dst(%dma_wait3A_783 : memref<128x64xf32, #tpu.memory_space<vmem>>)
      %dma_wait3A_790 = arith.constant 0 : i32
      %dma_wait3A_791 = arith.constant 128 : i32
      %dma_wait3A_792 = arith.constant 0 : i32
      %dma_wait3A_793 = tpu.memref_slice %arg10[%rem3A_778, %dma_wait3A_791, %dma_wait3A_792] : memref<2x512x64xf32, #tpu.memory_space<vmem>> -> memref<1x128x64xf32, #tpu.memory_space<vmem>>
      %dma_wait3A_794 = tpu.memref_squeeze %dma_wait3A_793 : memref<1x128x64xf32, #tpu.memory_space<vmem>> -> memref<128x64xf32, #tpu.memory_space<vmem>>
      %dma_wait3A_795 = arith.constant 0 : i32
      %dma_wait3A_796 = tpu.memref_slice %arg7[%dma_wait3A_790, %dma_wait3A_795] : memref<200x128xi32, #tpu.memory_space<vmem>> -> memref<1x128xi32, #tpu.memory_space<vmem>>
      %dma_wait3A_797 = tpu.memref_squeeze %dma_wait3A_796 : memref<1x128xi32, #tpu.memory_space<vmem>> -> memref<128xi32, #tpu.memory_space<vmem>>
      %dma_wait3A_798 = arith.constant 0 : i32
      %dma_wait3A_799 = arith.constant 0 : i32
      %dma_wait3A_800 = tpu.memref_slice %arg5[%dma_wait3A_798, %dma_wait3A_799] : memref<1003520x64xf32, #tpu.memory_space<hbm>> -> memref<1003520x64xf32, #tpu.memory_space<hbm>>
      tpu.wait_indirect_dma semaphore(%arg12 : memref<!tpu.dma_semaphore, #tpu.memory_space<semaphore_mem>>) src(%dma_wait3A_800 : memref<1003520x64xf32, #tpu.memory_space<hbm>>) dst(%dma_wait3A_794 : memref<128x64xf32, #tpu.memory_space<vmem>>)
      %dma_wait3A_801 = arith.constant 0 : i32
      %dma_wait3A_802 = arith.constant 256 : i32
      %dma_wait3A_803 = arith.constant 0 : i32
      %dma_wait3A_804 = tpu.memref_slice %arg10[%rem3A_778, %dma_wait3A_802, %dma_wait3A_803] : memref<2x512x64xf32, #tpu.memory_space<vmem>> -> memref<1x128x64xf32, #tpu.memory_space<vmem>>
      %dma_wait3A_805 = tpu.memref_squeeze %dma_wait3A_804 : memref<1x128x64xf32, #tpu.memory_space<vmem>> -> memref<128x64xf32, #tpu.memory_space<vmem>>
      %dma_wait3A_806 = arith.constant 0 : i32
      %dma_wait3A_807 = tpu.memref_slice %arg7[%dma_wait3A_801, %dma_wait3A_806] : memref<200x128xi32, #tpu.memory_space<vmem>> -> memref<1x128xi32, #tpu.memory_space<vmem>>
      %dma_wait3A_808 = tpu.memref_squeeze %dma_wait3A_807 : memref<1x128xi32, #tpu.memory_space<vmem>> -> memref<128xi32, #tpu.memory_space<vmem>>
      %dma_wait3A_809 = arith.constant 0 : i32
      %dma_wait3A_810 = arith.constant 0 : i32
      %dma_wait3A_811 = tpu.memref_slice %arg5[%dma_wait3A_809, %dma_wait3A_810] : memref<1003520x64xf32, #tpu.memory_space<hbm>> -> memref<1003520x64xf32, #tpu.memory_space<hbm>>
      tpu.wait_indirect_dma semaphore(%arg12 : memref<!tpu.dma_semaphore, #tpu.memory_space<semaphore_mem>>) src(%dma_wait3A_811 : memref<1003520x64xf32, #tpu.memory_space<hbm>>) dst(%dma_wait3A_805 : memref<128x64xf32, #tpu.memory_space<vmem>>)
      %dma_wait3A_812 = arith.constant 0 : i32
      %dma_wait3A_813 = arith.constant 384 : i32
      %dma_wait3A_814 = arith.constant 0 : i32
      %dma_wait3A_815 = tpu.memref_slice %arg10[%rem3A_778, %dma_wait3A_813, %dma_wait3A_814] : memref<2x512x64xf32, #tpu.memory_space<vmem>> -> memref<1x128x64xf32, #tpu.memory_space<vmem>>
      %dma_wait3A_816 = tpu.memref_squeeze %dma_wait3A_815 : memref<1x128x64xf32, #tpu.memory_space<vmem>> -> memref<128x64xf32, #tpu.memory_space<vmem>>
      %dma_wait3A_817 = arith.constant 0 : i32
      %dma_wait3A_818 = tpu.memref_slice %arg7[%dma_wait3A_812, %dma_wait3A_817] : memref<200x128xi32, #tpu.memory_space<vmem>> -> memref<1x128xi32, #tpu.memory_space<vmem>>
      %dma_wait3A_819 = tpu.memref_squeeze %dma_wait3A_818 : memref<1x128xi32, #tpu.memory_space<vmem>> -> memref<128xi32, #tpu.memory_space<vmem>>
      %dma_wait3A_820 = arith.constant 0 : i32
      %dma_wait3A_821 = arith.constant 0 : i32
      %dma_wait3A_822 = tpu.memref_slice %arg5[%dma_wait3A_820, %dma_wait3A_821] : memref<1003520x64xf32, #tpu.memory_space<hbm>> -> memref<1003520x64xf32, #tpu.memory_space<hbm>>
      tpu.wait_indirect_dma semaphore(%arg12 : memref<!tpu.dma_semaphore, #tpu.memory_space<semaphore_mem>>) src(%dma_wait3A_822 : memref<1003520x64xf32, #tpu.memory_space<hbm>>) dst(%dma_wait3A_816 : memref<128x64xf32, #tpu.memory_space<vmem>>)
      %mul3A_823 = arith.constant 4 : i32
      %mul3A_824 = arith.muli %scan3A_776, %mul3A_823 : i32
      %add3A_825 = arith.constant 0 : i32
      %add3A_826 = arith.addi %mul3A_824, %add3A_825 : i32
      %jit3A_827 = arith.constant 25 : i32
      %div3A_828 = arith.divsi %add3A_826, %jit3A_827 : i32
      %sign3A_829 = arith.constant 0 : i32
      %sign3A_830 = arith.cmpi sgt, %add3A_826, %sign3A_829 : i32
      %sign3A_831 = arith.extui %sign3A_830 : i1 to i32
      %sign3A_832 = arith.constant 0 : i32
      %sign3A_833 = arith.cmpi slt, %add3A_826, %sign3A_832 : i32
      %sign3A_834 = arith.extui %sign3A_833 : i1 to i32
      %sign3A_835 = arith.subi %sign3A_831, %sign3A_834 : i32
      %sign3A_836 = arith.constant 0 : i32
      %sign3A_837 = arith.cmpi sgt, %jit3A_827, %sign3A_836 : i32
      %sign3A_838 = arith.extui %sign3A_837 : i1 to i32
      %sign3A_839 = arith.constant 0 : i32
      %sign3A_840 = arith.cmpi slt, %jit3A_827, %sign3A_839 : i32
      %sign3A_841 = arith.extui %sign3A_840 : i1 to i32
      %sign3A_842 = arith.subi %sign3A_838, %sign3A_841 : i32
      %ne3A_843 = arith.cmpi ne, %sign3A_835, %sign3A_842 : i32
      %rem3A_844 = arith.remsi %add3A_826, %jit3A_827 : i32
      %ne3A_845 = arith.constant 0 : i32
      %ne3A_846 = arith.cmpi ne, %rem3A_844, %ne3A_845 : i32
      %and3A_847 = arith.andi %ne3A_843, %ne3A_846 : i1
      %sub3A_848 = arith.constant 1 : i32
      %sub3A_849 = arith.subi %div3A_828, %sub3A_848 : i32
      %select_n3A_850 = arith.select %and3A_847, %sub3A_849, %div3A_828 : i32
      %jit3A_851 = arith.constant 25 : i32
      %eq3A = arith.constant 0 : i32
      %eq3A_852 = arith.cmpi eq, %jit3A_851, %eq3A : i32
      %jit3A_853 = arith.constant 1 : i32
      %select_n3A_854 = arith.select %eq3A_852, %jit3A_853, %jit3A_851 : i32
      %rem3A_855 = arith.remsi %add3A_826, %select_n3A_854 : i32
      %ne3A_856 = arith.constant 0 : i32
      %ne3A_857 = arith.cmpi ne, %rem3A_855, %ne3A_856 : i32
      %lt3A = arith.constant 0 : i32
      %lt3A_858 = arith.cmpi slt, %rem3A_855, %lt3A : i32
      %lt3A_859 = arith.constant 0 : i32
      %lt3A_860 = arith.cmpi slt, %select_n3A_854, %lt3A_859 : i32
      %ne3A_861 = arith.xori %lt3A_858, %lt3A_860 : i1
      %and3A_862 = arith.andi %ne3A_861, %ne3A_857 : i1
      %add3A_863 = arith.addi %rem3A_855, %select_n3A_854 : i32
      %select_n3A_864 = arith.select %and3A_862, %add3A_863, %rem3A_855 : i32
      %mul3A_865 = arith.constant 128 : i32
      %mul3A_866 = arith.muli %arg1, %mul3A_865 : i32
      %mul3A_867 = arith.constant 16 : i32
      %mul3A_868 = arith.muli %mul3A_867, %select_n3A_850 : i32
      %add3A_869 = arith.addi %mul3A_866, %mul3A_868 : i32
      %get3A_870 = arith.index_cast %select_n3A_864 : i32 to index
      %get3A_871 = arith.constant 0 : index
      %get3A_872 = tpu.vector_load %arg8[%get3A_870, %get3A_871] {strides = array<i32>} : memref<25x128xi32, #tpu.memory_space<vmem>>, vector<1x16xi32>,
      %get3A_873 = vector.shape_cast %get3A_872 : vector<1x16xi32> to vector<16xi32>
      %add3A_874 = vector.broadcast %add3A_869 : i32 to vector<16xi32>
      %add3A_875 = arith.addi %get3A_873, %add3A_874 : vector<16xi32>
      %swap3A_876 = arith.constant 0 : i32
      %swap3A_877 = arith.index_cast %rem3A_778 : i32 to index
      %swap3A_878 = arith.index_cast %swap3A_876 : i32 to index
      %swap3A_879 = arith.constant 0 : index
      %swap3A_880 = tpu.vector_load %arg9[%swap3A_877, %swap3A_878, %swap3A_879] {strides = array<i32>} : memref<2x4x128xi32, #tpu.memory_space<vmem>>, vector<1x1x16xi32>,
      %swap3A_881 = vector.shape_cast %swap3A_880 : vector<1x1x16xi32> to vector<16xi32>
      %swap3A_882 = vector.shape_cast %add3A_875 : vector<16xi32> to vector<1x1x16xi32>
      tpu.vector_store %arg9[%swap3A_877, %swap3A_878, %swap3A_879], %swap3A_882 {strides = array<i32>} : memref<2x4x128xi32, #tpu.memory_space<vmem>>, vector<1x1x16xi32>,
      %get3A_883 = arith.index_cast %select_n3A_864 : i32 to index
      %get3A_884 = arith.constant 16 : index
      %get3A_885 = tpu.vector_load %arg8[%get3A_883, %get3A_884] {strides = array<i32>} : memref<25x128xi32, #tpu.memory_space<vmem>>, vector<1x16xi32>,
      %get3A_886 = vector.shape_cast %get3A_885 : vector<1x16xi32> to vector<16xi32>
      %add3A_887 = vector.broadcast %add3A_869 : i32 to vector<16xi32>
      %add3A_888 = arith.addi %get3A_886, %add3A_887 : vector<16xi32>
      %swap3A_889 = arith.constant 0 : i32
      %swap3A_890 = arith.index_cast %rem3A_778 : i32 to index
      %swap3A_891 = arith.index_cast %swap3A_889 : i32 to index
      %swap3A_892 = arith.constant 16 : index
      %swap3A_893 = tpu.vector_load %arg9[%swap3A_890, %swap3A_891, %swap3A_892] {strides = array<i32>} : memref<2x4x128xi32, #tpu.memory_space<vmem>>, vector<1x1x16xi32>,
      %swap3A_894 = vector.shape_cast %swap3A_893 : vector<1x1x16xi32> to vector<16xi32>
      %swap3A_895 = vector.shape_cast %add3A_888 : vector<16xi32> to vector<1x1x16xi32>
      tpu.vector_store %arg9[%swap3A_890, %swap3A_891, %swap3A_892], %swap3A_895 {strides = array<i32>} : memref<2x4x128xi32, #tpu.memory_space<vmem>>, vector<1x1x16xi32>,
      %get3A_896 = arith.index_cast %select_n3A_864 : i32 to index
      %get3A_897 = arith.constant 32 : index
      %get3A_898 = tpu.vector_load %arg8[%get3A_896, %get3A_897] {strides = array<i32>} : memref<25x128xi32, #tpu.memory_space<vmem>>, vector<1x16xi32>,
      %get3A_899 = vector.shape_cast %get3A_898 : vector<1x16xi32> to vector<16xi32>
      %add3A_900 = vector.broadcast %add3A_869 : i32 to vector<16xi32>
      %add3A_901 = arith.addi %get3A_899, %add3A_900 : vector<16xi32>
      %swap3A_902 = arith.constant 0 : i32
      %swap3A_903 = arith.index_cast %rem3A_778 : i32 to index
      %swap3A_904 = arith.index_cast %swap3A_902 : i32 to index
      %swap3A_905 = arith.constant 32 : index
      %swap3A_906 = tpu.vector_load %arg9[%swap3A_903, %swap3A_904, %swap3A_905] {strides = array<i32>} : memref<2x4x128xi32, #tpu.memory_space<vmem>>, vector<1x1x16xi32>,
      %swap3A_907 = vector.shape_cast %swap3A_906 : vector<1x1x16xi32> to vector<16xi32>
      %swap3A_908 = vector.shape_cast %add3A_901 : vector<16xi32> to vector<1x1x16xi32>
      tpu.vector_store %arg9[%swap3A_903, %swap3A_904, %swap3A_905], %swap3A_908 {strides = array<i32>} : memref<2x4x128xi32, #tpu.memory_space<vmem>>, vector<1x1x16xi32>,
      %get3A_909 = arith.index_cast %select_n3A_864 : i32 to index
      %get3A_910 = arith.constant 48 : index
      %get3A_911 = tpu.vector_load %arg8[%get3A_909, %get3A_910] {strides = array<i32>} : memref<25x128xi32, #tpu.memory_space<vmem>>, vector<1x16xi32>,
      %get3A_912 = vector.shape_cast %get3A_911 : vector<1x16xi32> to vector<16xi32>
      %add3A_913 = vector.broadcast %add3A_869 : i32 to vector<16xi32>
      %add3A_914 = arith.addi %get3A_912, %add3A_913 : vector<16xi32>
      %swap3A_915 = arith.constant 0 : i32
      %swap3A_916 = arith.index_cast %rem3A_778 : i32 to index
      %swap3A_917 = arith.index_cast %swap3A_915 : i32 to index
      %swap3A_918 = arith.constant 48 : index
      %swap3A_919 = tpu.vector_load %arg9[%swap3A_916, %swap3A_917, %swap3A_918] {strides = array<i32>} : memref<2x4x128xi32, #tpu.memory_space<vmem>>, vector<1x1x16xi32>,
      %swap3A_920 = vector.shape_cast %swap3A_919 : vector<1x1x16xi32> to vector<16xi32>
      %swap3A_921 = vector.shape_cast %add3A_914 : vector<16xi32> to vector<1x1x16xi32>
      tpu.vector_store %arg9[%swap3A_916, %swap3A_917, %swap3A_918], %swap3A_921 {strides = array<i32>} : memref<2x4x128xi32, #tpu.memory_space<vmem>>, vector<1x1x16xi32>,
      %get3A_922 = arith.index_cast %select_n3A_864 : i32 to index
      %get3A_923 = arith.constant 64 : index
      %get3A_924 = tpu.vector_load %arg8[%get3A_922, %get3A_923] {strides = array<i32>} : memref<25x128xi32, #tpu.memory_space<vmem>>, vector<1x16xi32>,
      %get3A_925 = vector.shape_cast %get3A_924 : vector<1x16xi32> to vector<16xi32>
      %add3A_926 = vector.broadcast %add3A_869 : i32 to vector<16xi32>
      %add3A_927 = arith.addi %get3A_925, %add3A_926 : vector<16xi32>
      %swap3A_928 = arith.constant 0 : i32
      %swap3A_929 = arith.index_cast %rem3A_778 : i32 to index
      %swap3A_930 = arith.index_cast %swap3A_928 : i32 to index
      %swap3A_931 = arith.constant 64 : index
      %swap3A_932 = tpu.vector_load %arg9[%swap3A_929, %swap3A_930, %swap3A_931] {strides = array<i32>} : memref<2x4x128xi32, #tpu.memory_space<vmem>>, vector<1x1x16xi32>,
      %swap3A_933 = vector.shape_cast %swap3A_932 : vector<1x1x16xi32> to vector<16xi32>
      %swap3A_934 = vector.shape_cast %add3A_927 : vector<16xi32> to vector<1x1x16xi32>
      tpu.vector_store %arg9[%swap3A_929, %swap3A_930, %swap3A_931], %swap3A_934 {strides = array<i32>} : memref<2x4x128xi32, #tpu.memory_space<vmem>>, vector<1x1x16xi32>,
      %get3A_935 = arith.index_cast %select_n3A_864 : i32 to index
      %get3A_936 = arith.constant 80 : index
      %get3A_937 = tpu.vector_load %arg8[%get3A_935, %get3A_936] {strides = array<i32>} : memref<25x128xi32, #tpu.memory_space<vmem>>, vector<1x16xi32>,
      %get3A_938 = vector.shape_cast %get3A_937 : vector<1x16xi32> to vector<16xi32>
      %add3A_939 = vector.broadcast %add3A_869 : i32 to vector<16xi32>
      %add3A_940 = arith.addi %get3A_938, %add3A_939 : vector<16xi32>
      %swap3A_941 = arith.constant 0 : i32
      %swap3A_942 = arith.index_cast %rem3A_778 : i32 to index
      %swap3A_943 = arith.index_cast %swap3A_941 : i32 to index
      %swap3A_944 = arith.constant 80 : index
      %swap3A_945 = tpu.vector_load %arg9[%swap3A_942, %swap3A_943, %swap3A_944] {strides = array<i32>} : memref<2x4x128xi32, #tpu.memory_space<vmem>>, vector<1x1x16xi32>,
      %swap3A_946 = vector.shape_cast %swap3A_945 : vector<1x1x16xi32> to vector<16xi32>
      %swap3A_947 = vector.shape_cast %add3A_940 : vector<16xi32> to vector<1x1x16xi32>
      tpu.vector_store %arg9[%swap3A_942, %swap3A_943, %swap3A_944], %swap3A_947 {strides = array<i32>} : memref<2x4x128xi32, #tpu.memory_space<vmem>>, vector<1x1x16xi32>,
      %get3A_948 = arith.index_cast %select_n3A_864 : i32 to index
      %get3A_949 = arith.constant 96 : index
      %get3A_950 = tpu.vector_load %arg8[%get3A_948, %get3A_949] {strides = array<i32>} : memref<25x128xi32, #tpu.memory_space<vmem>>, vector<1x16xi32>,
      %get3A_951 = vector.shape_cast %get3A_950 : vector<1x16xi32> to vector<16xi32>
      %add3A_952 = vector.broadcast %add3A_869 : i32 to vector<16xi32>
      %add3A_953 = arith.addi %get3A_951, %add3A_952 : vector<16xi32>
      %swap3A_954 = arith.constant 0 : i32
      %swap3A_955 = arith.index_cast %rem3A_778 : i32 to index
      %swap3A_956 = arith.index_cast %swap3A_954 : i32 to index
      %swap3A_957 = arith.constant 96 : index
      %swap3A_958 = tpu.vector_load %arg9[%swap3A_955, %swap3A_956, %swap3A_957] {strides = array<i32>} : memref<2x4x128xi32, #tpu.memory_space<vmem>>, vector<1x1x16xi32>,
      %swap3A_959 = vector.shape_cast %swap3A_958 : vector<1x1x16xi32> to vector<16xi32>
      %swap3A_960 = vector.shape_cast %add3A_953 : vector<16xi32> to vector<1x1x16xi32>
      tpu.vector_store %arg9[%swap3A_955, %swap3A_956, %swap3A_957], %swap3A_960 {strides = array<i32>} : memref<2x4x128xi32, #tpu.memory_space<vmem>>, vector<1x1x16xi32>,
      %get3A_961 = arith.index_cast %select_n3A_864 : i32 to index
      %get3A_962 = arith.constant 112 : index
      %get3A_963 = tpu.vector_load %arg8[%get3A_961, %get3A_962] {strides = array<i32>} : memref<25x128xi32, #tpu.memory_space<vmem>>, vector<1x16xi32>,
      %get3A_964 = vector.shape_cast %get3A_963 : vector<1x16xi32> to vector<16xi32>
      %add3A_965 = vector.broadcast %add3A_869 : i32 to vector<16xi32>
      %add3A_966 = arith.addi %get3A_964, %add3A_965 : vector<16xi32>
      %swap3A_967 = arith.constant 0 : i32
      %swap3A_968 = arith.index_cast %rem3A_778 : i32 to index
      %swap3A_969 = arith.index_cast %swap3A_967 : i32 to index
      %swap3A_970 = arith.constant 112 : index
      %swap3A_971 = tpu.vector_load %arg9[%swap3A_968, %swap3A_969, %swap3A_970] {strides = array<i32>} : memref<2x4x128xi32, #tpu.memory_space<vmem>>, vector<1x1x16xi32>,
      %swap3A_972 = vector.shape_cast %swap3A_971 : vector<1x1x16xi32> to vector<16xi32>
      %swap3A_973 = vector.shape_cast %add3A_966 : vector<16xi32> to vector<1x1x16xi32>
      tpu.vector_store %arg9[%swap3A_968, %swap3A_969, %swap3A_970], %swap3A_973 {strides = array<i32>} : memref<2x4x128xi32, #tpu.memory_space<vmem>>, vector<1x1x16xi32>,
      %mul3A_974 = arith.constant 4 : i32
      %mul3A_975 = arith.muli %scan3A_776, %mul3A_974 : i32
      %add3A_976 = arith.constant 1 : i32
      %add3A_977 = arith.addi %mul3A_975, %add3A_976 : i32
      %jit3A_978 = arith.constant 25 : i32
      %div3A_979 = arith.divsi %add3A_977, %jit3A_978 : i32
      %sign3A_980 = arith.constant 0 : i32
      %sign3A_981 = arith.cmpi sgt, %add3A_977, %sign3A_980 : i32
      %sign3A_982 = arith.extui %sign3A_981 : i1 to i32
      %sign3A_983 = arith.constant 0 : i32
      %sign3A_984 = arith.cmpi slt, %add3A_977, %sign3A_983 : i32
      %sign3A_985 = arith.extui %sign3A_984 : i1 to i32
      %sign3A_986 = arith.subi %sign3A_982, %sign3A_985 : i32
      %sign3A_987 = arith.constant 0 : i32
      %sign3A_988 = arith.cmpi sgt, %jit3A_978, %sign3A_987 : i32
      %sign3A_989 = arith.extui %sign3A_988 : i1 to i32
      %sign3A_990 = arith.constant 0 : i32
      %sign3A_991 = arith.cmpi slt, %jit3A_978, %sign3A_990 : i32
      %sign3A_992 = arith.extui %sign3A_991 : i1 to i32
      %sign3A_993 = arith.subi %sign3A_989, %sign3A_992 : i32
      %ne3A_994 = arith.cmpi ne, %sign3A_986, %sign3A_993 : i32
      %rem3A_995 = arith.remsi %add3A_977, %jit3A_978 : i32
      %ne3A_996 = arith.constant 0 : i32
      %ne3A_997 = arith.cmpi ne, %rem3A_995, %ne3A_996 : i32
      %and3A_998 = arith.andi %ne3A_994, %ne3A_997 : i1
      %sub3A_999 = arith.constant 1 : i32
      %sub3A_1000 = arith.subi %div3A_979, %sub3A_999 : i32
      %select_n3A_1001 = arith.select %and3A_998, %sub3A_1000, %div3A_979 : i32
      %jit3A_1002 = arith.constant 25 : i32
      %eq3A_1003 = arith.constant 0 : i32
      %eq3A_1004 = arith.cmpi eq, %jit3A_1002, %eq3A_1003 : i32
      %jit3A_1005 = arith.constant 1 : i32
      %select_n3A_1006 = arith.select %eq3A_1004, %jit3A_1005, %jit3A_1002 : i32
      %rem3A_1007 = arith.remsi %add3A_977, %select_n3A_1006 : i32
      %ne3A_1008 = arith.constant 0 : i32
      %ne3A_1009 = arith.cmpi ne, %rem3A_1007, %ne3A_1008 : i32
      %lt3A_1010 = arith.constant 0 : i32
      %lt3A_1011 = arith.cmpi slt, %rem3A_1007, %lt3A_1010 : i32
      %lt3A_1012 = arith.constant 0 : i32
      %lt3A_1013 = arith.cmpi slt, %select_n3A_1006, %lt3A_1012 : i32
      %ne3A_1014 = arith.xori %lt3A_1011, %lt3A_1013 : i1
      %and3A_1015 = arith.andi %ne3A_1014, %ne3A_1009 : i1
      %add3A_1016 = arith.addi %rem3A_1007, %select_n3A_1006 : i32
      %select_n3A_1017 = arith.select %and3A_1015, %add3A_1016, %rem3A_1007 : i32
      %mul3A_1018 = arith.constant 128 : i32
      %mul3A_1019 = arith.muli %arg1, %mul3A_1018 : i32
      %mul3A_1020 = arith.constant 16 : i32
      %mul3A_1021 = arith.muli %mul3A_1020, %select_n3A_1001 : i32
      %add3A_1022 = arith.addi %mul3A_1019, %mul3A_1021 : i32
      %get3A_1023 = arith.index_cast %select_n3A_1017 : i32 to index
      %get3A_1024 = arith.constant 0 : index
      %get3A_1025 = tpu.vector_load %arg8[%get3A_1023, %get3A_1024] {strides = array<i32>} : memref<25x128xi32, #tpu.memory_space<vmem>>, vector<1x16xi32>,
      %get3A_1026 = vector.shape_cast %get3A_1025 : vector<1x16xi32> to vector<16xi32>
      %add3A_1027 = vector.broadcast %add3A_1022 : i32 to vector<16xi32>
      %add3A_1028 = arith.addi %get3A_1026, %add3A_1027 : vector<16xi32>
      %swap3A_1029 = arith.constant 1 : i32
      %swap3A_1030 = arith.index_cast %rem3A_778 : i32 to index
      %swap3A_1031 = arith.index_cast %swap3A_1029 : i32 to index
      %swap3A_1032 = arith.constant 0 : index
      %swap3A_1033 = tpu.vector_load %arg9[%swap3A_1030, %swap3A_1031, %swap3A_1032] {strides = array<i32>} : memref<2x4x128xi32, #tpu.memory_space<vmem>>, vector<1x1x16xi32>,
      %swap3A_1034 = vector.shape_cast %swap3A_1033 : vector<1x1x16xi32> to vector<16xi32>
      %swap3A_1035 = vector.shape_cast %add3A_1028 : vector<16xi32> to vector<1x1x16xi32>
      tpu.vector_store %arg9[%swap3A_1030, %swap3A_1031, %swap3A_1032], %swap3A_1035 {strides = array<i32>} : memref<2x4x128xi32, #tpu.memory_space<vmem>>, vector<1x1x16xi32>,
      %get3A_1036 = arith.index_cast %select_n3A_1017 : i32 to index
      %get3A_1037 = arith.constant 16 : index
      %get3A_1038 = tpu.vector_load %arg8[%get3A_1036, %get3A_1037] {strides = array<i32>} : memref<25x128xi32, #tpu.memory_space<vmem>>, vector<1x16xi32>,
      %get3A_1039 = vector.shape_cast %get3A_1038 : vector<1x16xi32> to vector<16xi32>
      %add3A_1040 = vector.broadcast %add3A_1022 : i32 to vector<16xi32>
      %add3A_1041 = arith.addi %get3A_1039, %add3A_1040 : vector<16xi32>
      %swap3A_1042 = arith.constant 1 : i32
      %swap3A_1043 = arith.index_cast %rem3A_778 : i32 to index
      %swap3A_1044 = arith.index_cast %swap3A_1042 : i32 to index
      %swap3A_1045 = arith.constant 16 : index
      %swap3A_1046 = tpu.vector_load %arg9[%swap3A_1043, %swap3A_1044, %swap3A_1045] {strides = array<i32>} : memref<2x4x128xi32, #tpu.memory_space<vmem>>, vector<1x1x16xi32>,
      %swap3A_1047 = vector.shape_cast %swap3A_1046 : vector<1x1x16xi32> to vector<16xi32>
      %swap3A_1048 = vector.shape_cast %add3A_1041 : vector<16xi32> to vector<1x1x16xi32>
      tpu.vector_store %arg9[%swap3A_1043, %swap3A_1044, %swap3A_1045], %swap3A_1048 {strides = array<i32>} : memref<2x4x128xi32, #tpu.memory_space<vmem>>, vector<1x1x16xi32>,
      %get3A_1049 = arith.index_cast %select_n3A_1017 : i32 to index
      %get3A_1050 = arith.constant 32 : index
      %get3A_1051 = tpu.vector_load %arg8[%get3A_1049, %get3A_1050] {strides = array<i32>} : memref<25x128xi32, #tpu.memory_space<vmem>>, vector<1x16xi32>,
      %get3A_1052 = vector.shape_cast %get3A_1051 : vector<1x16xi32> to vector<16xi32>
      %add3A_1053 = vector.broadcast %add3A_1022 : i32 to vector<16xi32>
      %add3A_1054 = arith.addi %get3A_1052, %add3A_1053 : vector<16xi32>
      %swap3A_1055 = arith.constant 1 : i32
      %swap3A_1056 = arith.index_cast %rem3A_778 : i32 to index
      %swap3A_1057 = arith.index_cast %swap3A_1055 : i32 to index
      %swap3A_1058 = arith.constant 32 : index
      %swap3A_1059 = tpu.vector_load %arg9[%swap3A_1056, %swap3A_1057, %swap3A_1058] {strides = array<i32>} : memref<2x4x128xi32, #tpu.memory_space<vmem>>, vector<1x1x16xi32>,
      %swap3A_1060 = vector.shape_cast %swap3A_1059 : vector<1x1x16xi32> to vector<16xi32>
      %swap3A_1061 = vector.shape_cast %add3A_1054 : vector<16xi32> to vector<1x1x16xi32>
      tpu.vector_store %arg9[%swap3A_1056, %swap3A_1057, %swap3A_1058], %swap3A_1061 {strides = array<i32>} : memref<2x4x128xi32, #tpu.memory_space<vmem>>, vector<1x1x16xi32>,
      %get3A_1062 = arith.index_cast %select_n3A_1017 : i32 to index
      %get3A_1063 = arith.constant 48 : index
      %get3A_1064 = tpu.vector_load %arg8[%get3A_1062, %get3A_1063] {strides = array<i32>} : memref<25x128xi32, #tpu.memory_space<vmem>>, vector<1x16xi32>,
      %get3A_1065 = vector.shape_cast %get3A_1064 : vector<1x16xi32> to vector<16xi32>
      %add3A_1066 = vector.broadcast %add3A_1022 : i32 to vector<16xi32>
      %add3A_1067 = arith.addi %get3A_1065, %add3A_1066 : vector<16xi32>
      %swap3A_1068 = arith.constant 1 : i32
      %swap3A_1069 = arith.index_cast %rem3A_778 : i32 to index
      %swap3A_1070 = arith.index_cast %swap3A_1068 : i32 to index
      %swap3A_1071 = arith.constant 48 : index
      %swap3A_1072 = tpu.vector_load %arg9[%swap3A_1069, %swap3A_1070, %swap3A_1071] {strides = array<i32>} : memref<2x4x128xi32, #tpu.memory_space<vmem>>, vector<1x1x16xi32>,
      %swap3A_1073 = vector.shape_cast %swap3A_1072 : vector<1x1x16xi32> to vector<16xi32>
      %swap3A_1074 = vector.shape_cast %add3A_1067 : vector<16xi32> to vector<1x1x16xi32>
      tpu.vector_store %arg9[%swap3A_1069, %swap3A_1070, %swap3A_1071], %swap3A_1074 {strides = array<i32>} : memref<2x4x128xi32, #tpu.memory_space<vmem>>, vector<1x1x16xi32>,
      %get3A_1075 = arith.index_cast %select_n3A_1017 : i32 to index
      %get3A_1076 = arith.constant 64 : index
      %get3A_1077 = tpu.vector_load %arg8[%get3A_1075, %get3A_1076] {strides = array<i32>} : memref<25x128xi32, #tpu.memory_space<vmem>>, vector<1x16xi32>,
      %get3A_1078 = vector.shape_cast %get3A_1077 : vector<1x16xi32> to vector<16xi32>
      %add3A_1079 = vector.broadcast %add3A_1022 : i32 to vector<16xi32>
      %add3A_1080 = arith.addi %get3A_1078, %add3A_1079 : vector<16xi32>
      %swap3A_1081 = arith.constant 1 : i32
      %swap3A_1082 = arith.index_cast %rem3A_778 : i32 to index
      %swap3A_1083 = arith.index_cast %swap3A_1081 : i32 to index
      %swap3A_1084 = arith.constant 64 : index
      %swap3A_1085 = tpu.vector_load %arg9[%swap3A_1082, %swap3A_1083, %swap3A_1084] {strides = array<i32>} : memref<2x4x128xi32, #tpu.memory_space<vmem>>, vector<1x1x16xi32>,
      %swap3A_1086 = vector.shape_cast %swap3A_1085 : vector<1x1x16xi32> to vector<16xi32>
      %swap3A_1087 = vector.shape_cast %add3A_1080 : vector<16xi32> to vector<1x1x16xi32>
      tpu.vector_store %arg9[%swap3A_1082, %swap3A_1083, %swap3A_1084], %swap3A_1087 {strides = array<i32>} : memref<2x4x128xi32, #tpu.memory_space<vmem>>, vector<1x1x16xi32>,
      %get3A_1088 = arith.index_cast %select_n3A_1017 : i32 to index
      %get3A_1089 = arith.constant 80 : index
      %get3A_1090 = tpu.vector_load %arg8[%get3A_1088, %get3A_1089] {strides = array<i32>} : memref<25x128xi32, #tpu.memory_space<vmem>>, vector<1x16xi32>,
      %get3A_1091 = vector.shape_cast %get3A_1090 : vector<1x16xi32> to vector<16xi32>
      %add3A_1092 = vector.broadcast %add3A_1022 : i32 to vector<16xi32>
      %add3A_1093 = arith.addi %get3A_1091, %add3A_1092 : vector<16xi32>
      %swap3A_1094 = arith.constant 1 : i32
      %swap3A_1095 = arith.index_cast %rem3A_778 : i32 to index
      %swap3A_1096 = arith.index_cast %swap3A_1094 : i32 to index
      %swap3A_1097 = arith.constant 80 : index
      %swap3A_1098 = tpu.vector_load %arg9[%swap3A_1095, %swap3A_1096, %swap3A_1097] {strides = array<i32>} : memref<2x4x128xi32, #tpu.memory_space<vmem>>, vector<1x1x16xi32>,
      %swap3A_1099 = vector.shape_cast %swap3A_1098 : vector<1x1x16xi32> to vector<16xi32>
      %swap3A_1100 = vector.shape_cast %add3A_1093 : vector<16xi32> to vector<1x1x16xi32>
      tpu.vector_store %arg9[%swap3A_1095, %swap3A_1096, %swap3A_1097], %swap3A_1100 {strides = array<i32>} : memref<2x4x128xi32, #tpu.memory_space<vmem>>, vector<1x1x16xi32>,
      %get3A_1101 = arith.index_cast %select_n3A_1017 : i32 to index
      %get3A_1102 = arith.constant 96 : index
      %get3A_1103 = tpu.vector_load %arg8[%get3A_1101, %get3A_1102] {strides = array<i32>} : memref<25x128xi32, #tpu.memory_space<vmem>>, vector<1x16xi32>,
      %get3A_1104 = vector.shape_cast %get3A_1103 : vector<1x16xi32> to vector<16xi32>
      %add3A_1105 = vector.broadcast %add3A_1022 : i32 to vector<16xi32>
      %add3A_1106 = arith.addi %get3A_1104, %add3A_1105 : vector<16xi32>
      %swap3A_1107 = arith.constant 1 : i32
      %swap3A_1108 = arith.index_cast %rem3A_778 : i32 to index
      %swap3A_1109 = arith.index_cast %swap3A_1107 : i32 to index
      %swap3A_1110 = arith.constant 96 : index
      %swap3A_1111 = tpu.vector_load %arg9[%swap3A_1108, %swap3A_1109, %swap3A_1110] {strides = array<i32>} : memref<2x4x128xi32, #tpu.memory_space<vmem>>, vector<1x1x16xi32>,
      %swap3A_1112 = vector.shape_cast %swap3A_1111 : vector<1x1x16xi32> to vector<16xi32>
      %swap3A_1113 = vector.shape_cast %add3A_1106 : vector<16xi32> to vector<1x1x16xi32>
      tpu.vector_store %arg9[%swap3A_1108, %swap3A_1109, %swap3A_1110], %swap3A_1113 {strides = array<i32>} : memref<2x4x128xi32, #tpu.memory_space<vmem>>, vector<1x1x16xi32>,
      %get3A_1114 = arith.index_cast %select_n3A_1017 : i32 to index
      %get3A_1115 = arith.constant 112 : index
      %get3A_1116 = tpu.vector_load %arg8[%get3A_1114, %get3A_1115] {strides = array<i32>} : memref<25x128xi32, #tpu.memory_space<vmem>>, vector<1x16xi32>,
      %get3A_1117 = vector.shape_cast %get3A_1116 : vector<1x16xi32> to vector<16xi32>
      %add3A_1118 = vector.broadcast %add3A_1022 : i32 to vector<16xi32>
      %add3A_1119 = arith.addi %get3A_1117, %add3A_1118 : vector<16xi32>
      %swap3A_1120 = arith.constant 1 : i32
      %swap3A_1121 = arith.index_cast %rem3A_778 : i32 to index
      %swap3A_1122 = arith.index_cast %swap3A_1120 : i32 to index
      %swap3A_1123 = arith.constant 112 : index
      %swap3A_1124 = tpu.vector_load %arg9[%swap3A_1121, %swap3A_1122, %swap3A_1123] {strides = array<i32>} : memref<2x4x128xi32, #tpu.memory_space<vmem>>, vector<1x1x16xi32>,
      %swap3A_1125 = vector.shape_cast %swap3A_1124 : vector<1x1x16xi32> to vector<16xi32>
      %swap3A_1126 = vector.shape_cast %add3A_1119 : vector<16xi32> to vector<1x1x16xi32>
      tpu.vector_store %arg9[%swap3A_1121, %swap3A_1122, %swap3A_1123], %swap3A_1126 {strides = array<i32>} : memref<2x4x128xi32, #tpu.memory_space<vmem>>, vector<1x1x16xi32>,
      %mul3A_1127 = arith.constant 4 : i32
      %mul3A_1128 = arith.muli %scan3A_776, %mul3A_1127 : i32
      %add3A_1129 = arith.constant 2 : i32
      %add3A_1130 = arith.addi %mul3A_1128, %add3A_1129 : i32
      %jit3A_1131 = arith.constant 25 : i32
      %div3A_1132 = arith.divsi %add3A_1130, %jit3A_1131 : i32
      %sign3A_1133 = arith.constant 0 : i32
      %sign3A_1134 = arith.cmpi sgt, %add3A_1130, %sign3A_1133 : i32
      %sign3A_1135 = arith.extui %sign3A_1134 : i1 to i32
      %sign3A_1136 = arith.constant 0 : i32
      %sign3A_1137 = arith.cmpi slt, %add3A_1130, %sign3A_1136 : i32
      %sign3A_1138 = arith.extui %sign3A_1137 : i1 to i32
      %sign3A_1139 = arith.subi %sign3A_1135, %sign3A_1138 : i32
      %sign3A_1140 = arith.constant 0 : i32
      %sign3A_1141 = arith.cmpi sgt, %jit3A_1131, %sign3A_1140 : i32
      %sign3A_1142 = arith.extui %sign3A_1141 : i1 to i32
      %sign3A_1143 = arith.constant 0 : i32
      %sign3A_1144 = arith.cmpi slt, %jit3A_1131, %sign3A_1143 : i32
      %sign3A_1145 = arith.extui %sign3A_1144 : i1 to i32
      %sign3A_1146 = arith.subi %sign3A_1142, %sign3A_1145 : i32
      %ne3A_1147 = arith.cmpi ne, %sign3A_1139, %sign3A_1146 : i32
      %rem3A_1148 = arith.remsi %add3A_1130, %jit3A_1131 : i32
      %ne3A_1149 = arith.constant 0 : i32
      %ne3A_1150 = arith.cmpi ne, %rem3A_1148, %ne3A_1149 : i32
      %and3A_1151 = arith.andi %ne3A_1147, %ne3A_1150 : i1
      %sub3A_1152 = arith.constant 1 : i32
      %sub3A_1153 = arith.subi %div3A_1132, %sub3A_1152 : i32
      %select_n3A_1154 = arith.select %and3A_1151, %sub3A_1153, %div3A_1132 : i32
      %jit3A_1155 = arith.constant 25 : i32
      %eq3A_1156 = arith.constant 0 : i32
      %eq3A_1157 = arith.cmpi eq, %jit3A_1155, %eq3A_1156 : i32
      %jit3A_1158 = arith.constant 1 : i32
      %select_n3A_1159 = arith.select %eq3A_1157, %jit3A_1158, %jit3A_1155 : i32
      %rem3A_1160 = arith.remsi %add3A_1130, %select_n3A_1159 : i32
      %ne3A_1161 = arith.constant 0 : i32
      %ne3A_1162 = arith.cmpi ne, %rem3A_1160, %ne3A_1161 : i32
      %lt3A_1163 = arith.constant 0 : i32
      %lt3A_1164 = arith.cmpi slt, %rem3A_1160, %lt3A_1163 : i32
      %lt3A_1165 = arith.constant 0 : i32
      %lt3A_1166 = arith.cmpi slt, %select_n3A_1159, %lt3A_1165 : i32
      %ne3A_1167 = arith.xori %lt3A_1164, %lt3A_1166 : i1
      %and3A_1168 = arith.andi %ne3A_1167, %ne3A_1162 : i1
      %add3A_1169 = arith.addi %rem3A_1160, %select_n3A_1159 : i32
      %select_n3A_1170 = arith.select %and3A_1168, %add3A_1169, %rem3A_1160 : i32
      %mul3A_1171 = arith.constant 128 : i32
      %mul3A_1172 = arith.muli %arg1, %mul3A_1171 : i32
      %mul3A_1173 = arith.constant 16 : i32
      %mul3A_1174 = arith.muli %mul3A_1173, %select_n3A_1154 : i32
      %add3A_1175 = arith.addi %mul3A_1172, %mul3A_1174 : i32
      %get3A_1176 = arith.index_cast %select_n3A_1170 : i32 to index
      %get3A_1177 = arith.constant 0 : index
      %get3A_1178 = tpu.vector_load %arg8[%get3A_1176, %get3A_1177] {strides = array<i32>} : memref<25x128xi32, #tpu.memory_space<vmem>>, vector<1x16xi32>,
      %get3A_1179 = vector.shape_cast %get3A_1178 : vector<1x16xi32> to vector<16xi32>
      %add3A_1180 = vector.broadcast %add3A_1175 : i32 to vector<16xi32>
      %add3A_1181 = arith.addi %get3A_1179, %add3A_1180 : vector<16xi32>
      %swap3A_1182 = arith.constant 2 : i32
      %swap3A_1183 = arith.index_cast %rem3A_778 : i32 to index
      %swap3A_1184 = arith.index_cast %swap3A_1182 : i32 to index
      %swap3A_1185 = arith.constant 0 : index
      %swap3A_1186 = tpu.vector_load %arg9[%swap3A_1183, %swap3A_1184, %swap3A_1185] {strides = array<i32>} : memref<2x4x128xi32, #tpu.memory_space<vmem>>, vector<1x1x16xi32>,
      %swap3A_1187 = vector.shape_cast %swap3A_1186 : vector<1x1x16xi32> to vector<16xi32>
      %swap3A_1188 = vector.shape_cast %add3A_1181 : vector<16xi32> to vector<1x1x16xi32>
      tpu.vector_store %arg9[%swap3A_1183, %swap3A_1184, %swap3A_1185], %swap3A_1188 {strides = array<i32>} : memref<2x4x128xi32, #tpu.memory_space<vmem>>, vector<1x1x16xi32>,
      %get3A_1189 = arith.index_cast %select_n3A_1170 : i32 to index
      %get3A_1190 = arith.constant 16 : index
      %get3A_1191 = tpu.vector_load %arg8[%get3A_1189, %get3A_1190] {strides = array<i32>} : memref<25x128xi32, #tpu.memory_space<vmem>>, vector<1x16xi32>,
      %get3A_1192 = vector.shape_cast %get3A_1191 : vector<1x16xi32> to vector<16xi32>
      %add3A_1193 = vector.broadcast %add3A_1175 : i32 to vector<16xi32>
      %add3A_1194 = arith.addi %get3A_1192, %add3A_1193 : vector<16xi32>
      %swap3A_1195 = arith.constant 2 : i32
      %swap3A_1196 = arith.index_cast %rem3A_778 : i32 to index
      %swap3A_1197 = arith.index_cast %swap3A_1195 : i32 to index
      %swap3A_1198 = arith.constant 16 : index
      %swap3A_1199 = tpu.vector_load %arg9[%swap3A_1196, %swap3A_1197, %swap3A_1198] {strides = array<i32>} : memref<2x4x128xi32, #tpu.memory_space<vmem>>, vector<1x1x16xi32>,
      %swap3A_1200 = vector.shape_cast %swap3A_1199 : vector<1x1x16xi32> to vector<16xi32>
      %swap3A_1201 = vector.shape_cast %add3A_1194 : vector<16xi32> to vector<1x1x16xi32>
      tpu.vector_store %arg9[%swap3A_1196, %swap3A_1197, %swap3A_1198], %swap3A_1201 {strides = array<i32>} : memref<2x4x128xi32, #tpu.memory_space<vmem>>, vector<1x1x16xi32>,
      %get3A_1202 = arith.index_cast %select_n3A_1170 : i32 to index
      %get3A_1203 = arith.constant 32 : index
      %get3A_1204 = tpu.vector_load %arg8[%get3A_1202, %get3A_1203] {strides = array<i32>} : memref<25x128xi32, #tpu.memory_space<vmem>>, vector<1x16xi32>,
      %get3A_1205 = vector.shape_cast %get3A_1204 : vector<1x16xi32> to vector<16xi32>
      %add3A_1206 = vector.broadcast %add3A_1175 : i32 to vector<16xi32>
      %add3A_1207 = arith.addi %get3A_1205, %add3A_1206 : vector<16xi32>
      %swap3A_1208 = arith.constant 2 : i32
      %swap3A_1209 = arith.index_cast %rem3A_778 : i32 to index
      %swap3A_1210 = arith.index_cast %swap3A_1208 : i32 to index
      %swap3A_1211 = arith.constant 32 : index
      %swap3A_1212 = tpu.vector_load %arg9[%swap3A_1209, %swap3A_1210, %swap3A_1211] {strides = array<i32>} : memref<2x4x128xi32, #tpu.memory_space<vmem>>, vector<1x1x16xi32>,
      %swap3A_1213 = vector.shape_cast %swap3A_1212 : vector<1x1x16xi32> to vector<16xi32>
      %swap3A_1214 = vector.shape_cast %add3A_1207 : vector<16xi32> to vector<1x1x16xi32>
      tpu.vector_store %arg9[%swap3A_1209, %swap3A_1210, %swap3A_1211], %swap3A_1214 {strides = array<i32>} : memref<2x4x128xi32, #tpu.memory_space<vmem>>, vector<1x1x16xi32>,
      %get3A_1215 = arith.index_cast %select_n3A_1170 : i32 to index
      %get3A_1216 = arith.constant 48 : index
      %get3A_1217 = tpu.vector_load %arg8[%get3A_1215, %get3A_1216] {strides = array<i32>} : memref<25x128xi32, #tpu.memory_space<vmem>>, vector<1x16xi32>,
      %get3A_1218 = vector.shape_cast %get3A_1217 : vector<1x16xi32> to vector<16xi32>
      %add3A_1219 = vector.broadcast %add3A_1175 : i32 to vector<16xi32>
      %add3A_1220 = arith.addi %get3A_1218, %add3A_1219 : vector<16xi32>
      %swap3A_1221 = arith.constant 2 : i32
      %swap3A_1222 = arith.index_cast %rem3A_778 : i32 to index
      %swap3A_1223 = arith.index_cast %swap3A_1221 : i32 to index
      %swap3A_1224 = arith.constant 48 : index
      %swap3A_1225 = tpu.vector_load %arg9[%swap3A_1222, %swap3A_1223, %swap3A_1224] {strides = array<i32>} : memref<2x4x128xi32, #tpu.memory_space<vmem>>, vector<1x1x16xi32>,
      %swap3A_1226 = vector.shape_cast %swap3A_1225 : vector<1x1x16xi32> to vector<16xi32>
      %swap3A_1227 = vector.shape_cast %add3A_1220 : vector<16xi32> to vector<1x1x16xi32>
      tpu.vector_store %arg9[%swap3A_1222, %swap3A_1223, %swap3A_1224], %swap3A_1227 {strides = array<i32>} : memref<2x4x128xi32, #tpu.memory_space<vmem>>, vector<1x1x16xi32>,
      %get3A_1228 = arith.index_cast %select_n3A_1170 : i32 to index
      %get3A_1229 = arith.constant 64 : index
      %get3A_1230 = tpu.vector_load %arg8[%get3A_1228, %get3A_1229] {strides = array<i32>} : memref<25x128xi32, #tpu.memory_space<vmem>>, vector<1x16xi32>,
      %get3A_1231 = vector.shape_cast %get3A_1230 : vector<1x16xi32> to vector<16xi32>
      %add3A_1232 = vector.broadcast %add3A_1175 : i32 to vector<16xi32>
      %add3A_1233 = arith.addi %get3A_1231, %add3A_1232 : vector<16xi32>
      %swap3A_1234 = arith.constant 2 : i32
      %swap3A_1235 = arith.index_cast %rem3A_778 : i32 to index
      %swap3A_1236 = arith.index_cast %swap3A_1234 : i32 to index
      %swap3A_1237 = arith.constant 64 : index
      %swap3A_1238 = tpu.vector_load %arg9[%swap3A_1235, %swap3A_1236, %swap3A_1237] {strides = array<i32>} : memref<2x4x128xi32, #tpu.memory_space<vmem>>, vector<1x1x16xi32>,
      %swap3A_1239 = vector.shape_cast %swap3A_1238 : vector<1x1x16xi32> to vector<16xi32>
      %swap3A_1240 = vector.shape_cast %add3A_1233 : vector<16xi32> to vector<1x1x16xi32>
      tpu.vector_store %arg9[%swap3A_1235, %swap3A_1236, %swap3A_1237], %swap3A_1240 {strides = array<i32>} : memref<2x4x128xi32, #tpu.memory_space<vmem>>, vector<1x1x16xi32>,
      %get3A_1241 = arith.index_cast %select_n3A_1170 : i32 to index
      %get3A_1242 = arith.constant 80 : index
      %get3A_1243 = tpu.vector_load %arg8[%get3A_1241, %get3A_1242] {strides = array<i32>} : memref<25x128xi32, #tpu.memory_space<vmem>>, vector<1x16xi32>,
      %get3A_1244 = vector.shape_cast %get3A_1243 : vector<1x16xi32> to vector<16xi32>
      %add3A_1245 = vector.broadcast %add3A_1175 : i32 to vector<16xi32>
      %add3A_1246 = arith.addi %get3A_1244, %add3A_1245 : vector<16xi32>
      %swap3A_1247 = arith.constant 2 : i32
      %swap3A_1248 = arith.index_cast %rem3A_778 : i32 to index
      %swap3A_1249 = arith.index_cast %swap3A_1247 : i32 to index
      %swap3A_1250 = arith.constant 80 : index
      %swap3A_1251 = tpu.vector_load %arg9[%swap3A_1248, %swap3A_1249, %swap3A_1250] {strides = array<i32>} : memref<2x4x128xi32, #tpu.memory_space<vmem>>, vector<1x1x16xi32>,
      %swap3A_1252 = vector.shape_cast %swap3A_1251 : vector<1x1x16xi32> to vector<16xi32>
      %swap3A_1253 = vector.shape_cast %add3A_1246 : vector<16xi32> to vector<1x1x16xi32>
      tpu.vector_store %arg9[%swap3A_1248, %swap3A_1249, %swap3A_1250], %swap3A_1253 {strides = array<i32>} : memref<2x4x128xi32, #tpu.memory_space<vmem>>, vector<1x1x16xi32>,
      %get3A_1254 = arith.index_cast %select_n3A_1170 : i32 to index
      %get3A_1255 = arith.constant 96 : index
      %get3A_1256 = tpu.vector_load %arg8[%get3A_1254, %get3A_1255] {strides = array<i32>} : memref<25x128xi32, #tpu.memory_space<vmem>>, vector<1x16xi32>,
      %get3A_1257 = vector.shape_cast %get3A_1256 : vector<1x16xi32> to vector<16xi32>
      %add3A_1258 = vector.broadcast %add3A_1175 : i32 to vector<16xi32>
      %add3A_1259 = arith.addi %get3A_1257, %add3A_1258 : vector<16xi32>
      %swap3A_1260 = arith.constant 2 : i32
      %swap3A_1261 = arith.index_cast %rem3A_778 : i32 to index
      %swap3A_1262 = arith.index_cast %swap3A_1260 : i32 to index
      %swap3A_1263 = arith.constant 96 : index
      %swap3A_1264 = tpu.vector_load %arg9[%swap3A_1261, %swap3A_1262, %swap3A_1263] {strides = array<i32>} : memref<2x4x128xi32, #tpu.memory_space<vmem>>, vector<1x1x16xi32>,
      %swap3A_1265 = vector.shape_cast %swap3A_1264 : vector<1x1x16xi32> to vector<16xi32>
      %swap3A_1266 = vector.shape_cast %add3A_1259 : vector<16xi32> to vector<1x1x16xi32>
      tpu.vector_store %arg9[%swap3A_1261, %swap3A_1262, %swap3A_1263], %swap3A_1266 {strides = array<i32>} : memref<2x4x128xi32, #tpu.memory_space<vmem>>, vector<1x1x16xi32>,
      %get3A_1267 = arith.index_cast %select_n3A_1170 : i32 to index
      %get3A_1268 = arith.constant 112 : index
      %get3A_1269 = tpu.vector_load %arg8[%get3A_1267, %get3A_1268] {strides = array<i32>} : memref<25x128xi32, #tpu.memory_space<vmem>>, vector<1x16xi32>,
      %get3A_1270 = vector.shape_cast %get3A_1269 : vector<1x16xi32> to vector<16xi32>
      %add3A_1271 = vector.broadcast %add3A_1175 : i32 to vector<16xi32>
      %add3A_1272 = arith.addi %get3A_1270, %add3A_1271 : vector<16xi32>
      %swap3A_1273 = arith.constant 2 : i32
      %swap3A_1274 = arith.index_cast %rem3A_778 : i32 to index
      %swap3A_1275 = arith.index_cast %swap3A_1273 : i32 to index
      %swap3A_1276 = arith.constant 112 : index
      %swap3A_1277 = tpu.vector_load %arg9[%swap3A_1274, %swap3A_1275, %swap3A_1276] {strides = array<i32>} : memref<2x4x128xi32, #tpu.memory_space<vmem>>, vector<1x1x16xi32>,
      %swap3A_1278 = vector.shape_cast %swap3A_1277 : vector<1x1x16xi32> to vector<16xi32>
      %swap3A_1279 = vector.shape_cast %add3A_1272 : vector<16xi32> to vector<1x1x16xi32>
      tpu.vector_store %arg9[%swap3A_1274, %swap3A_1275, %swap3A_1276], %swap3A_1279 {strides = array<i32>} : memref<2x4x128xi32, #tpu.memory_space<vmem>>, vector<1x1x16xi32>,
      %mul3A_1280 = arith.constant 4 : i32
      %mul3A_1281 = arith.muli %scan3A_776, %mul3A_1280 : i32
      %add3A_1282 = arith.constant 3 : i32
      %add3A_1283 = arith.addi %mul3A_1281, %add3A_1282 : i32
      %jit3A_1284 = arith.constant 25 : i32
      %div3A_1285 = arith.divsi %add3A_1283, %jit3A_1284 : i32
      %sign3A_1286 = arith.constant 0 : i32
      %sign3A_1287 = arith.cmpi sgt, %add3A_1283, %sign3A_1286 : i32
      %sign3A_1288 = arith.extui %sign3A_1287 : i1 to i32
      %sign3A_1289 = arith.constant 0 : i32
      %sign3A_1290 = arith.cmpi slt, %add3A_1283, %sign3A_1289 : i32
      %sign3A_1291 = arith.extui %sign3A_1290 : i1 to i32
      %sign3A_1292 = arith.subi %sign3A_1288, %sign3A_1291 : i32
      %sign3A_1293 = arith.constant 0 : i32
      %sign3A_1294 = arith.cmpi sgt, %jit3A_1284, %sign3A_1293 : i32
      %sign3A_1295 = arith.extui %sign3A_1294 : i1 to i32
      %sign3A_1296 = arith.constant 0 : i32
      %sign3A_1297 = arith.cmpi slt, %jit3A_1284, %sign3A_1296 : i32
      %sign3A_1298 = arith.extui %sign3A_1297 : i1 to i32
      %sign3A_1299 = arith.subi %sign3A_1295, %sign3A_1298 : i32
      %ne3A_1300 = arith.cmpi ne, %sign3A_1292, %sign3A_1299 : i32
      %rem3A_1301 = arith.remsi %add3A_1283, %jit3A_1284 : i32
      %ne3A_1302 = arith.constant 0 : i32
      %ne3A_1303 = arith.cmpi ne, %rem3A_1301, %ne3A_1302 : i32
      %and3A_1304 = arith.andi %ne3A_1300, %ne3A_1303 : i1
      %sub3A_1305 = arith.constant 1 : i32
      %sub3A_1306 = arith.subi %div3A_1285, %sub3A_1305 : i32
      %select_n3A_1307 = arith.select %and3A_1304, %sub3A_1306, %div3A_1285 : i32
      %jit3A_1308 = arith.constant 25 : i32
      %eq3A_1309 = arith.constant 0 : i32
      %eq3A_1310 = arith.cmpi eq, %jit3A_1308, %eq3A_1309 : i32
      %jit3A_1311 = arith.constant 1 : i32
      %select_n3A_1312 = arith.select %eq3A_1310, %jit3A_1311, %jit3A_1308 : i32
      %rem3A_1313 = arith.remsi %add3A_1283, %select_n3A_1312 : i32
      %ne3A_1314 = arith.constant 0 : i32
      %ne3A_1315 = arith.cmpi ne, %rem3A_1313, %ne3A_1314 : i32
      %lt3A_1316 = arith.constant 0 : i32
      %lt3A_1317 = arith.cmpi slt, %rem3A_1313, %lt3A_1316 : i32
      %lt3A_1318 = arith.constant 0 : i32
      %lt3A_1319 = arith.cmpi slt, %select_n3A_1312, %lt3A_1318 : i32
      %ne3A_1320 = arith.xori %lt3A_1317, %lt3A_1319 : i1
      %and3A_1321 = arith.andi %ne3A_1320, %ne3A_1315 : i1
      %add3A_1322 = arith.addi %rem3A_1313, %select_n3A_1312 : i32
      %select_n3A_1323 = arith.select %and3A_1321, %add3A_1322, %rem3A_1313 : i32
      %mul3A_1324 = arith.constant 128 : i32
      %mul3A_1325 = arith.muli %arg1, %mul3A_1324 : i32
      %mul3A_1326 = arith.constant 16 : i32
      %mul3A_1327 = arith.muli %mul3A_1326, %select_n3A_1307 : i32
      %add3A_1328 = arith.addi %mul3A_1325, %mul3A_1327 : i32
      %get3A_1329 = arith.index_cast %select_n3A_1323 : i32 to index
      %get3A_1330 = arith.constant 0 : index
      %get3A_1331 = tpu.vector_load %arg8[%get3A_1329, %get3A_1330] {strides = array<i32>} : memref<25x128xi32, #tpu.memory_space<vmem>>, vector<1x16xi32>,
      %get3A_1332 = vector.shape_cast %get3A_1331 : vector<1x16xi32> to vector<16xi32>
      %add3A_1333 = vector.broadcast %add3A_1328 : i32 to vector<16xi32>
      %add3A_1334 = arith.addi %get3A_1332, %add3A_1333 : vector<16xi32>
      %swap3A_1335 = arith.constant 3 : i32
      %swap3A_1336 = arith.index_cast %rem3A_778 : i32 to index
      %swap3A_1337 = arith.index_cast %swap3A_1335 : i32 to index
      %swap3A_1338 = arith.constant 0 : index
      %swap3A_1339 = tpu.vector_load %arg9[%swap3A_1336, %swap3A_1337, %swap3A_1338] {strides = array<i32>} : memref<2x4x128xi32, #tpu.memory_space<vmem>>, vector<1x1x16xi32>,
      %swap3A_1340 = vector.shape_cast %swap3A_1339 : vector<1x1x16xi32> to vector<16xi32>
      %swap3A_1341 = vector.shape_cast %add3A_1334 : vector<16xi32> to vector<1x1x16xi32>
      tpu.vector_store %arg9[%swap3A_1336, %swap3A_1337, %swap3A_1338], %swap3A_1341 {strides = array<i32>} : memref<2x4x128xi32, #tpu.memory_space<vmem>>, vector<1x1x16xi32>,
      %get3A_1342 = arith.index_cast %select_n3A_1323 : i32 to index
      %get3A_1343 = arith.constant 16 : index
      %get3A_1344 = tpu.vector_load %arg8[%get3A_1342, %get3A_1343] {strides = array<i32>} : memref<25x128xi32, #tpu.memory_space<vmem>>, vector<1x16xi32>,
      %get3A_1345 = vector.shape_cast %get3A_1344 : vector<1x16xi32> to vector<16xi32>
      %add3A_1346 = vector.broadcast %add3A_1328 : i32 to vector<16xi32>
      %add3A_1347 = arith.addi %get3A_1345, %add3A_1346 : vector<16xi32>
      %swap3A_1348 = arith.constant 3 : i32
      %swap3A_1349 = arith.index_cast %rem3A_778 : i32 to index
      %swap3A_1350 = arith.index_cast %swap3A_1348 : i32 to index
      %swap3A_1351 = arith.constant 16 : index
      %swap3A_1352 = tpu.vector_load %arg9[%swap3A_1349, %swap3A_1350, %swap3A_1351] {strides = array<i32>} : memref<2x4x128xi32, #tpu.memory_space<vmem>>, vector<1x1x16xi32>,
      %swap3A_1353 = vector.shape_cast %swap3A_1352 : vector<1x1x16xi32> to vector<16xi32>
      %swap3A_1354 = vector.shape_cast %add3A_1347 : vector<16xi32> to vector<1x1x16xi32>
      tpu.vector_store %arg9[%swap3A_1349, %swap3A_1350, %swap3A_1351], %swap3A_1354 {strides = array<i32>} : memref<2x4x128xi32, #tpu.memory_space<vmem>>, vector<1x1x16xi32>,
      %get3A_1355 = arith.index_cast %select_n3A_1323 : i32 to index
      %get3A_1356 = arith.constant 32 : index
      %get3A_1357 = tpu.vector_load %arg8[%get3A_1355, %get3A_1356] {strides = array<i32>} : memref<25x128xi32, #tpu.memory_space<vmem>>, vector<1x16xi32>,
      %get3A_1358 = vector.shape_cast %get3A_1357 : vector<1x16xi32> to vector<16xi32>
      %add3A_1359 = vector.broadcast %add3A_1328 : i32 to vector<16xi32>
      %add3A_1360 = arith.addi %get3A_1358, %add3A_1359 : vector<16xi32>
      %swap3A_1361 = arith.constant 3 : i32
      %swap3A_1362 = arith.index_cast %rem3A_778 : i32 to index
      %swap3A_1363 = arith.index_cast %swap3A_1361 : i32 to index
      %swap3A_1364 = arith.constant 32 : index
      %swap3A_1365 = tpu.vector_load %arg9[%swap3A_1362, %swap3A_1363, %swap3A_1364] {strides = array<i32>} : memref<2x4x128xi32, #tpu.memory_space<vmem>>, vector<1x1x16xi32>,
      %swap3A_1366 = vector.shape_cast %swap3A_1365 : vector<1x1x16xi32> to vector<16xi32>
      %swap3A_1367 = vector.shape_cast %add3A_1360 : vector<16xi32> to vector<1x1x16xi32>
      tpu.vector_store %arg9[%swap3A_1362, %swap3A_1363, %swap3A_1364], %swap3A_1367 {strides = array<i32>} : memref<2x4x128xi32, #tpu.memory_space<vmem>>, vector<1x1x16xi32>,
      %get3A_1368 = arith.index_cast %select_n3A_1323 : i32 to index
      %get3A_1369 = arith.constant 48 : index
      %get3A_1370 = tpu.vector_load %arg8[%get3A_1368, %get3A_1369] {strides = array<i32>} : memref<25x128xi32, #tpu.memory_space<vmem>>, vector<1x16xi32>,
      %get3A_1371 = vector.shape_cast %get3A_1370 : vector<1x16xi32> to vector<16xi32>
      %add3A_1372 = vector.broadcast %add3A_1328 : i32 to vector<16xi32>
      %add3A_1373 = arith.addi %get3A_1371, %add3A_1372 : vector<16xi32>
      %swap3A_1374 = arith.constant 3 : i32
      %swap3A_1375 = arith.index_cast %rem3A_778 : i32 to index
      %swap3A_1376 = arith.index_cast %swap3A_1374 : i32 to index
      %swap3A_1377 = arith.constant 48 : index
      %swap3A_1378 = tpu.vector_load %arg9[%swap3A_1375, %swap3A_1376, %swap3A_1377] {strides = array<i32>} : memref<2x4x128xi32, #tpu.memory_space<vmem>>, vector<1x1x16xi32>,
      %swap3A_1379 = vector.shape_cast %swap3A_1378 : vector<1x1x16xi32> to vector<16xi32>
      %swap3A_1380 = vector.shape_cast %add3A_1373 : vector<16xi32> to vector<1x1x16xi32>
      tpu.vector_store %arg9[%swap3A_1375, %swap3A_1376, %swap3A_1377], %swap3A_1380 {strides = array<i32>} : memref<2x4x128xi32, #tpu.memory_space<vmem>>, vector<1x1x16xi32>,
      %get3A_1381 = arith.index_cast %select_n3A_1323 : i32 to index
      %get3A_1382 = arith.constant 64 : index
      %get3A_1383 = tpu.vector_load %arg8[%get3A_1381, %get3A_1382] {strides = array<i32>} : memref<25x128xi32, #tpu.memory_space<vmem>>, vector<1x16xi32>,
      %get3A_1384 = vector.shape_cast %get3A_1383 : vector<1x16xi32> to vector<16xi32>
      %add3A_1385 = vector.broadcast %add3A_1328 : i32 to vector<16xi32>
      %add3A_1386 = arith.addi %get3A_1384, %add3A_1385 : vector<16xi32>
      %swap3A_1387 = arith.constant 3 : i32
      %swap3A_1388 = arith.index_cast %rem3A_778 : i32 to index
      %swap3A_1389 = arith.index_cast %swap3A_1387 : i32 to index
      %swap3A_1390 = arith.constant 64 : index
      %swap3A_1391 = tpu.vector_load %arg9[%swap3A_1388, %swap3A_1389, %swap3A_1390] {strides = array<i32>} : memref<2x4x128xi32, #tpu.memory_space<vmem>>, vector<1x1x16xi32>,
      %swap3A_1392 = vector.shape_cast %swap3A_1391 : vector<1x1x16xi32> to vector<16xi32>
      %swap3A_1393 = vector.shape_cast %add3A_1386 : vector<16xi32> to vector<1x1x16xi32>
      tpu.vector_store %arg9[%swap3A_1388, %swap3A_1389, %swap3A_1390], %swap3A_1393 {strides = array<i32>} : memref<2x4x128xi32, #tpu.memory_space<vmem>>, vector<1x1x16xi32>,
      %get3A_1394 = arith.index_cast %select_n3A_1323 : i32 to index
      %get3A_1395 = arith.constant 80 : index
      %get3A_1396 = tpu.vector_load %arg8[%get3A_1394, %get3A_1395] {strides = array<i32>} : memref<25x128xi32, #tpu.memory_space<vmem>>, vector<1x16xi32>,
      %get3A_1397 = vector.shape_cast %get3A_1396 : vector<1x16xi32> to vector<16xi32>
      %add3A_1398 = vector.broadcast %add3A_1328 : i32 to vector<16xi32>
      %add3A_1399 = arith.addi %get3A_1397, %add3A_1398 : vector<16xi32>
      %swap3A_1400 = arith.constant 3 : i32
      %swap3A_1401 = arith.index_cast %rem3A_778 : i32 to index
      %swap3A_1402 = arith.index_cast %swap3A_1400 : i32 to index
      %swap3A_1403 = arith.constant 80 : index
      %swap3A_1404 = tpu.vector_load %arg9[%swap3A_1401, %swap3A_1402, %swap3A_1403] {strides = array<i32>} : memref<2x4x128xi32, #tpu.memory_space<vmem>>, vector<1x1x16xi32>,
      %swap3A_1405 = vector.shape_cast %swap3A_1404 : vector<1x1x16xi32> to vector<16xi32>
      %swap3A_1406 = vector.shape_cast %add3A_1399 : vector<16xi32> to vector<1x1x16xi32>
      tpu.vector_store %arg9[%swap3A_1401, %swap3A_1402, %swap3A_1403], %swap3A_1406 {strides = array<i32>} : memref<2x4x128xi32, #tpu.memory_space<vmem>>, vector<1x1x16xi32>,
      %get3A_1407 = arith.index_cast %select_n3A_1323 : i32 to index
      %get3A_1408 = arith.constant 96 : index
      %get3A_1409 = tpu.vector_load %arg8[%get3A_1407, %get3A_1408] {strides = array<i32>} : memref<25x128xi32, #tpu.memory_space<vmem>>, vector<1x16xi32>,
      %get3A_1410 = vector.shape_cast %get3A_1409 : vector<1x16xi32> to vector<16xi32>
      %add3A_1411 = vector.broadcast %add3A_1328 : i32 to vector<16xi32>
      %add3A_1412 = arith.addi %get3A_1410, %add3A_1411 : vector<16xi32>
      %swap3A_1413 = arith.constant 3 : i32
      %swap3A_1414 = arith.index_cast %rem3A_778 : i32 to index
      %swap3A_1415 = arith.index_cast %swap3A_1413 : i32 to index
      %swap3A_1416 = arith.constant 96 : index
      %swap3A_1417 = tpu.vector_load %arg9[%swap3A_1414, %swap3A_1415, %swap3A_1416] {strides = array<i32>} : memref<2x4x128xi32, #tpu.memory_space<vmem>>, vector<1x1x16xi32>,
      %swap3A_1418 = vector.shape_cast %swap3A_1417 : vector<1x1x16xi32> to vector<16xi32>
      %swap3A_1419 = vector.shape_cast %add3A_1412 : vector<16xi32> to vector<1x1x16xi32>
      tpu.vector_store %arg9[%swap3A_1414, %swap3A_1415, %swap3A_1416], %swap3A_1419 {strides = array<i32>} : memref<2x4x128xi32, #tpu.memory_space<vmem>>, vector<1x1x16xi32>,
      %get3A_1420 = arith.index_cast %select_n3A_1323 : i32 to index
      %get3A_1421 = arith.constant 112 : index
      %get3A_1422 = tpu.vector_load %arg8[%get3A_1420, %get3A_1421] {strides = array<i32>} : memref<25x128xi32, #tpu.memory_space<vmem>>, vector<1x16xi32>,
      %get3A_1423 = vector.shape_cast %get3A_1422 : vector<1x16xi32> to vector<16xi32>
      %add3A_1424 = vector.broadcast %add3A_1328 : i32 to vector<16xi32>
      %add3A_1425 = arith.addi %get3A_1423, %add3A_1424 : vector<16xi32>
      %swap3A_1426 = arith.constant 3 : i32
      %swap3A_1427 = arith.index_cast %rem3A_778 : i32 to index
      %swap3A_1428 = arith.index_cast %swap3A_1426 : i32 to index
      %swap3A_1429 = arith.constant 112 : index
      %swap3A_1430 = tpu.vector_load %arg9[%swap3A_1427, %swap3A_1428, %swap3A_1429] {strides = array<i32>} : memref<2x4x128xi32, #tpu.memory_space<vmem>>, vector<1x1x16xi32>,
      %swap3A_1431 = vector.shape_cast %swap3A_1430 : vector<1x1x16xi32> to vector<16xi32>
      %swap3A_1432 = vector.shape_cast %add3A_1425 : vector<16xi32> to vector<1x1x16xi32>
      tpu.vector_store %arg9[%swap3A_1427, %swap3A_1428, %swap3A_1429], %swap3A_1432 {strides = array<i32>} : memref<2x4x128xi32, #tpu.memory_space<vmem>>, vector<1x1x16xi32>,
      %dma_start3A_1433 = arith.constant 0 : i32
      %dma_start3A_1434 = arith.constant 0 : i32
      %dma_start3A_1435 = arith.constant 0 : i32
      %dma_start3A_1436 = arith.constant 0 : i32
      %dma_start3A_1437 = tpu.memref_slice %arg10[%rem3A_778, %dma_start3A_1435, %dma_start3A_1436] : memref<2x512x64xf32, #tpu.memory_space<vmem>> -> memref<1x128x64xf32, #tpu.memory_space<vmem>>
      %dma_start3A_1438 = tpu.memref_squeeze %dma_start3A_1437 : memref<1x128x64xf32, #tpu.memory_space<vmem>> -> memref<128x64xf32, #tpu.memory_space<vmem>>
      %dma_start3A_1439 = arith.constant 0 : i32
      %dma_start3A_1440 = tpu.memref_slice %arg9[%rem3A_778, %dma_start3A_1434, %dma_start3A_1439] : memref<2x4x128xi32, #tpu.memory_space<vmem>> -> memref<1x1x128xi32, #tpu.memory_space<vmem>>
      %dma_start3A_1441 = tpu.memref_squeeze %dma_start3A_1440 : memref<1x1x128xi32, #tpu.memory_space<vmem>> -> memref<128xi32, #tpu.memory_space<vmem>>
      %dma_start3A_1442 = arith.constant 0 : i32
      %dma_start3A_1443 = arith.constant 0 : i32
      %dma_start3A_1444 = tpu.memref_slice %arg11[%dma_start3A_1433, %dma_start3A_1442, %dma_start3A_1443] : memref<2x2048x64xf32, #tpu.memory_space<vmem_shared>> -> memref<1x2048x64xf32, #tpu.memory_space<vmem_shared>>
      %dma_start3A_1445 = tpu.memref_squeeze %dma_start3A_1444 : memref<1x2048x64xf32, #tpu.memory_space<vmem_shared>> -> memref<2048x64xf32, #tpu.memory_space<vmem_shared>>
      %dma_start3A_1446 = arith.constant 0 : i32
      %dma_start3A_1447 = arith.constant 0 : i32
      %dma_start3A_1448 = tpu.memref_slice %dma_start3A_1445[%dma_start3A_1446, %dma_start3A_1447] : memref<2048x64xf32, #tpu.memory_space<vmem_shared>> -> memref<2048x64xf32, #tpu.memory_space<vmem_shared>>
      tpu.enqueue_indirect_dma source(%dma_start3A_1438 : memref<128x64xf32, #tpu.memory_space<vmem>>) target(%dma_start3A_1448 : memref<2048x64xf32, #tpu.memory_space<vmem_shared>>) offsets(%dma_start3A_1441 : memref<128xi32, #tpu.memory_space<vmem>>) semaphore(%arg13 : memref<!tpu.dma_semaphore, #tpu.memory_space<semaphore_mem>>) {add = true}
      %dma_wait3A_1449 = arith.constant 0 : i32
      %dma_wait3A_1450 = arith.constant 0 : i32
      %dma_wait3A_1451 = arith.constant 0 : i32
      %dma_wait3A_1452 = arith.constant 0 : i32
      %dma_wait3A_1453 = tpu.memref_slice %arg10[%rem3A_778, %dma_wait3A_1451, %dma_wait3A_1452] : memref<2x512x64xf32, #tpu.memory_space<vmem>> -> memref<1x128x64xf32, #tpu.memory_space<vmem>>
      %dma_wait3A_1454 = tpu.memref_squeeze %dma_wait3A_1453 : memref<1x128x64xf32, #tpu.memory_space<vmem>> -> memref<128x64xf32, #tpu.memory_space<vmem>>
      %dma_wait3A_1455 = arith.constant 0 : i32
      %dma_wait3A_1456 = tpu.memref_slice %arg9[%rem3A_778, %dma_wait3A_1450, %dma_wait3A_1455] : memref<2x4x128xi32, #tpu.memory_space<vmem>> -> memref<1x1x128xi32, #tpu.memory_space<vmem>>
      %dma_wait3A_1457 = tpu.memref_squeeze %dma_wait3A_1456 : memref<1x1x128xi32, #tpu.memory_space<vmem>> -> memref<128xi32, #tpu.memory_space<vmem>>
      %dma_wait3A_1458 = arith.constant 0 : i32
      %dma_wait3A_1459 = arith.constant 0 : i32
      %dma_wait3A_1460 = tpu.memref_slice %arg11[%dma_wait3A_1449, %dma_wait3A_1458, %dma_wait3A_1459] : memref<2x2048x64xf32, #tpu.memory_space<vmem_shared>> -> memref<1x2048x64xf32, #tpu.memory_space<vmem_shared>>
      %dma_wait3A_1461 = tpu.memref_squeeze %dma_wait3A_1460 : memref<1x2048x64xf32, #tpu.memory_space<vmem_shared>> -> memref<2048x64xf32, #tpu.memory_space<vmem_shared>>
      %dma_wait3A_1462 = arith.constant 0 : i32
      %dma_wait3A_1463 = arith.constant 0 : i32
      %dma_wait3A_1464 = tpu.memref_slice %dma_wait3A_1461[%dma_wait3A_1462, %dma_wait3A_1463] : memref<2048x64xf32, #tpu.memory_space<vmem_shared>> -> memref<2048x64xf32, #tpu.memory_space<vmem_shared>>
      tpu.wait_indirect_dma semaphore(%arg13 : memref<!tpu.dma_semaphore, #tpu.memory_space<semaphore_mem>>) src(%dma_wait3A_1454 : memref<128x64xf32, #tpu.memory_space<vmem>>) dst(%dma_wait3A_1464 : memref<2048x64xf32, #tpu.memory_space<vmem_shared>>)
      %dma_start3A_1465 = arith.constant 1 : i32
      %dma_start3A_1466 = arith.constant 1 : i32
      %dma_start3A_1467 = arith.constant 128 : i32
      %dma_start3A_1468 = arith.constant 0 : i32
      %dma_start3A_1469 = tpu.memref_slice %arg10[%rem3A_778, %dma_start3A_1467, %dma_start3A_1468] : memref<2x512x64xf32, #tpu.memory_space<vmem>> -> memref<1x128x64xf32, #tpu.memory_space<vmem>>
      %dma_start3A_1470 = tpu.memref_squeeze %dma_start3A_1469 : memref<1x128x64xf32, #tpu.memory_space<vmem>> -> memref<128x64xf32, #tpu.memory_space<vmem>>
      %dma_start3A_1471 = arith.constant 0 : i32
      %dma_start3A_1472 = tpu.memref_slice %arg9[%rem3A_778, %dma_start3A_1466, %dma_start3A_1471] : memref<2x4x128xi32, #tpu.memory_space<vmem>> -> memref<1x1x128xi32, #tpu.memory_space<vmem>>
      %dma_start3A_1473 = tpu.memref_squeeze %dma_start3A_1472 : memref<1x1x128xi32, #tpu.memory_space<vmem>> -> memref<128xi32, #tpu.memory_space<vmem>>
      %dma_start3A_1474 = arith.constant 0 : i32
      %dma_start3A_1475 = arith.constant 0 : i32
      %dma_start3A_1476 = tpu.memref_slice %arg11[%dma_start3A_1465, %dma_start3A_1474, %dma_start3A_1475] : memref<2x2048x64xf32, #tpu.memory_space<vmem_shared>> -> memref<1x2048x64xf32, #tpu.memory_space<vmem_shared>>
      %dma_start3A_1477 = tpu.memref_squeeze %dma_start3A_1476 : memref<1x2048x64xf32, #tpu.memory_space<vmem_shared>> -> memref<2048x64xf32, #tpu.memory_space<vmem_shared>>
      %dma_start3A_1478 = arith.constant 0 : i32
      %dma_start3A_1479 = arith.constant 0 : i32
      %dma_start3A_1480 = tpu.memref_slice %dma_start3A_1477[%dma_start3A_1478, %dma_start3A_1479] : memref<2048x64xf32, #tpu.memory_space<vmem_shared>> -> memref<2048x64xf32, #tpu.memory_space<vmem_shared>>
      tpu.enqueue_indirect_dma source(%dma_start3A_1470 : memref<128x64xf32, #tpu.memory_space<vmem>>) target(%dma_start3A_1480 : memref<2048x64xf32, #tpu.memory_space<vmem_shared>>) offsets(%dma_start3A_1473 : memref<128xi32, #tpu.memory_space<vmem>>) semaphore(%arg13 : memref<!tpu.dma_semaphore, #tpu.memory_space<semaphore_mem>>) {add = true}
      %dma_wait3A_1481 = arith.constant 1 : i32
      %dma_wait3A_1482 = arith.constant 1 : i32
      %dma_wait3A_1483 = arith.constant 128 : i32
      %dma_wait3A_1484 = arith.constant 0 : i32
      %dma_wait3A_1485 = tpu.memref_slice %arg10[%rem3A_778, %dma_wait3A_1483, %dma_wait3A_1484] : memref<2x512x64xf32, #tpu.memory_space<vmem>> -> memref<1x128x64xf32, #tpu.memory_space<vmem>>
      %dma_wait3A_1486 = tpu.memref_squeeze %dma_wait3A_1485 : memref<1x128x64xf32, #tpu.memory_space<vmem>> -> memref<128x64xf32, #tpu.memory_space<vmem>>
      %dma_wait3A_1487 = arith.constant 0 : i32
      %dma_wait3A_1488 = tpu.memref_slice %arg9[%rem3A_778, %dma_wait3A_1482, %dma_wait3A_1487] : memref<2x4x128xi32, #tpu.memory_space<vmem>> -> memref<1x1x128xi32, #tpu.memory_space<vmem>>
      %dma_wait3A_1489 = tpu.memref_squeeze %dma_wait3A_1488 : memref<1x1x128xi32, #tpu.memory_space<vmem>> -> memref<128xi32, #tpu.memory_space<vmem>>
      %dma_wait3A_1490 = arith.constant 0 : i32
      %dma_wait3A_1491 = arith.constant 0 : i32
      %dma_wait3A_1492 = tpu.memref_slice %arg11[%dma_wait3A_1481, %dma_wait3A_1490, %dma_wait3A_1491] : memref<2x2048x64xf32, #tpu.memory_space<vmem_shared>> -> memref<1x2048x64xf32, #tpu.memory_space<vmem_shared>>
      %dma_wait3A_1493 = tpu.memref_squeeze %dma_wait3A_1492 : memref<1x2048x64xf32, #tpu.memory_space<vmem_shared>> -> memref<2048x64xf32, #tpu.memory_space<vmem_shared>>
      %dma_wait3A_1494 = arith.constant 0 : i32
      %dma_wait3A_1495 = arith.constant 0 : i32
      %dma_wait3A_1496 = tpu.memref_slice %dma_wait3A_1493[%dma_wait3A_1494, %dma_wait3A_1495] : memref<2048x64xf32, #tpu.memory_space<vmem_shared>> -> memref<2048x64xf32, #tpu.memory_space<vmem_shared>>
      tpu.wait_indirect_dma semaphore(%arg13 : memref<!tpu.dma_semaphore, #tpu.memory_space<semaphore_mem>>) src(%dma_wait3A_1486 : memref<128x64xf32, #tpu.memory_space<vmem>>) dst(%dma_wait3A_1496 : memref<2048x64xf32, #tpu.memory_space<vmem_shared>>)
      %dma_start3A_1497 = arith.constant 0 : i32
      %dma_start3A_1498 = arith.constant 2 : i32
      %dma_start3A_1499 = arith.constant 256 : i32
      %dma_start3A_1500 = arith.constant 0 : i32
      %dma_start3A_1501 = tpu.memref_slice %arg10[%rem3A_778, %dma_start3A_1499, %dma_start3A_1500] : memref<2x512x64xf32, #tpu.memory_space<vmem>> -> memref<1x128x64xf32, #tpu.memory_space<vmem>>
      %dma_start3A_1502 = tpu.memref_squeeze %dma_start3A_1501 : memref<1x128x64xf32, #tpu.memory_space<vmem>> -> memref<128x64xf32, #tpu.memory_space<vmem>>
      %dma_start3A_1503 = arith.constant 0 : i32
      %dma_start3A_1504 = tpu.memref_slice %arg9[%rem3A_778, %dma_start3A_1498, %dma_start3A_1503] : memref<2x4x128xi32, #tpu.memory_space<vmem>> -> memref<1x1x128xi32, #tpu.memory_space<vmem>>
      %dma_start3A_1505 = tpu.memref_squeeze %dma_start3A_1504 : memref<1x1x128xi32, #tpu.memory_space<vmem>> -> memref<128xi32, #tpu.memory_space<vmem>>
      %dma_start3A_1506 = arith.constant 0 : i32
      %dma_start3A_1507 = arith.constant 0 : i32
      %dma_start3A_1508 = tpu.memref_slice %arg11[%dma_start3A_1497, %dma_start3A_1506, %dma_start3A_1507] : memref<2x2048x64xf32, #tpu.memory_space<vmem_shared>> -> memref<1x2048x64xf32, #tpu.memory_space<vmem_shared>>
      %dma_start3A_1509 = tpu.memref_squeeze %dma_start3A_1508 : memref<1x2048x64xf32, #tpu.memory_space<vmem_shared>> -> memref<2048x64xf32, #tpu.memory_space<vmem_shared>>
      %dma_start3A_1510 = arith.constant 0 : i32
      %dma_start3A_1511 = arith.constant 0 : i32
      %dma_start3A_1512 = tpu.memref_slice %dma_start3A_1509[%dma_start3A_1510, %dma_start3A_1511] : memref<2048x64xf32, #tpu.memory_space<vmem_shared>> -> memref<2048x64xf32, #tpu.memory_space<vmem_shared>>
      tpu.enqueue_indirect_dma source(%dma_start3A_1502 : memref<128x64xf32, #tpu.memory_space<vmem>>) target(%dma_start3A_1512 : memref<2048x64xf32, #tpu.memory_space<vmem_shared>>) offsets(%dma_start3A_1505 : memref<128xi32, #tpu.memory_space<vmem>>) semaphore(%arg13 : memref<!tpu.dma_semaphore, #tpu.memory_space<semaphore_mem>>) {add = true}
      %dma_wait3A_1513 = arith.constant 0 : i32
      %dma_wait3A_1514 = arith.constant 2 : i32
      %dma_wait3A_1515 = arith.constant 256 : i32
      %dma_wait3A_1516 = arith.constant 0 : i32
      %dma_wait3A_1517 = tpu.memref_slice %arg10[%rem3A_778, %dma_wait3A_1515, %dma_wait3A_1516] : memref<2x512x64xf32, #tpu.memory_space<vmem>> -> memref<1x128x64xf32, #tpu.memory_space<vmem>>
      %dma_wait3A_1518 = tpu.memref_squeeze %dma_wait3A_1517 : memref<1x128x64xf32, #tpu.memory_space<vmem>> -> memref<128x64xf32, #tpu.memory_space<vmem>>
      %dma_wait3A_1519 = arith.constant 0 : i32
      %dma_wait3A_1520 = tpu.memref_slice %arg9[%rem3A_778, %dma_wait3A_1514, %dma_wait3A_1519] : memref<2x4x128xi32, #tpu.memory_space<vmem>> -> memref<1x1x128xi32, #tpu.memory_space<vmem>>
      %dma_wait3A_1521 = tpu.memref_squeeze %dma_wait3A_1520 : memref<1x1x128xi32, #tpu.memory_space<vmem>> -> memref<128xi32, #tpu.memory_space<vmem>>
      %dma_wait3A_1522 = arith.constant 0 : i32
      %dma_wait3A_1523 = arith.constant 0 : i32
      %dma_wait3A_1524 = tpu.memref_slice %arg11[%dma_wait3A_1513, %dma_wait3A_1522, %dma_wait3A_1523] : memref<2x2048x64xf32, #tpu.memory_space<vmem_shared>> -> memref<1x2048x64xf32, #tpu.memory_space<vmem_shared>>
      %dma_wait3A_1525 = tpu.memref_squeeze %dma_wait3A_1524 : memref<1x2048x64xf32, #tpu.memory_space<vmem_shared>> -> memref<2048x64xf32, #tpu.memory_space<vmem_shared>>
      %dma_wait3A_1526 = arith.constant 0 : i32
      %dma_wait3A_1527 = arith.constant 0 : i32
      %dma_wait3A_1528 = tpu.memref_slice %dma_wait3A_1525[%dma_wait3A_1526, %dma_wait3A_1527] : memref<2048x64xf32, #tpu.memory_space<vmem_shared>> -> memref<2048x64xf32, #tpu.memory_space<vmem_shared>>
      tpu.wait_indirect_dma semaphore(%arg13 : memref<!tpu.dma_semaphore, #tpu.memory_space<semaphore_mem>>) src(%dma_wait3A_1518 : memref<128x64xf32, #tpu.memory_space<vmem>>) dst(%dma_wait3A_1528 : memref<2048x64xf32, #tpu.memory_space<vmem_shared>>)
      %dma_start3A_1529 = arith.constant 1 : i32
      %dma_start3A_1530 = arith.constant 3 : i32
      %dma_start3A_1531 = arith.constant 384 : i32
      %dma_start3A_1532 = arith.constant 0 : i32
      %dma_start3A_1533 = tpu.memref_slice %arg10[%rem3A_778, %dma_start3A_1531, %dma_start3A_1532] : memref<2x512x64xf32, #tpu.memory_space<vmem>> -> memref<1x128x64xf32, #tpu.memory_space<vmem>>
      %dma_start3A_1534 = tpu.memref_squeeze %dma_start3A_1533 : memref<1x128x64xf32, #tpu.memory_space<vmem>> -> memref<128x64xf32, #tpu.memory_space<vmem>>
      %dma_start3A_1535 = arith.constant 0 : i32
      %dma_start3A_1536 = tpu.memref_slice %arg9[%rem3A_778, %dma_start3A_1530, %dma_start3A_1535] : memref<2x4x128xi32, #tpu.memory_space<vmem>> -> memref<1x1x128xi32, #tpu.memory_space<vmem>>
      %dma_start3A_1537 = tpu.memref_squeeze %dma_start3A_1536 : memref<1x1x128xi32, #tpu.memory_space<vmem>> -> memref<128xi32, #tpu.memory_space<vmem>>
      %dma_start3A_1538 = arith.constant 0 : i32
      %dma_start3A_1539 = arith.constant 0 : i32
      %dma_start3A_1540 = tpu.memref_slice %arg11[%dma_start3A_1529, %dma_start3A_1538, %dma_start3A_1539] : memref<2x2048x64xf32, #tpu.memory_space<vmem_shared>> -> memref<1x2048x64xf32, #tpu.memory_space<vmem_shared>>
      %dma_start3A_1541 = tpu.memref_squeeze %dma_start3A_1540 : memref<1x2048x64xf32, #tpu.memory_space<vmem_shared>> -> memref<2048x64xf32, #tpu.memory_space<vmem_shared>>
      %dma_start3A_1542 = arith.constant 0 : i32
      %dma_start3A_1543 = arith.constant 0 : i32
      %dma_start3A_1544 = tpu.memref_slice %dma_start3A_1541[%dma_start3A_1542, %dma_start3A_1543] : memref<2048x64xf32, #tpu.memory_space<vmem_shared>> -> memref<2048x64xf32, #tpu.memory_space<vmem_shared>>
      tpu.enqueue_indirect_dma source(%dma_start3A_1534 : memref<128x64xf32, #tpu.memory_space<vmem>>) target(%dma_start3A_1544 : memref<2048x64xf32, #tpu.memory_space<vmem_shared>>) offsets(%dma_start3A_1537 : memref<128xi32, #tpu.memory_space<vmem>>) semaphore(%arg13 : memref<!tpu.dma_semaphore, #tpu.memory_space<semaphore_mem>>) {add = true}
      %dma_wait3A_1545 = arith.constant 1 : i32
      %dma_wait3A_1546 = arith.constant 3 : i32
      %dma_wait3A_1547 = arith.constant 384 : i32
      %dma_wait3A_1548 = arith.constant 0 : i32
      %dma_wait3A_1549 = tpu.memref_slice %arg10[%rem3A_778, %dma_wait3A_1547, %dma_wait3A_1548] : memref<2x512x64xf32, #tpu.memory_space<vmem>> -> memref<1x128x64xf32, #tpu.memory_space<vmem>>
      %dma_wait3A_1550 = tpu.memref_squeeze %dma_wait3A_1549 : memref<1x128x64xf32, #tpu.memory_space<vmem>> -> memref<128x64xf32, #tpu.memory_space<vmem>>
      %dma_wait3A_1551 = arith.constant 0 : i32
      %dma_wait3A_1552 = tpu.memref_slice %arg9[%rem3A_778, %dma_wait3A_1546, %dma_wait3A_1551] : memref<2x4x128xi32, #tpu.memory_space<vmem>> -> memref<1x1x128xi32, #tpu.memory_space<vmem>>
      %dma_wait3A_1553 = tpu.memref_squeeze %dma_wait3A_1552 : memref<1x1x128xi32, #tpu.memory_space<vmem>> -> memref<128xi32, #tpu.memory_space<vmem>>
      %dma_wait3A_1554 = arith.constant 0 : i32
      %dma_wait3A_1555 = arith.constant 0 : i32
      %dma_wait3A_1556 = tpu.memref_slice %arg11[%dma_wait3A_1545, %dma_wait3A_1554, %dma_wait3A_1555] : memref<2x2048x64xf32, #tpu.memory_space<vmem_shared>> -> memref<1x2048x64xf32, #tpu.memory_space<vmem_shared>>
      %dma_wait3A_1557 = tpu.memref_squeeze %dma_wait3A_1556 : memref<1x2048x64xf32, #tpu.memory_space<vmem_shared>> -> memref<2048x64xf32, #tpu.memory_space<vmem_shared>>
      %dma_wait3A_1558 = arith.constant 0 : i32
      %dma_wait3A_1559 = arith.constant 0 : i32
      %dma_wait3A_1560 = tpu.memref_slice %dma_wait3A_1557[%dma_wait3A_1558, %dma_wait3A_1559] : memref<2048x64xf32, #tpu.memory_space<vmem_shared>> -> memref<2048x64xf32, #tpu.memory_space<vmem_shared>>
      tpu.wait_indirect_dma semaphore(%arg13 : memref<!tpu.dma_semaphore, #tpu.memory_space<semaphore_mem>>) src(%dma_wait3A_1550 : memref<128x64xf32, #tpu.memory_space<vmem>>) dst(%dma_wait3A_1560 : memref<2048x64xf32, #tpu.memory_space<vmem_shared>>)
      %add3A_1561 = arith.constant 1 : i32
      %add3A_1562 = arith.addi %scan3A_776, %add3A_1561 : i32
      %sub3A_1563 = arith.constant 1 : i32
      %sub3A_1564 = arith.subi %sub3A_1563, %rem3A_778 : i32
      %mul3A_1565 = arith.constant 4 : i32
      %mul3A_1566 = arith.muli %add3A_1562, %mul3A_1565 : i32
      %add3A_1567 = arith.constant 0 : i32
      %add3A_1568 = arith.addi %mul3A_1566, %add3A_1567 : i32
      %dma_start3A_1569 = arith.constant 0 : i32
      %dma_start3A_1570 = arith.constant 0 : i32
      %dma_start3A_1571 = tpu.memref_slice %arg10[%sub3A_1564, %dma_start3A_1569, %dma_start3A_1570] : memref<2x512x64xf32, #tpu.memory_space<vmem>> -> memref<1x128x64xf32, #tpu.memory_space<vmem>>
      %dma_start3A_1572 = tpu.memref_squeeze %dma_start3A_1571 : memref<1x128x64xf32, #tpu.memory_space<vmem>> -> memref<128x64xf32, #tpu.memory_space<vmem>>
      %dma_start3A_1573 = arith.constant 0 : i32
      %dma_start3A_1574 = tpu.memref_slice %arg7[%add3A_1568, %dma_start3A_1573] : memref<200x128xi32, #tpu.memory_space<vmem>> -> memref<1x128xi32, #tpu.memory_space<vmem>>
      %dma_start3A_1575 = tpu.memref_squeeze %dma_start3A_1574 : memref<1x128xi32, #tpu.memory_space<vmem>> -> memref<128xi32, #tpu.memory_space<vmem>>
      %dma_start3A_1576 = arith.constant 0 : i32
      %dma_start3A_1577 = arith.constant 0 : i32
      %dma_start3A_1578 = tpu.memref_slice %arg5[%dma_start3A_1576, %dma_start3A_1577] : memref<1003520x64xf32, #tpu.memory_space<hbm>> -> memref<1003520x64xf32, #tpu.memory_space<hbm>>
      tpu.enqueue_indirect_dma source(%dma_start3A_1578 : memref<1003520x64xf32, #tpu.memory_space<hbm>>) target(%dma_start3A_1572 : memref<128x64xf32, #tpu.memory_space<vmem>>) offsets(%dma_start3A_1575 : memref<128xi32, #tpu.memory_space<vmem>>) semaphore(%arg12 : memref<!tpu.dma_semaphore, #tpu.memory_space<semaphore_mem>>)
      %mul3A_1579 = arith.constant 4 : i32
      %mul3A_1580 = arith.muli %add3A_1562, %mul3A_1579 : i32
      %add3A_1581 = arith.constant 1 : i32
      %add3A_1582 = arith.addi %mul3A_1580, %add3A_1581 : i32
      %dma_start3A_1583 = arith.constant 128 : i32
      %dma_start3A_1584 = arith.constant 0 : i32
      %dma_start3A_1585 = tpu.memref_slice %arg10[%sub3A_1564, %dma_start3A_1583, %dma_start3A_1584] : memref<2x512x64xf32, #tpu.memory_space<vmem>> -> memref<1x128x64xf32, #tpu.memory_space<vmem>>
      %dma_start3A_1586 = tpu.memref_squeeze %dma_start3A_1585 : memref<1x128x64xf32, #tpu.memory_space<vmem>> -> memref<128x64xf32, #tpu.memory_space<vmem>>
      %dma_start3A_1587 = arith.constant 0 : i32
      %dma_start3A_1588 = tpu.memref_slice %arg7[%add3A_1582, %dma_start3A_1587] : memref<200x128xi32, #tpu.memory_space<vmem>> -> memref<1x128xi32, #tpu.memory_space<vmem>>
      %dma_start3A_1589 = tpu.memref_squeeze %dma_start3A_1588 : memref<1x128xi32, #tpu.memory_space<vmem>> -> memref<128xi32, #tpu.memory_space<vmem>>
      %dma_start3A_1590 = arith.constant 0 : i32
      %dma_start3A_1591 = arith.constant 0 : i32
      %dma_start3A_1592 = tpu.memref_slice %arg5[%dma_start3A_1590, %dma_start3A_1591] : memref<1003520x64xf32, #tpu.memory_space<hbm>> -> memref<1003520x64xf32, #tpu.memory_space<hbm>>
      tpu.enqueue_indirect_dma source(%dma_start3A_1592 : memref<1003520x64xf32, #tpu.memory_space<hbm>>) target(%dma_start3A_1586 : memref<128x64xf32, #tpu.memory_space<vmem>>) offsets(%dma_start3A_1589 : memref<128xi32, #tpu.memory_space<vmem>>) semaphore(%arg12 : memref<!tpu.dma_semaphore, #tpu.memory_space<semaphore_mem>>)
      %mul3A_1593 = arith.constant 4 : i32
      %mul3A_1594 = arith.muli %add3A_1562, %mul3A_1593 : i32
      %add3A_1595 = arith.constant 2 : i32
      %add3A_1596 = arith.addi %mul3A_1594, %add3A_1595 : i32
      %dma_start3A_1597 = arith.constant 256 : i32
      %dma_start3A_1598 = arith.constant 0 : i32
      %dma_start3A_1599 = tpu.memref_slice %arg10[%sub3A_1564, %dma_start3A_1597, %dma_start3A_1598] : memref<2x512x64xf32, #tpu.memory_space<vmem>> -> memref<1x128x64xf32, #tpu.memory_space<vmem>>
      %dma_start3A_1600 = tpu.memref_squeeze %dma_start3A_1599 : memref<1x128x64xf32, #tpu.memory_space<vmem>> -> memref<128x64xf32, #tpu.memory_space<vmem>>
      %dma_start3A_1601 = arith.constant 0 : i32
      %dma_start3A_1602 = tpu.memref_slice %arg7[%add3A_1596, %dma_start3A_1601] : memref<200x128xi32, #tpu.memory_space<vmem>> -> memref<1x128xi32, #tpu.memory_space<vmem>>
      %dma_start3A_1603 = tpu.memref_squeeze %dma_start3A_1602 : memref<1x128xi32, #tpu.memory_space<vmem>> -> memref<128xi32, #tpu.memory_space<vmem>>
      %dma_start3A_1604 = arith.constant 0 : i32
      %dma_start3A_1605 = arith.constant 0 : i32
      %dma_start3A_1606 = tpu.memref_slice %arg5[%dma_start3A_1604, %dma_start3A_1605] : memref<1003520x64xf32, #tpu.memory_space<hbm>> -> memref<1003520x64xf32, #tpu.memory_space<hbm>>
      tpu.enqueue_indirect_dma source(%dma_start3A_1606 : memref<1003520x64xf32, #tpu.memory_space<hbm>>) target(%dma_start3A_1600 : memref<128x64xf32, #tpu.memory_space<vmem>>) offsets(%dma_start3A_1603 : memref<128xi32, #tpu.memory_space<vmem>>) semaphore(%arg12 : memref<!tpu.dma_semaphore, #tpu.memory_space<semaphore_mem>>)
      %mul3A_1607 = arith.constant 4 : i32
      %mul3A_1608 = arith.muli %add3A_1562, %mul3A_1607 : i32
      %add3A_1609 = arith.constant 3 : i32
      %add3A_1610 = arith.addi %mul3A_1608, %add3A_1609 : i32
      %dma_start3A_1611 = arith.constant 384 : i32
      %dma_start3A_1612 = arith.constant 0 : i32
      %dma_start3A_1613 = tpu.memref_slice %arg10[%sub3A_1564, %dma_start3A_1611, %dma_start3A_1612] : memref<2x512x64xf32, #tpu.memory_space<vmem>> -> memref<1x128x64xf32, #tpu.memory_space<vmem>>
      %dma_start3A_1614 = tpu.memref_squeeze %dma_start3A_1613 : memref<1x128x64xf32, #tpu.memory_space<vmem>> -> memref<128x64xf32, #tpu.memory_space<vmem>>
      %dma_start3A_1615 = arith.constant 0 : i32
      %dma_start3A_1616 = tpu.memref_slice %arg7[%add3A_1610, %dma_start3A_1615] : memref<200x128xi32, #tpu.memory_space<vmem>> -> memref<1x128xi32, #tpu.memory_space<vmem>>
      %dma_start3A_1617 = tpu.memref_squeeze %dma_start3A_1616 : memref<1x128xi32, #tpu.memory_space<vmem>> -> memref<128xi32, #tpu.memory_space<vmem>>
      %dma_start3A_1618 = arith.constant 0 : i32
      %dma_start3A_1619 = arith.constant 0 : i32
      %dma_start3A_1620 = tpu.memref_slice %arg5[%dma_start3A_1618, %dma_start3A_1619] : memref<1003520x64xf32, #tpu.memory_space<hbm>> -> memref<1003520x64xf32, #tpu.memory_space<hbm>>
      tpu.enqueue_indirect_dma source(%dma_start3A_1620 : memref<1003520x64xf32, #tpu.memory_space<hbm>>) target(%dma_start3A_1614 : memref<128x64xf32, #tpu.memory_space<vmem>>) offsets(%dma_start3A_1617 : memref<128xi32, #tpu.memory_space<vmem>>) semaphore(%arg12 : memref<!tpu.dma_semaphore, #tpu.memory_space<semaphore_mem>>)
    }
    %scan3A_73 = arith.constant 49 : i32
    %dma_wait3A = arith.constant 0 : i32
    %dma_wait3A_74 = arith.constant 1 : i32
    %dma_wait3A_75 = arith.constant 0 : i32
    %dma_wait3A_76 = arith.constant 0 : i32
    %dma_wait3A_77 = tpu.memref_slice %arg10[%dma_wait3A_74, %dma_wait3A_75, %dma_wait3A_76] : memref<2x512x64xf32, #tpu.memory_space<vmem>> -> memref<1x128x64xf32, #tpu.memory_space<vmem>>
    %dma_wait3A_78 = tpu.memref_squeeze %dma_wait3A_77 : memref<1x128x64xf32, #tpu.memory_space<vmem>> -> memref<128x64xf32, #tpu.memory_space<vmem>>
    %dma_wait3A_79 = arith.constant 0 : i32
    %dma_wait3A_80 = tpu.memref_slice %arg7[%dma_wait3A, %dma_wait3A_79] : memref<200x128xi32, #tpu.memory_space<vmem>> -> memref<1x128xi32, #tpu.memory_space<vmem>>
    %dma_wait3A_81 = tpu.memref_squeeze %dma_wait3A_80 : memref<1x128xi32, #tpu.memory_space<vmem>> -> memref<128xi32, #tpu.memory_space<vmem>>
    %dma_wait3A_82 = arith.constant 0 : i32
    %dma_wait3A_83 = arith.constant 0 : i32
    %dma_wait3A_84 = tpu.memref_slice %arg5[%dma_wait3A_82, %dma_wait3A_83] : memref<1003520x64xf32, #tpu.memory_space<hbm>> -> memref<1003520x64xf32, #tpu.memory_space<hbm>>
    tpu.wait_indirect_dma semaphore(%arg12 : memref<!tpu.dma_semaphore, #tpu.memory_space<semaphore_mem>>) src(%dma_wait3A_84 : memref<1003520x64xf32, #tpu.memory_space<hbm>>) dst(%dma_wait3A_78 : memref<128x64xf32, #tpu.memory_space<vmem>>)
    %dma_wait3A_85 = arith.constant 0 : i32
    %dma_wait3A_86 = arith.constant 1 : i32
    %dma_wait3A_87 = arith.constant 128 : i32
    %dma_wait3A_88 = arith.constant 0 : i32
    %dma_wait3A_89 = tpu.memref_slice %arg10[%dma_wait3A_86, %dma_wait3A_87, %dma_wait3A_88] : memref<2x512x64xf32, #tpu.memory_space<vmem>> -> memref<1x128x64xf32, #tpu.memory_space<vmem>>
    %dma_wait3A_90 = tpu.memref_squeeze %dma_wait3A_89 : memref<1x128x64xf32, #tpu.memory_space<vmem>> -> memref<128x64xf32, #tpu.memory_space<vmem>>
    %dma_wait3A_91 = arith.constant 0 : i32
    %dma_wait3A_92 = tpu.memref_slice %arg7[%dma_wait3A_85, %dma_wait3A_91] : memref<200x128xi32, #tpu.memory_space<vmem>> -> memref<1x128xi32, #tpu.memory_space<vmem>>
    %dma_wait3A_93 = tpu.memref_squeeze %dma_wait3A_92 : memref<1x128xi32, #tpu.memory_space<vmem>> -> memref<128xi32, #tpu.memory_space<vmem>>
    %dma_wait3A_94 = arith.constant 0 : i32
    %dma_wait3A_95 = arith.constant 0 : i32
    %dma_wait3A_96 = tpu.memref_slice %arg5[%dma_wait3A_94, %dma_wait3A_95] : memref<1003520x64xf32, #tpu.memory_space<hbm>> -> memref<1003520x64xf32, #tpu.memory_space<hbm>>
    tpu.wait_indirect_dma semaphore(%arg12 : memref<!tpu.dma_semaphore, #tpu.memory_space<semaphore_mem>>) src(%dma_wait3A_96 : memref<1003520x64xf32, #tpu.memory_space<hbm>>) dst(%dma_wait3A_90 : memref<128x64xf32, #tpu.memory_space<vmem>>)
    %dma_wait3A_97 = arith.constant 0 : i32
    %dma_wait3A_98 = arith.constant 1 : i32
    %dma_wait3A_99 = arith.constant 256 : i32
    %dma_wait3A_100 = arith.constant 0 : i32
    %dma_wait3A_101 = tpu.memref_slice %arg10[%dma_wait3A_98, %dma_wait3A_99, %dma_wait3A_100] : memref<2x512x64xf32, #tpu.memory_space<vmem>> -> memref<1x128x64xf32, #tpu.memory_space<vmem>>
    %dma_wait3A_102 = tpu.memref_squeeze %dma_wait3A_101 : memref<1x128x64xf32, #tpu.memory_space<vmem>> -> memref<128x64xf32, #tpu.memory_space<vmem>>
    %dma_wait3A_103 = arith.constant 0 : i32
    %dma_wait3A_104 = tpu.memref_slice %arg7[%dma_wait3A_97, %dma_wait3A_103] : memref<200x128xi32, #tpu.memory_space<vmem>> -> memref<1x128xi32, #tpu.memory_space<vmem>>
    %dma_wait3A_105 = tpu.memref_squeeze %dma_wait3A_104 : memref<1x128xi32, #tpu.memory_space<vmem>> -> memref<128xi32, #tpu.memory_space<vmem>>
    %dma_wait3A_106 = arith.constant 0 : i32
    %dma_wait3A_107 = arith.constant 0 : i32
    %dma_wait3A_108 = tpu.memref_slice %arg5[%dma_wait3A_106, %dma_wait3A_107] : memref<1003520x64xf32, #tpu.memory_space<hbm>> -> memref<1003520x64xf32, #tpu.memory_space<hbm>>
    tpu.wait_indirect_dma semaphore(%arg12 : memref<!tpu.dma_semaphore, #tpu.memory_space<semaphore_mem>>) src(%dma_wait3A_108 : memref<1003520x64xf32, #tpu.memory_space<hbm>>) dst(%dma_wait3A_102 : memref<128x64xf32, #tpu.memory_space<vmem>>)
    %dma_wait3A_109 = arith.constant 0 : i32
    %dma_wait3A_110 = arith.constant 1 : i32
    %dma_wait3A_111 = arith.constant 384 : i32
    %dma_wait3A_112 = arith.constant 0 : i32
    %dma_wait3A_113 = tpu.memref_slice %arg10[%dma_wait3A_110, %dma_wait3A_111, %dma_wait3A_112] : memref<2x512x64xf32, #tpu.memory_space<vmem>> -> memref<1x128x64xf32, #tpu.memory_space<vmem>>
    %dma_wait3A_114 = tpu.memref_squeeze %dma_wait3A_113 : memref<1x128x64xf32, #tpu.memory_space<vmem>> -> memref<128x64xf32, #tpu.memory_space<vmem>>
    %dma_wait3A_115 = arith.constant 0 : i32
    %dma_wait3A_116 = tpu.memref_slice %arg7[%dma_wait3A_109, %dma_wait3A_115] : memref<200x128xi32, #tpu.memory_space<vmem>> -> memref<1x128xi32, #tpu.memory_space<vmem>>
    %dma_wait3A_117 = tpu.memref_squeeze %dma_wait3A_116 : memref<1x128xi32, #tpu.memory_space<vmem>> -> memref<128xi32, #tpu.memory_space<vmem>>
    %dma_wait3A_118 = arith.constant 0 : i32
    %dma_wait3A_119 = arith.constant 0 : i32
    %dma_wait3A_120 = tpu.memref_slice %arg5[%dma_wait3A_118, %dma_wait3A_119] : memref<1003520x64xf32, #tpu.memory_space<hbm>> -> memref<1003520x64xf32, #tpu.memory_space<hbm>>
    tpu.wait_indirect_dma semaphore(%arg12 : memref<!tpu.dma_semaphore, #tpu.memory_space<semaphore_mem>>) src(%dma_wait3A_120 : memref<1003520x64xf32, #tpu.memory_space<hbm>>) dst(%dma_wait3A_114 : memref<128x64xf32, #tpu.memory_space<vmem>>)
    %mul3A_121 = arith.constant 128 : i32
    %mul3A_122 = arith.muli %arg1, %mul3A_121 : i32
    %add3A_123 = arith.constant 112 : i32
    %add3A_124 = arith.addi %mul3A_122, %add3A_123 : i32
    %get3A = arith.constant 21 : i32
    %get3A_125 = arith.index_cast %get3A : i32 to index
    %get3A_126 = arith.constant 0 : index
    %get3A_127 = tpu.vector_load %arg8[%get3A_125, %get3A_126] {strides = array<i32>} : memref<25x128xi32, #tpu.memory_space<vmem>>, vector<1x16xi32>,
    %get3A_128 = vector.shape_cast %get3A_127 : vector<1x16xi32> to vector<16xi32>
    %add3A_129 = vector.broadcast %add3A_124 : i32 to vector<16xi32>
    %add3A_130 = arith.addi %get3A_128, %add3A_129 : vector<16xi32>
    %swap3A = arith.constant 1 : i32
    %swap3A_131 = arith.constant 0 : i32
    %swap3A_132 = arith.index_cast %swap3A : i32 to index
    %swap3A_133 = arith.index_cast %swap3A_131 : i32 to index
    %swap3A_134 = arith.constant 0 : index
    %swap3A_135 = tpu.vector_load %arg9[%swap3A_132, %swap3A_133, %swap3A_134] {strides = array<i32>} : memref<2x4x128xi32, #tpu.memory_space<vmem>>, vector<1x1x16xi32>,
    %swap3A_136 = vector.shape_cast %swap3A_135 : vector<1x1x16xi32> to vector<16xi32>
    %swap3A_137 = vector.shape_cast %add3A_130 : vector<16xi32> to vector<1x1x16xi32>
    tpu.vector_store %arg9[%swap3A_132, %swap3A_133, %swap3A_134], %swap3A_137 {strides = array<i32>} : memref<2x4x128xi32, #tpu.memory_space<vmem>>, vector<1x1x16xi32>,
    %get3A_138 = arith.constant 21 : i32
    %get3A_139 = arith.index_cast %get3A_138 : i32 to index
    %get3A_140 = arith.constant 16 : index
    %get3A_141 = tpu.vector_load %arg8[%get3A_139, %get3A_140] {strides = array<i32>} : memref<25x128xi32, #tpu.memory_space<vmem>>, vector<1x16xi32>,
    %get3A_142 = vector.shape_cast %get3A_141 : vector<1x16xi32> to vector<16xi32>
    %add3A_143 = vector.broadcast %add3A_124 : i32 to vector<16xi32>
    %add3A_144 = arith.addi %get3A_142, %add3A_143 : vector<16xi32>
    %swap3A_145 = arith.constant 1 : i32
    %swap3A_146 = arith.constant 0 : i32
    %swap3A_147 = arith.index_cast %swap3A_145 : i32 to index
    %swap3A_148 = arith.index_cast %swap3A_146 : i32 to index
    %swap3A_149 = arith.constant 16 : index
    %swap3A_150 = tpu.vector_load %arg9[%swap3A_147, %swap3A_148, %swap3A_149] {strides = array<i32>} : memref<2x4x128xi32, #tpu.memory_space<vmem>>, vector<1x1x16xi32>,
    %swap3A_151 = vector.shape_cast %swap3A_150 : vector<1x1x16xi32> to vector<16xi32>
    %swap3A_152 = vector.shape_cast %add3A_144 : vector<16xi32> to vector<1x1x16xi32>
    tpu.vector_store %arg9[%swap3A_147, %swap3A_148, %swap3A_149], %swap3A_152 {strides = array<i32>} : memref<2x4x128xi32, #tpu.memory_space<vmem>>, vector<1x1x16xi32>,
    %get3A_153 = arith.constant 21 : i32
    %get3A_154 = arith.index_cast %get3A_153 : i32 to index
    %get3A_155 = arith.constant 32 : index
    %get3A_156 = tpu.vector_load %arg8[%get3A_154, %get3A_155] {strides = array<i32>} : memref<25x128xi32, #tpu.memory_space<vmem>>, vector<1x16xi32>,
    %get3A_157 = vector.shape_cast %get3A_156 : vector<1x16xi32> to vector<16xi32>
    %add3A_158 = vector.broadcast %add3A_124 : i32 to vector<16xi32>
    %add3A_159 = arith.addi %get3A_157, %add3A_158 : vector<16xi32>
    %swap3A_160 = arith.constant 1 : i32
    %swap3A_161 = arith.constant 0 : i32
    %swap3A_162 = arith.index_cast %swap3A_160 : i32 to index
    %swap3A_163 = arith.index_cast %swap3A_161 : i32 to index
    %swap3A_164 = arith.constant 32 : index
    %swap3A_165 = tpu.vector_load %arg9[%swap3A_162, %swap3A_163, %swap3A_164] {strides = array<i32>} : memref<2x4x128xi32, #tpu.memory_space<vmem>>, vector<1x1x16xi32>,
    %swap3A_166 = vector.shape_cast %swap3A_165 : vector<1x1x16xi32> to vector<16xi32>
    %swap3A_167 = vector.shape_cast %add3A_159 : vector<16xi32> to vector<1x1x16xi32>
    tpu.vector_store %arg9[%swap3A_162, %swap3A_163, %swap3A_164], %swap3A_167 {strides = array<i32>} : memref<2x4x128xi32, #tpu.memory_space<vmem>>, vector<1x1x16xi32>,
    %get3A_168 = arith.constant 21 : i32
    %get3A_169 = arith.index_cast %get3A_168 : i32 to index
    %get3A_170 = arith.constant 48 : index
    %get3A_171 = tpu.vector_load %arg8[%get3A_169, %get3A_170] {strides = array<i32>} : memref<25x128xi32, #tpu.memory_space<vmem>>, vector<1x16xi32>,
    %get3A_172 = vector.shape_cast %get3A_171 : vector<1x16xi32> to vector<16xi32>
    %add3A_173 = vector.broadcast %add3A_124 : i32 to vector<16xi32>
    %add3A_174 = arith.addi %get3A_172, %add3A_173 : vector<16xi32>
    %swap3A_175 = arith.constant 1 : i32
    %swap3A_176 = arith.constant 0 : i32
    %swap3A_177 = arith.index_cast %swap3A_175 : i32 to index
    %swap3A_178 = arith.index_cast %swap3A_176 : i32 to index
    %swap3A_179 = arith.constant 48 : index
    %swap3A_180 = tpu.vector_load %arg9[%swap3A_177, %swap3A_178, %swap3A_179] {strides = array<i32>} : memref<2x4x128xi32, #tpu.memory_space<vmem>>, vector<1x1x16xi32>,
    %swap3A_181 = vector.shape_cast %swap3A_180 : vector<1x1x16xi32> to vector<16xi32>
    %swap3A_182 = vector.shape_cast %add3A_174 : vector<16xi32> to vector<1x1x16xi32>
    tpu.vector_store %arg9[%swap3A_177, %swap3A_178, %swap3A_179], %swap3A_182 {strides = array<i32>} : memref<2x4x128xi32, #tpu.memory_space<vmem>>, vector<1x1x16xi32>,
    %get3A_183 = arith.constant 21 : i32
    %get3A_184 = arith.index_cast %get3A_183 : i32 to index
    %get3A_185 = arith.constant 64 : index
    %get3A_186 = tpu.vector_load %arg8[%get3A_184, %get3A_185] {strides = array<i32>} : memref<25x128xi32, #tpu.memory_space<vmem>>, vector<1x16xi32>,
    %get3A_187 = vector.shape_cast %get3A_186 : vector<1x16xi32> to vector<16xi32>
    %add3A_188 = vector.broadcast %add3A_124 : i32 to vector<16xi32>
    %add3A_189 = arith.addi %get3A_187, %add3A_188 : vector<16xi32>
    %swap3A_190 = arith.constant 1 : i32
    %swap3A_191 = arith.constant 0 : i32
    %swap3A_192 = arith.index_cast %swap3A_190 : i32 to index
    %swap3A_193 = arith.index_cast %swap3A_191 : i32 to index
    %swap3A_194 = arith.constant 64 : index
    %swap3A_195 = tpu.vector_load %arg9[%swap3A_192, %swap3A_193, %swap3A_194] {strides = array<i32>} : memref<2x4x128xi32, #tpu.memory_space<vmem>>, vector<1x1x16xi32>,
    %swap3A_196 = vector.shape_cast %swap3A_195 : vector<1x1x16xi32> to vector<16xi32>
    %swap3A_197 = vector.shape_cast %add3A_189 : vector<16xi32> to vector<1x1x16xi32>
    tpu.vector_store %arg9[%swap3A_192, %swap3A_193, %swap3A_194], %swap3A_197 {strides = array<i32>} : memref<2x4x128xi32, #tpu.memory_space<vmem>>, vector<1x1x16xi32>,
    %get3A_198 = arith.constant 21 : i32
    %get3A_199 = arith.index_cast %get3A_198 : i32 to index
    %get3A_200 = arith.constant 80 : index
    %get3A_201 = tpu.vector_load %arg8[%get3A_199, %get3A_200] {strides = array<i32>} : memref<25x128xi32, #tpu.memory_space<vmem>>, vector<1x16xi32>,
    %get3A_202 = vector.shape_cast %get3A_201 : vector<1x16xi32> to vector<16xi32>
    %add3A_203 = vector.broadcast %add3A_124 : i32 to vector<16xi32>
    %add3A_204 = arith.addi %get3A_202, %add3A_203 : vector<16xi32>
    %swap3A_205 = arith.constant 1 : i32
    %swap3A_206 = arith.constant 0 : i32
    %swap3A_207 = arith.index_cast %swap3A_205 : i32 to index
    %swap3A_208 = arith.index_cast %swap3A_206 : i32 to index
    %swap3A_209 = arith.constant 80 : index
    %swap3A_210 = tpu.vector_load %arg9[%swap3A_207, %swap3A_208, %swap3A_209] {strides = array<i32>} : memref<2x4x128xi32, #tpu.memory_space<vmem>>, vector<1x1x16xi32>,
    %swap3A_211 = vector.shape_cast %swap3A_210 : vector<1x1x16xi32> to vector<16xi32>
    %swap3A_212 = vector.shape_cast %add3A_204 : vector<16xi32> to vector<1x1x16xi32>
    tpu.vector_store %arg9[%swap3A_207, %swap3A_208, %swap3A_209], %swap3A_212 {strides = array<i32>} : memref<2x4x128xi32, #tpu.memory_space<vmem>>, vector<1x1x16xi32>,
    %get3A_213 = arith.constant 21 : i32
    %get3A_214 = arith.index_cast %get3A_213 : i32 to index
    %get3A_215 = arith.constant 96 : index
    %get3A_216 = tpu.vector_load %arg8[%get3A_214, %get3A_215] {strides = array<i32>} : memref<25x128xi32, #tpu.memory_space<vmem>>, vector<1x16xi32>,
    %get3A_217 = vector.shape_cast %get3A_216 : vector<1x16xi32> to vector<16xi32>
    %add3A_218 = vector.broadcast %add3A_124 : i32 to vector<16xi32>
    %add3A_219 = arith.addi %get3A_217, %add3A_218 : vector<16xi32>
    %swap3A_220 = arith.constant 1 : i32
    %swap3A_221 = arith.constant 0 : i32
    %swap3A_222 = arith.index_cast %swap3A_220 : i32 to index
    %swap3A_223 = arith.index_cast %swap3A_221 : i32 to index
    %swap3A_224 = arith.constant 96 : index
    %swap3A_225 = tpu.vector_load %arg9[%swap3A_222, %swap3A_223, %swap3A_224] {strides = array<i32>} : memref<2x4x128xi32, #tpu.memory_space<vmem>>, vector<1x1x16xi32>,
    %swap3A_226 = vector.shape_cast %swap3A_225 : vector<1x1x16xi32> to vector<16xi32>
    %swap3A_227 = vector.shape_cast %add3A_219 : vector<16xi32> to vector<1x1x16xi32>
    tpu.vector_store %arg9[%swap3A_222, %swap3A_223, %swap3A_224], %swap3A_227 {strides = array<i32>} : memref<2x4x128xi32, #tpu.memory_space<vmem>>, vector<1x1x16xi32>,
    %get3A_228 = arith.constant 21 : i32
    %get3A_229 = arith.index_cast %get3A_228 : i32 to index
    %get3A_230 = arith.constant 112 : index
    %get3A_231 = tpu.vector_load %arg8[%get3A_229, %get3A_230] {strides = array<i32>} : memref<25x128xi32, #tpu.memory_space<vmem>>, vector<1x16xi32>,
    %get3A_232 = vector.shape_cast %get3A_231 : vector<1x16xi32> to vector<16xi32>
    %add3A_233 = vector.broadcast %add3A_124 : i32 to vector<16xi32>
    %add3A_234 = arith.addi %get3A_232, %add3A_233 : vector<16xi32>
    %swap3A_235 = arith.constant 1 : i32
    %swap3A_236 = arith.constant 0 : i32
    %swap3A_237 = arith.index_cast %swap3A_235 : i32 to index
    %swap3A_238 = arith.index_cast %swap3A_236 : i32 to index
    %swap3A_239 = arith.constant 112 : index
    %swap3A_240 = tpu.vector_load %arg9[%swap3A_237, %swap3A_238, %swap3A_239] {strides = array<i32>} : memref<2x4x128xi32, #tpu.memory_space<vmem>>, vector<1x1x16xi32>,
    %swap3A_241 = vector.shape_cast %swap3A_240 : vector<1x1x16xi32> to vector<16xi32>
    %swap3A_242 = vector.shape_cast %add3A_234 : vector<16xi32> to vector<1x1x16xi32>
    tpu.vector_store %arg9[%swap3A_237, %swap3A_238, %swap3A_239], %swap3A_242 {strides = array<i32>} : memref<2x4x128xi32, #tpu.memory_space<vmem>>, vector<1x1x16xi32>,
    %mul3A_243 = arith.constant 128 : i32
    %mul3A_244 = arith.muli %arg1, %mul3A_243 : i32
    %add3A_245 = arith.constant 112 : i32
    %add3A_246 = arith.addi %mul3A_244, %add3A_245 : i32
    %get3A_247 = arith.constant 22 : i32
    %get3A_248 = arith.index_cast %get3A_247 : i32 to index
    %get3A_249 = arith.constant 0 : index
    %get3A_250 = tpu.vector_load %arg8[%get3A_248, %get3A_249] {strides = array<i32>} : memref<25x128xi32, #tpu.memory_space<vmem>>, vector<1x16xi32>,
    %get3A_251 = vector.shape_cast %get3A_250 : vector<1x16xi32> to vector<16xi32>
    %add3A_252 = vector.broadcast %add3A_246 : i32 to vector<16xi32>
    %add3A_253 = arith.addi %get3A_251, %add3A_252 : vector<16xi32>
    %swap3A_254 = arith.constant 1 : i32
    %swap3A_255 = arith.constant 1 : i32
    %swap3A_256 = arith.index_cast %swap3A_254 : i32 to index
    %swap3A_257 = arith.index_cast %swap3A_255 : i32 to index
    %swap3A_258 = arith.constant 0 : index
    %swap3A_259 = tpu.vector_load %arg9[%swap3A_256, %swap3A_257, %swap3A_258] {strides = array<i32>} : memref<2x4x128xi32, #tpu.memory_space<vmem>>, vector<1x1x16xi32>,
    %swap3A_260 = vector.shape_cast %swap3A_259 : vector<1x1x16xi32> to vector<16xi32>
    %swap3A_261 = vector.shape_cast %add3A_253 : vector<16xi32> to vector<1x1x16xi32>
    tpu.vector_store %arg9[%swap3A_256, %swap3A_257, %swap3A_258], %swap3A_261 {strides = array<i32>} : memref<2x4x128xi32, #tpu.memory_space<vmem>>, vector<1x1x16xi32>,
    %get3A_262 = arith.constant 22 : i32
    %get3A_263 = arith.index_cast %get3A_262 : i32 to index
    %get3A_264 = arith.constant 16 : index
    %get3A_265 = tpu.vector_load %arg8[%get3A_263, %get3A_264] {strides = array<i32>} : memref<25x128xi32, #tpu.memory_space<vmem>>, vector<1x16xi32>,
    %get3A_266 = vector.shape_cast %get3A_265 : vector<1x16xi32> to vector<16xi32>
    %add3A_267 = vector.broadcast %add3A_246 : i32 to vector<16xi32>
    %add3A_268 = arith.addi %get3A_266, %add3A_267 : vector<16xi32>
    %swap3A_269 = arith.constant 1 : i32
    %swap3A_270 = arith.constant 1 : i32
    %swap3A_271 = arith.index_cast %swap3A_269 : i32 to index
    %swap3A_272 = arith.index_cast %swap3A_270 : i32 to index
    %swap3A_273 = arith.constant 16 : index
    %swap3A_274 = tpu.vector_load %arg9[%swap3A_271, %swap3A_272, %swap3A_273] {strides = array<i32>} : memref<2x4x128xi32, #tpu.memory_space<vmem>>, vector<1x1x16xi32>,
    %swap3A_275 = vector.shape_cast %swap3A_274 : vector<1x1x16xi32> to vector<16xi32>
    %swap3A_276 = vector.shape_cast %add3A_268 : vector<16xi32> to vector<1x1x16xi32>
    tpu.vector_store %arg9[%swap3A_271, %swap3A_272, %swap3A_273], %swap3A_276 {strides = array<i32>} : memref<2x4x128xi32, #tpu.memory_space<vmem>>, vector<1x1x16xi32>,
    %get3A_277 = arith.constant 22 : i32
    %get3A_278 = arith.index_cast %get3A_277 : i32 to index
    %get3A_279 = arith.constant 32 : index
    %get3A_280 = tpu.vector_load %arg8[%get3A_278, %get3A_279] {strides = array<i32>} : memref<25x128xi32, #tpu.memory_space<vmem>>, vector<1x16xi32>,
    %get3A_281 = vector.shape_cast %get3A_280 : vector<1x16xi32> to vector<16xi32>
    %add3A_282 = vector.broadcast %add3A_246 : i32 to vector<16xi32>
    %add3A_283 = arith.addi %get3A_281, %add3A_282 : vector<16xi32>
    %swap3A_284 = arith.constant 1 : i32
    %swap3A_285 = arith.constant 1 : i32
    %swap3A_286 = arith.index_cast %swap3A_284 : i32 to index
    %swap3A_287 = arith.index_cast %swap3A_285 : i32 to index
    %swap3A_288 = arith.constant 32 : index
    %swap3A_289 = tpu.vector_load %arg9[%swap3A_286, %swap3A_287, %swap3A_288] {strides = array<i32>} : memref<2x4x128xi32, #tpu.memory_space<vmem>>, vector<1x1x16xi32>,
    %swap3A_290 = vector.shape_cast %swap3A_289 : vector<1x1x16xi32> to vector<16xi32>
    %swap3A_291 = vector.shape_cast %add3A_283 : vector<16xi32> to vector<1x1x16xi32>
    tpu.vector_store %arg9[%swap3A_286, %swap3A_287, %swap3A_288], %swap3A_291 {strides = array<i32>} : memref<2x4x128xi32, #tpu.memory_space<vmem>>, vector<1x1x16xi32>,
    %get3A_292 = arith.constant 22 : i32
    %get3A_293 = arith.index_cast %get3A_292 : i32 to index
    %get3A_294 = arith.constant 48 : index
    %get3A_295 = tpu.vector_load %arg8[%get3A_293, %get3A_294] {strides = array<i32>} : memref<25x128xi32, #tpu.memory_space<vmem>>, vector<1x16xi32>,
    %get3A_296 = vector.shape_cast %get3A_295 : vector<1x16xi32> to vector<16xi32>
    %add3A_297 = vector.broadcast %add3A_246 : i32 to vector<16xi32>
    %add3A_298 = arith.addi %get3A_296, %add3A_297 : vector<16xi32>
    %swap3A_299 = arith.constant 1 : i32
    %swap3A_300 = arith.constant 1 : i32
    %swap3A_301 = arith.index_cast %swap3A_299 : i32 to index
    %swap3A_302 = arith.index_cast %swap3A_300 : i32 to index
    %swap3A_303 = arith.constant 48 : index
    %swap3A_304 = tpu.vector_load %arg9[%swap3A_301, %swap3A_302, %swap3A_303] {strides = array<i32>} : memref<2x4x128xi32, #tpu.memory_space<vmem>>, vector<1x1x16xi32>,
    %swap3A_305 = vector.shape_cast %swap3A_304 : vector<1x1x16xi32> to vector<16xi32>
    %swap3A_306 = vector.shape_cast %add3A_298 : vector<16xi32> to vector<1x1x16xi32>
    tpu.vector_store %arg9[%swap3A_301, %swap3A_302, %swap3A_303], %swap3A_306 {strides = array<i32>} : memref<2x4x128xi32, #tpu.memory_space<vmem>>, vector<1x1x16xi32>,
    %get3A_307 = arith.constant 22 : i32
    %get3A_308 = arith.index_cast %get3A_307 : i32 to index
    %get3A_309 = arith.constant 64 : index
    %get3A_310 = tpu.vector_load %arg8[%get3A_308, %get3A_309] {strides = array<i32>} : memref<25x128xi32, #tpu.memory_space<vmem>>, vector<1x16xi32>,
    %get3A_311 = vector.shape_cast %get3A_310 : vector<1x16xi32> to vector<16xi32>
    %add3A_312 = vector.broadcast %add3A_246 : i32 to vector<16xi32>
    %add3A_313 = arith.addi %get3A_311, %add3A_312 : vector<16xi32>
    %swap3A_314 = arith.constant 1 : i32
    %swap3A_315 = arith.constant 1 : i32
    %swap3A_316 = arith.index_cast %swap3A_314 : i32 to index
    %swap3A_317 = arith.index_cast %swap3A_315 : i32 to index
    %swap3A_318 = arith.constant 64 : index
    %swap3A_319 = tpu.vector_load %arg9[%swap3A_316, %swap3A_317, %swap3A_318] {strides = array<i32>} : memref<2x4x128xi32, #tpu.memory_space<vmem>>, vector<1x1x16xi32>,
    %swap3A_320 = vector.shape_cast %swap3A_319 : vector<1x1x16xi32> to vector<16xi32>
    %swap3A_321 = vector.shape_cast %add3A_313 : vector<16xi32> to vector<1x1x16xi32>
    tpu.vector_store %arg9[%swap3A_316, %swap3A_317, %swap3A_318], %swap3A_321 {strides = array<i32>} : memref<2x4x128xi32, #tpu.memory_space<vmem>>, vector<1x1x16xi32>,
    %get3A_322 = arith.constant 22 : i32
    %get3A_323 = arith.index_cast %get3A_322 : i32 to index
    %get3A_324 = arith.constant 80 : index
    %get3A_325 = tpu.vector_load %arg8[%get3A_323, %get3A_324] {strides = array<i32>} : memref<25x128xi32, #tpu.memory_space<vmem>>, vector<1x16xi32>,
    %get3A_326 = vector.shape_cast %get3A_325 : vector<1x16xi32> to vector<16xi32>
    %add3A_327 = vector.broadcast %add3A_246 : i32 to vector<16xi32>
    %add3A_328 = arith.addi %get3A_326, %add3A_327 : vector<16xi32>
    %swap3A_329 = arith.constant 1 : i32
    %swap3A_330 = arith.constant 1 : i32
    %swap3A_331 = arith.index_cast %swap3A_329 : i32 to index
    %swap3A_332 = arith.index_cast %swap3A_330 : i32 to index
    %swap3A_333 = arith.constant 80 : index
    %swap3A_334 = tpu.vector_load %arg9[%swap3A_331, %swap3A_332, %swap3A_333] {strides = array<i32>} : memref<2x4x128xi32, #tpu.memory_space<vmem>>, vector<1x1x16xi32>,
    %swap3A_335 = vector.shape_cast %swap3A_334 : vector<1x1x16xi32> to vector<16xi32>
    %swap3A_336 = vector.shape_cast %add3A_328 : vector<16xi32> to vector<1x1x16xi32>
    tpu.vector_store %arg9[%swap3A_331, %swap3A_332, %swap3A_333], %swap3A_336 {strides = array<i32>} : memref<2x4x128xi32, #tpu.memory_space<vmem>>, vector<1x1x16xi32>,
    %get3A_337 = arith.constant 22 : i32
    %get3A_338 = arith.index_cast %get3A_337 : i32 to index
    %get3A_339 = arith.constant 96 : index
    %get3A_340 = tpu.vector_load %arg8[%get3A_338, %get3A_339] {strides = array<i32>} : memref<25x128xi32, #tpu.memory_space<vmem>>, vector<1x16xi32>,
    %get3A_341 = vector.shape_cast %get3A_340 : vector<1x16xi32> to vector<16xi32>
    %add3A_342 = vector.broadcast %add3A_246 : i32 to vector<16xi32>
    %add3A_343 = arith.addi %get3A_341, %add3A_342 : vector<16xi32>
    %swap3A_344 = arith.constant 1 : i32
    %swap3A_345 = arith.constant 1 : i32
    %swap3A_346 = arith.index_cast %swap3A_344 : i32 to index
    %swap3A_347 = arith.index_cast %swap3A_345 : i32 to index
    %swap3A_348 = arith.constant 96 : index
    %swap3A_349 = tpu.vector_load %arg9[%swap3A_346, %swap3A_347, %swap3A_348] {strides = array<i32>} : memref<2x4x128xi32, #tpu.memory_space<vmem>>, vector<1x1x16xi32>,
    %swap3A_350 = vector.shape_cast %swap3A_349 : vector<1x1x16xi32> to vector<16xi32>
    %swap3A_351 = vector.shape_cast %add3A_343 : vector<16xi32> to vector<1x1x16xi32>
    tpu.vector_store %arg9[%swap3A_346, %swap3A_347, %swap3A_348], %swap3A_351 {strides = array<i32>} : memref<2x4x128xi32, #tpu.memory_space<vmem>>, vector<1x1x16xi32>,
    %get3A_352 = arith.constant 22 : i32
    %get3A_353 = arith.index_cast %get3A_352 : i32 to index
    %get3A_354 = arith.constant 112 : index
    %get3A_355 = tpu.vector_load %arg8[%get3A_353, %get3A_354] {strides = array<i32>} : memref<25x128xi32, #tpu.memory_space<vmem>>, vector<1x16xi32>,
    %get3A_356 = vector.shape_cast %get3A_355 : vector<1x16xi32> to vector<16xi32>
    %add3A_357 = vector.broadcast %add3A_246 : i32 to vector<16xi32>
    %add3A_358 = arith.addi %get3A_356, %add3A_357 : vector<16xi32>
    %swap3A_359 = arith.constant 1 : i32
    %swap3A_360 = arith.constant 1 : i32
    %swap3A_361 = arith.index_cast %swap3A_359 : i32 to index
    %swap3A_362 = arith.index_cast %swap3A_360 : i32 to index
    %swap3A_363 = arith.constant 112 : index
    %swap3A_364 = tpu.vector_load %arg9[%swap3A_361, %swap3A_362, %swap3A_363] {strides = array<i32>} : memref<2x4x128xi32, #tpu.memory_space<vmem>>, vector<1x1x16xi32>,
    %swap3A_365 = vector.shape_cast %swap3A_364 : vector<1x1x16xi32> to vector<16xi32>
    %swap3A_366 = vector.shape_cast %add3A_358 : vector<16xi32> to vector<1x1x16xi32>
    tpu.vector_store %arg9[%swap3A_361, %swap3A_362, %swap3A_363], %swap3A_366 {strides = array<i32>} : memref<2x4x128xi32, #tpu.memory_space<vmem>>, vector<1x1x16xi32>,
    %mul3A_367 = arith.constant 128 : i32
    %mul3A_368 = arith.muli %arg1, %mul3A_367 : i32
    %add3A_369 = arith.constant 112 : i32
    %add3A_370 = arith.addi %mul3A_368, %add3A_369 : i32
    %get3A_371 = arith.constant 23 : i32
    %get3A_372 = arith.index_cast %get3A_371 : i32 to index
    %get3A_373 = arith.constant 0 : index
    %get3A_374 = tpu.vector_load %arg8[%get3A_372, %get3A_373] {strides = array<i32>} : memref<25x128xi32, #tpu.memory_space<vmem>>, vector<1x16xi32>,
    %get3A_375 = vector.shape_cast %get3A_374 : vector<1x16xi32> to vector<16xi32>
    %add3A_376 = vector.broadcast %add3A_370 : i32 to vector<16xi32>
    %add3A_377 = arith.addi %get3A_375, %add3A_376 : vector<16xi32>
    %swap3A_378 = arith.constant 1 : i32
    %swap3A_379 = arith.constant 2 : i32
    %swap3A_380 = arith.index_cast %swap3A_378 : i32 to index
    %swap3A_381 = arith.index_cast %swap3A_379 : i32 to index
    %swap3A_382 = arith.constant 0 : index
    %swap3A_383 = tpu.vector_load %arg9[%swap3A_380, %swap3A_381, %swap3A_382] {strides = array<i32>} : memref<2x4x128xi32, #tpu.memory_space<vmem>>, vector<1x1x16xi32>,
    %swap3A_384 = vector.shape_cast %swap3A_383 : vector<1x1x16xi32> to vector<16xi32>
    %swap3A_385 = vector.shape_cast %add3A_377 : vector<16xi32> to vector<1x1x16xi32>
    tpu.vector_store %arg9[%swap3A_380, %swap3A_381, %swap3A_382], %swap3A_385 {strides = array<i32>} : memref<2x4x128xi32, #tpu.memory_space<vmem>>, vector<1x1x16xi32>,
    %get3A_386 = arith.constant 23 : i32
    %get3A_387 = arith.index_cast %get3A_386 : i32 to index
    %get3A_388 = arith.constant 16 : index
    %get3A_389 = tpu.vector_load %arg8[%get3A_387, %get3A_388] {strides = array<i32>} : memref<25x128xi32, #tpu.memory_space<vmem>>, vector<1x16xi32>,
    %get3A_390 = vector.shape_cast %get3A_389 : vector<1x16xi32> to vector<16xi32>
    %add3A_391 = vector.broadcast %add3A_370 : i32 to vector<16xi32>
    %add3A_392 = arith.addi %get3A_390, %add3A_391 : vector<16xi32>
    %swap3A_393 = arith.constant 1 : i32
    %swap3A_394 = arith.constant 2 : i32
    %swap3A_395 = arith.index_cast %swap3A_393 : i32 to index
    %swap3A_396 = arith.index_cast %swap3A_394 : i32 to index
    %swap3A_397 = arith.constant 16 : index
    %swap3A_398 = tpu.vector_load %arg9[%swap3A_395, %swap3A_396, %swap3A_397] {strides = array<i32>} : memref<2x4x128xi32, #tpu.memory_space<vmem>>, vector<1x1x16xi32>,
    %swap3A_399 = vector.shape_cast %swap3A_398 : vector<1x1x16xi32> to vector<16xi32>
    %swap3A_400 = vector.shape_cast %add3A_392 : vector<16xi32> to vector<1x1x16xi32>
    tpu.vector_store %arg9[%swap3A_395, %swap3A_396, %swap3A_397], %swap3A_400 {strides = array<i32>} : memref<2x4x128xi32, #tpu.memory_space<vmem>>, vector<1x1x16xi32>,
    %get3A_401 = arith.constant 23 : i32
    %get3A_402 = arith.index_cast %get3A_401 : i32 to index
    %get3A_403 = arith.constant 32 : index
    %get3A_404 = tpu.vector_load %arg8[%get3A_402, %get3A_403] {strides = array<i32>} : memref<25x128xi32, #tpu.memory_space<vmem>>, vector<1x16xi32>,
    %get3A_405 = vector.shape_cast %get3A_404 : vector<1x16xi32> to vector<16xi32>
    %add3A_406 = vector.broadcast %add3A_370 : i32 to vector<16xi32>
    %add3A_407 = arith.addi %get3A_405, %add3A_406 : vector<16xi32>
    %swap3A_408 = arith.constant 1 : i32
    %swap3A_409 = arith.constant 2 : i32
    %swap3A_410 = arith.index_cast %swap3A_408 : i32 to index
    %swap3A_411 = arith.index_cast %swap3A_409 : i32 to index
    %swap3A_412 = arith.constant 32 : index
    %swap3A_413 = tpu.vector_load %arg9[%swap3A_410, %swap3A_411, %swap3A_412] {strides = array<i32>} : memref<2x4x128xi32, #tpu.memory_space<vmem>>, vector<1x1x16xi32>,
    %swap3A_414 = vector.shape_cast %swap3A_413 : vector<1x1x16xi32> to vector<16xi32>
    %swap3A_415 = vector.shape_cast %add3A_407 : vector<16xi32> to vector<1x1x16xi32>
    tpu.vector_store %arg9[%swap3A_410, %swap3A_411, %swap3A_412], %swap3A_415 {strides = array<i32>} : memref<2x4x128xi32, #tpu.memory_space<vmem>>, vector<1x1x16xi32>,
    %get3A_416 = arith.constant 23 : i32
    %get3A_417 = arith.index_cast %get3A_416 : i32 to index
    %get3A_418 = arith.constant 48 : index
    %get3A_419 = tpu.vector_load %arg8[%get3A_417, %get3A_418] {strides = array<i32>} : memref<25x128xi32, #tpu.memory_space<vmem>>, vector<1x16xi32>,
    %get3A_420 = vector.shape_cast %get3A_419 : vector<1x16xi32> to vector<16xi32>
    %add3A_421 = vector.broadcast %add3A_370 : i32 to vector<16xi32>
    %add3A_422 = arith.addi %get3A_420, %add3A_421 : vector<16xi32>
    %swap3A_423 = arith.constant 1 : i32
    %swap3A_424 = arith.constant 2 : i32
    %swap3A_425 = arith.index_cast %swap3A_423 : i32 to index
    %swap3A_426 = arith.index_cast %swap3A_424 : i32 to index
    %swap3A_427 = arith.constant 48 : index
    %swap3A_428 = tpu.vector_load %arg9[%swap3A_425, %swap3A_426, %swap3A_427] {strides = array<i32>} : memref<2x4x128xi32, #tpu.memory_space<vmem>>, vector<1x1x16xi32>,
    %swap3A_429 = vector.shape_cast %swap3A_428 : vector<1x1x16xi32> to vector<16xi32>
    %swap3A_430 = vector.shape_cast %add3A_422 : vector<16xi32> to vector<1x1x16xi32>
    tpu.vector_store %arg9[%swap3A_425, %swap3A_426, %swap3A_427], %swap3A_430 {strides = array<i32>} : memref<2x4x128xi32, #tpu.memory_space<vmem>>, vector<1x1x16xi32>,
    %get3A_431 = arith.constant 23 : i32
    %get3A_432 = arith.index_cast %get3A_431 : i32 to index
    %get3A_433 = arith.constant 64 : index
    %get3A_434 = tpu.vector_load %arg8[%get3A_432, %get3A_433] {strides = array<i32>} : memref<25x128xi32, #tpu.memory_space<vmem>>, vector<1x16xi32>,
    %get3A_435 = vector.shape_cast %get3A_434 : vector<1x16xi32> to vector<16xi32>
    %add3A_436 = vector.broadcast %add3A_370 : i32 to vector<16xi32>
    %add3A_437 = arith.addi %get3A_435, %add3A_436 : vector<16xi32>
    %swap3A_438 = arith.constant 1 : i32
    %swap3A_439 = arith.constant 2 : i32
    %swap3A_440 = arith.index_cast %swap3A_438 : i32 to index
    %swap3A_441 = arith.index_cast %swap3A_439 : i32 to index
    %swap3A_442 = arith.constant 64 : index
    %swap3A_443 = tpu.vector_load %arg9[%swap3A_440, %swap3A_441, %swap3A_442] {strides = array<i32>} : memref<2x4x128xi32, #tpu.memory_space<vmem>>, vector<1x1x16xi32>,
    %swap3A_444 = vector.shape_cast %swap3A_443 : vector<1x1x16xi32> to vector<16xi32>
    %swap3A_445 = vector.shape_cast %add3A_437 : vector<16xi32> to vector<1x1x16xi32>
    tpu.vector_store %arg9[%swap3A_440, %swap3A_441, %swap3A_442], %swap3A_445 {strides = array<i32>} : memref<2x4x128xi32, #tpu.memory_space<vmem>>, vector<1x1x16xi32>,
    %get3A_446 = arith.constant 23 : i32
    %get3A_447 = arith.index_cast %get3A_446 : i32 to index
    %get3A_448 = arith.constant 80 : index
    %get3A_449 = tpu.vector_load %arg8[%get3A_447, %get3A_448] {strides = array<i32>} : memref<25x128xi32, #tpu.memory_space<vmem>>, vector<1x16xi32>,
    %get3A_450 = vector.shape_cast %get3A_449 : vector<1x16xi32> to vector<16xi32>
    %add3A_451 = vector.broadcast %add3A_370 : i32 to vector<16xi32>
    %add3A_452 = arith.addi %get3A_450, %add3A_451 : vector<16xi32>
    %swap3A_453 = arith.constant 1 : i32
    %swap3A_454 = arith.constant 2 : i32
    %swap3A_455 = arith.index_cast %swap3A_453 : i32 to index
    %swap3A_456 = arith.index_cast %swap3A_454 : i32 to index
    %swap3A_457 = arith.constant 80 : index
    %swap3A_458 = tpu.vector_load %arg9[%swap3A_455, %swap3A_456, %swap3A_457] {strides = array<i32>} : memref<2x4x128xi32, #tpu.memory_space<vmem>>, vector<1x1x16xi32>,
    %swap3A_459 = vector.shape_cast %swap3A_458 : vector<1x1x16xi32> to vector<16xi32>
    %swap3A_460 = vector.shape_cast %add3A_452 : vector<16xi32> to vector<1x1x16xi32>
    tpu.vector_store %arg9[%swap3A_455, %swap3A_456, %swap3A_457], %swap3A_460 {strides = array<i32>} : memref<2x4x128xi32, #tpu.memory_space<vmem>>, vector<1x1x16xi32>,
    %get3A_461 = arith.constant 23 : i32
    %get3A_462 = arith.index_cast %get3A_461 : i32 to index
    %get3A_463 = arith.constant 96 : index
    %get3A_464 = tpu.vector_load %arg8[%get3A_462, %get3A_463] {strides = array<i32>} : memref<25x128xi32, #tpu.memory_space<vmem>>, vector<1x16xi32>,
    %get3A_465 = vector.shape_cast %get3A_464 : vector<1x16xi32> to vector<16xi32>
    %add3A_466 = vector.broadcast %add3A_370 : i32 to vector<16xi32>
    %add3A_467 = arith.addi %get3A_465, %add3A_466 : vector<16xi32>
    %swap3A_468 = arith.constant 1 : i32
    %swap3A_469 = arith.constant 2 : i32
    %swap3A_470 = arith.index_cast %swap3A_468 : i32 to index
    %swap3A_471 = arith.index_cast %swap3A_469 : i32 to index
    %swap3A_472 = arith.constant 96 : index
    %swap3A_473 = tpu.vector_load %arg9[%swap3A_470, %swap3A_471, %swap3A_472] {strides = array<i32>} : memref<2x4x128xi32, #tpu.memory_space<vmem>>, vector<1x1x16xi32>,
    %swap3A_474 = vector.shape_cast %swap3A_473 : vector<1x1x16xi32> to vector<16xi32>
    %swap3A_475 = vector.shape_cast %add3A_467 : vector<16xi32> to vector<1x1x16xi32>
    tpu.vector_store %arg9[%swap3A_470, %swap3A_471, %swap3A_472], %swap3A_475 {strides = array<i32>} : memref<2x4x128xi32, #tpu.memory_space<vmem>>, vector<1x1x16xi32>,
    %get3A_476 = arith.constant 23 : i32
    %get3A_477 = arith.index_cast %get3A_476 : i32 to index
    %get3A_478 = arith.constant 112 : index
    %get3A_479 = tpu.vector_load %arg8[%get3A_477, %get3A_478] {strides = array<i32>} : memref<25x128xi32, #tpu.memory_space<vmem>>, vector<1x16xi32>,
    %get3A_480 = vector.shape_cast %get3A_479 : vector<1x16xi32> to vector<16xi32>
    %add3A_481 = vector.broadcast %add3A_370 : i32 to vector<16xi32>
    %add3A_482 = arith.addi %get3A_480, %add3A_481 : vector<16xi32>
    %swap3A_483 = arith.constant 1 : i32
    %swap3A_484 = arith.constant 2 : i32
    %swap3A_485 = arith.index_cast %swap3A_483 : i32 to index
    %swap3A_486 = arith.index_cast %swap3A_484 : i32 to index
    %swap3A_487 = arith.constant 112 : index
    %swap3A_488 = tpu.vector_load %arg9[%swap3A_485, %swap3A_486, %swap3A_487] {strides = array<i32>} : memref<2x4x128xi32, #tpu.memory_space<vmem>>, vector<1x1x16xi32>,
    %swap3A_489 = vector.shape_cast %swap3A_488 : vector<1x1x16xi32> to vector<16xi32>
    %swap3A_490 = vector.shape_cast %add3A_482 : vector<16xi32> to vector<1x1x16xi32>
    tpu.vector_store %arg9[%swap3A_485, %swap3A_486, %swap3A_487], %swap3A_490 {strides = array<i32>} : memref<2x4x128xi32, #tpu.memory_space<vmem>>, vector<1x1x16xi32>,
    %mul3A_491 = arith.constant 128 : i32
    %mul3A_492 = arith.muli %arg1, %mul3A_491 : i32
    %add3A_493 = arith.constant 112 : i32
    %add3A_494 = arith.addi %mul3A_492, %add3A_493 : i32
    %get3A_495 = arith.constant 24 : i32
    %get3A_496 = arith.index_cast %get3A_495 : i32 to index
    %get3A_497 = arith.constant 0 : index
    %get3A_498 = tpu.vector_load %arg8[%get3A_496, %get3A_497] {strides = array<i32>} : memref<25x128xi32, #tpu.memory_space<vmem>>, vector<1x16xi32>,
    %get3A_499 = vector.shape_cast %get3A_498 : vector<1x16xi32> to vector<16xi32>
    %add3A_500 = vector.broadcast %add3A_494 : i32 to vector<16xi32>
    %add3A_501 = arith.addi %get3A_499, %add3A_500 : vector<16xi32>
    %swap3A_502 = arith.constant 1 : i32
    %swap3A_503 = arith.constant 3 : i32
    %swap3A_504 = arith.index_cast %swap3A_502 : i32 to index
    %swap3A_505 = arith.index_cast %swap3A_503 : i32 to index
    %swap3A_506 = arith.constant 0 : index
    %swap3A_507 = tpu.vector_load %arg9[%swap3A_504, %swap3A_505, %swap3A_506] {strides = array<i32>} : memref<2x4x128xi32, #tpu.memory_space<vmem>>, vector<1x1x16xi32>,
    %swap3A_508 = vector.shape_cast %swap3A_507 : vector<1x1x16xi32> to vector<16xi32>
    %swap3A_509 = vector.shape_cast %add3A_501 : vector<16xi32> to vector<1x1x16xi32>
    tpu.vector_store %arg9[%swap3A_504, %swap3A_505, %swap3A_506], %swap3A_509 {strides = array<i32>} : memref<2x4x128xi32, #tpu.memory_space<vmem>>, vector<1x1x16xi32>,
    %get3A_510 = arith.constant 24 : i32
    %get3A_511 = arith.index_cast %get3A_510 : i32 to index
    %get3A_512 = arith.constant 16 : index
    %get3A_513 = tpu.vector_load %arg8[%get3A_511, %get3A_512] {strides = array<i32>} : memref<25x128xi32, #tpu.memory_space<vmem>>, vector<1x16xi32>,
    %get3A_514 = vector.shape_cast %get3A_513 : vector<1x16xi32> to vector<16xi32>
    %add3A_515 = vector.broadcast %add3A_494 : i32 to vector<16xi32>
    %add3A_516 = arith.addi %get3A_514, %add3A_515 : vector<16xi32>
    %swap3A_517 = arith.constant 1 : i32
    %swap3A_518 = arith.constant 3 : i32
    %swap3A_519 = arith.index_cast %swap3A_517 : i32 to index
    %swap3A_520 = arith.index_cast %swap3A_518 : i32 to index
    %swap3A_521 = arith.constant 16 : index
    %swap3A_522 = tpu.vector_load %arg9[%swap3A_519, %swap3A_520, %swap3A_521] {strides = array<i32>} : memref<2x4x128xi32, #tpu.memory_space<vmem>>, vector<1x1x16xi32>,
    %swap3A_523 = vector.shape_cast %swap3A_522 : vector<1x1x16xi32> to vector<16xi32>
    %swap3A_524 = vector.shape_cast %add3A_516 : vector<16xi32> to vector<1x1x16xi32>
    tpu.vector_store %arg9[%swap3A_519, %swap3A_520, %swap3A_521], %swap3A_524 {strides = array<i32>} : memref<2x4x128xi32, #tpu.memory_space<vmem>>, vector<1x1x16xi32>,
    %get3A_525 = arith.constant 24 : i32
    %get3A_526 = arith.index_cast %get3A_525 : i32 to index
    %get3A_527 = arith.constant 32 : index
    %get3A_528 = tpu.vector_load %arg8[%get3A_526, %get3A_527] {strides = array<i32>} : memref<25x128xi32, #tpu.memory_space<vmem>>, vector<1x16xi32>,
    %get3A_529 = vector.shape_cast %get3A_528 : vector<1x16xi32> to vector<16xi32>
    %add3A_530 = vector.broadcast %add3A_494 : i32 to vector<16xi32>
    %add3A_531 = arith.addi %get3A_529, %add3A_530 : vector<16xi32>
    %swap3A_532 = arith.constant 1 : i32
    %swap3A_533 = arith.constant 3 : i32
    %swap3A_534 = arith.index_cast %swap3A_532 : i32 to index
    %swap3A_535 = arith.index_cast %swap3A_533 : i32 to index
    %swap3A_536 = arith.constant 32 : index
    %swap3A_537 = tpu.vector_load %arg9[%swap3A_534, %swap3A_535, %swap3A_536] {strides = array<i32>} : memref<2x4x128xi32, #tpu.memory_space<vmem>>, vector<1x1x16xi32>,
    %swap3A_538 = vector.shape_cast %swap3A_537 : vector<1x1x16xi32> to vector<16xi32>
    %swap3A_539 = vector.shape_cast %add3A_531 : vector<16xi32> to vector<1x1x16xi32>
    tpu.vector_store %arg9[%swap3A_534, %swap3A_535, %swap3A_536], %swap3A_539 {strides = array<i32>} : memref<2x4x128xi32, #tpu.memory_space<vmem>>, vector<1x1x16xi32>,
    %get3A_540 = arith.constant 24 : i32
    %get3A_541 = arith.index_cast %get3A_540 : i32 to index
    %get3A_542 = arith.constant 48 : index
    %get3A_543 = tpu.vector_load %arg8[%get3A_541, %get3A_542] {strides = array<i32>} : memref<25x128xi32, #tpu.memory_space<vmem>>, vector<1x16xi32>,
    %get3A_544 = vector.shape_cast %get3A_543 : vector<1x16xi32> to vector<16xi32>
    %add3A_545 = vector.broadcast %add3A_494 : i32 to vector<16xi32>
    %add3A_546 = arith.addi %get3A_544, %add3A_545 : vector<16xi32>
    %swap3A_547 = arith.constant 1 : i32
    %swap3A_548 = arith.constant 3 : i32
    %swap3A_549 = arith.index_cast %swap3A_547 : i32 to index
    %swap3A_550 = arith.index_cast %swap3A_548 : i32 to index
    %swap3A_551 = arith.constant 48 : index
    %swap3A_552 = tpu.vector_load %arg9[%swap3A_549, %swap3A_550, %swap3A_551] {strides = array<i32>} : memref<2x4x128xi32, #tpu.memory_space<vmem>>, vector<1x1x16xi32>,
    %swap3A_553 = vector.shape_cast %swap3A_552 : vector<1x1x16xi32> to vector<16xi32>
    %swap3A_554 = vector.shape_cast %add3A_546 : vector<16xi32> to vector<1x1x16xi32>
    tpu.vector_store %arg9[%swap3A_549, %swap3A_550, %swap3A_551], %swap3A_554 {strides = array<i32>} : memref<2x4x128xi32, #tpu.memory_space<vmem>>, vector<1x1x16xi32>,
    %get3A_555 = arith.constant 24 : i32
    %get3A_556 = arith.index_cast %get3A_555 : i32 to index
    %get3A_557 = arith.constant 64 : index
    %get3A_558 = tpu.vector_load %arg8[%get3A_556, %get3A_557] {strides = array<i32>} : memref<25x128xi32, #tpu.memory_space<vmem>>, vector<1x16xi32>,
    %get3A_559 = vector.shape_cast %get3A_558 : vector<1x16xi32> to vector<16xi32>
    %add3A_560 = vector.broadcast %add3A_494 : i32 to vector<16xi32>
    %add3A_561 = arith.addi %get3A_559, %add3A_560 : vector<16xi32>
    %swap3A_562 = arith.constant 1 : i32
    %swap3A_563 = arith.constant 3 : i32
    %swap3A_564 = arith.index_cast %swap3A_562 : i32 to index
    %swap3A_565 = arith.index_cast %swap3A_563 : i32 to index
    %swap3A_566 = arith.constant 64 : index
    %swap3A_567 = tpu.vector_load %arg9[%swap3A_564, %swap3A_565, %swap3A_566] {strides = array<i32>} : memref<2x4x128xi32, #tpu.memory_space<vmem>>, vector<1x1x16xi32>,
    %swap3A_568 = vector.shape_cast %swap3A_567 : vector<1x1x16xi32> to vector<16xi32>
    %swap3A_569 = vector.shape_cast %add3A_561 : vector<16xi32> to vector<1x1x16xi32>
    tpu.vector_store %arg9[%swap3A_564, %swap3A_565, %swap3A_566], %swap3A_569 {strides = array<i32>} : memref<2x4x128xi32, #tpu.memory_space<vmem>>, vector<1x1x16xi32>,
    %get3A_570 = arith.constant 24 : i32
    %get3A_571 = arith.index_cast %get3A_570 : i32 to index
    %get3A_572 = arith.constant 80 : index
    %get3A_573 = tpu.vector_load %arg8[%get3A_571, %get3A_572] {strides = array<i32>} : memref<25x128xi32, #tpu.memory_space<vmem>>, vector<1x16xi32>,
    %get3A_574 = vector.shape_cast %get3A_573 : vector<1x16xi32> to vector<16xi32>
    %add3A_575 = vector.broadcast %add3A_494 : i32 to vector<16xi32>
    %add3A_576 = arith.addi %get3A_574, %add3A_575 : vector<16xi32>
    %swap3A_577 = arith.constant 1 : i32
    %swap3A_578 = arith.constant 3 : i32
    %swap3A_579 = arith.index_cast %swap3A_577 : i32 to index
    %swap3A_580 = arith.index_cast %swap3A_578 : i32 to index
    %swap3A_581 = arith.constant 80 : index
    %swap3A_582 = tpu.vector_load %arg9[%swap3A_579, %swap3A_580, %swap3A_581] {strides = array<i32>} : memref<2x4x128xi32, #tpu.memory_space<vmem>>, vector<1x1x16xi32>,
    %swap3A_583 = vector.shape_cast %swap3A_582 : vector<1x1x16xi32> to vector<16xi32>
    %swap3A_584 = vector.shape_cast %add3A_576 : vector<16xi32> to vector<1x1x16xi32>
    tpu.vector_store %arg9[%swap3A_579, %swap3A_580, %swap3A_581], %swap3A_584 {strides = array<i32>} : memref<2x4x128xi32, #tpu.memory_space<vmem>>, vector<1x1x16xi32>,
    %get3A_585 = arith.constant 24 : i32
    %get3A_586 = arith.index_cast %get3A_585 : i32 to index
    %get3A_587 = arith.constant 96 : index
    %get3A_588 = tpu.vector_load %arg8[%get3A_586, %get3A_587] {strides = array<i32>} : memref<25x128xi32, #tpu.memory_space<vmem>>, vector<1x16xi32>,
    %get3A_589 = vector.shape_cast %get3A_588 : vector<1x16xi32> to vector<16xi32>
    %add3A_590 = vector.broadcast %add3A_494 : i32 to vector<16xi32>
    %add3A_591 = arith.addi %get3A_589, %add3A_590 : vector<16xi32>
    %swap3A_592 = arith.constant 1 : i32
    %swap3A_593 = arith.constant 3 : i32
    %swap3A_594 = arith.index_cast %swap3A_592 : i32 to index
    %swap3A_595 = arith.index_cast %swap3A_593 : i32 to index
    %swap3A_596 = arith.constant 96 : index
    %swap3A_597 = tpu.vector_load %arg9[%swap3A_594, %swap3A_595, %swap3A_596] {strides = array<i32>} : memref<2x4x128xi32, #tpu.memory_space<vmem>>, vector<1x1x16xi32>,
    %swap3A_598 = vector.shape_cast %swap3A_597 : vector<1x1x16xi32> to vector<16xi32>
    %swap3A_599 = vector.shape_cast %add3A_591 : vector<16xi32> to vector<1x1x16xi32>
    tpu.vector_store %arg9[%swap3A_594, %swap3A_595, %swap3A_596], %swap3A_599 {strides = array<i32>} : memref<2x4x128xi32, #tpu.memory_space<vmem>>, vector<1x1x16xi32>,
    %get3A_600 = arith.constant 24 : i32
    %get3A_601 = arith.index_cast %get3A_600 : i32 to index
    %get3A_602 = arith.constant 112 : index
    %get3A_603 = tpu.vector_load %arg8[%get3A_601, %get3A_602] {strides = array<i32>} : memref<25x128xi32, #tpu.memory_space<vmem>>, vector<1x16xi32>,
    %get3A_604 = vector.shape_cast %get3A_603 : vector<1x16xi32> to vector<16xi32>
    %add3A_605 = vector.broadcast %add3A_494 : i32 to vector<16xi32>
    %add3A_606 = arith.addi %get3A_604, %add3A_605 : vector<16xi32>
    %swap3A_607 = arith.constant 1 : i32
    %swap3A_608 = arith.constant 3 : i32
    %swap3A_609 = arith.index_cast %swap3A_607 : i32 to index
    %swap3A_610 = arith.index_cast %swap3A_608 : i32 to index
    %swap3A_611 = arith.constant 112 : index
    %swap3A_612 = tpu.vector_load %arg9[%swap3A_609, %swap3A_610, %swap3A_611] {strides = array<i32>} : memref<2x4x128xi32, #tpu.memory_space<vmem>>, vector<1x1x16xi32>,
    %swap3A_613 = vector.shape_cast %swap3A_612 : vector<1x1x16xi32> to vector<16xi32>
    %swap3A_614 = vector.shape_cast %add3A_606 : vector<16xi32> to vector<1x1x16xi32>
    tpu.vector_store %arg9[%swap3A_609, %swap3A_610, %swap3A_611], %swap3A_614 {strides = array<i32>} : memref<2x4x128xi32, #tpu.memory_space<vmem>>, vector<1x1x16xi32>,
    %dma_start3A_615 = arith.constant 1 : i32
    %dma_start3A_616 = arith.constant 0 : i32
    %dma_start3A_617 = arith.constant 1 : i32
    %dma_start3A_618 = arith.constant 0 : i32
    %dma_start3A_619 = arith.constant 0 : i32
    %dma_start3A_620 = arith.constant 0 : i32
    %dma_start3A_621 = tpu.memref_slice %arg10[%dma_start3A_615, %dma_start3A_619, %dma_start3A_620] : memref<2x512x64xf32, #tpu.memory_space<vmem>> -> memref<1x128x64xf32, #tpu.memory_space<vmem>>
    %dma_start3A_622 = tpu.memref_squeeze %dma_start3A_621 : memref<1x128x64xf32, #tpu.memory_space<vmem>> -> memref<128x64xf32, #tpu.memory_space<vmem>>
    %dma_start3A_623 = arith.constant 0 : i32
    %dma_start3A_624 = tpu.memref_slice %arg9[%dma_start3A_617, %dma_start3A_618, %dma_start3A_623] : memref<2x4x128xi32, #tpu.memory_space<vmem>> -> memref<1x1x128xi32, #tpu.memory_space<vmem>>
    %dma_start3A_625 = tpu.memref_squeeze %dma_start3A_624 : memref<1x1x128xi32, #tpu.memory_space<vmem>> -> memref<128xi32, #tpu.memory_space<vmem>>
    %dma_start3A_626 = arith.constant 0 : i32
    %dma_start3A_627 = arith.constant 0 : i32
    %dma_start3A_628 = tpu.memref_slice %arg11[%dma_start3A_616, %dma_start3A_626, %dma_start3A_627] : memref<2x2048x64xf32, #tpu.memory_space<vmem_shared>> -> memref<1x2048x64xf32, #tpu.memory_space<vmem_shared>>
    %dma_start3A_629 = tpu.memref_squeeze %dma_start3A_628 : memref<1x2048x64xf32, #tpu.memory_space<vmem_shared>> -> memref<2048x64xf32, #tpu.memory_space<vmem_shared>>
    %dma_start3A_630 = arith.constant 0 : i32
    %dma_start3A_631 = arith.constant 0 : i32
    %dma_start3A_632 = tpu.memref_slice %dma_start3A_629[%dma_start3A_630, %dma_start3A_631] : memref<2048x64xf32, #tpu.memory_space<vmem_shared>> -> memref<2048x64xf32, #tpu.memory_space<vmem_shared>>
    tpu.enqueue_indirect_dma source(%dma_start3A_622 : memref<128x64xf32, #tpu.memory_space<vmem>>) target(%dma_start3A_632 : memref<2048x64xf32, #tpu.memory_space<vmem_shared>>) offsets(%dma_start3A_625 : memref<128xi32, #tpu.memory_space<vmem>>) semaphore(%arg13 : memref<!tpu.dma_semaphore, #tpu.memory_space<semaphore_mem>>) {add = true}
    %dma_wait3A_633 = arith.constant 1 : i32
    %dma_wait3A_634 = arith.constant 0 : i32
    %dma_wait3A_635 = arith.constant 1 : i32
    %dma_wait3A_636 = arith.constant 0 : i32
    %dma_wait3A_637 = arith.constant 0 : i32
    %dma_wait3A_638 = arith.constant 0 : i32
    %dma_wait3A_639 = tpu.memref_slice %arg10[%dma_wait3A_633, %dma_wait3A_637, %dma_wait3A_638] : memref<2x512x64xf32, #tpu.memory_space<vmem>> -> memref<1x128x64xf32, #tpu.memory_space<vmem>>
    %dma_wait3A_640 = tpu.memref_squeeze %dma_wait3A_639 : memref<1x128x64xf32, #tpu.memory_space<vmem>> -> memref<128x64xf32, #tpu.memory_space<vmem>>
    %dma_wait3A_641 = arith.constant 0 : i32
    %dma_wait3A_642 = tpu.memref_slice %arg9[%dma_wait3A_635, %dma_wait3A_636, %dma_wait3A_641] : memref<2x4x128xi32, #tpu.memory_space<vmem>> -> memref<1x1x128xi32, #tpu.memory_space<vmem>>
    %dma_wait3A_643 = tpu.memref_squeeze %dma_wait3A_642 : memref<1x1x128xi32, #tpu.memory_space<vmem>> -> memref<128xi32, #tpu.memory_space<vmem>>
    %dma_wait3A_644 = arith.constant 0 : i32
    %dma_wait3A_645 = arith.constant 0 : i32
    %dma_wait3A_646 = tpu.memref_slice %arg11[%dma_wait3A_634, %dma_wait3A_644, %dma_wait3A_645] : memref<2x2048x64xf32, #tpu.memory_space<vmem_shared>> -> memref<1x2048x64xf32, #tpu.memory_space<vmem_shared>>
    %dma_wait3A_647 = tpu.memref_squeeze %dma_wait3A_646 : memref<1x2048x64xf32, #tpu.memory_space<vmem_shared>> -> memref<2048x64xf32, #tpu.memory_space<vmem_shared>>
    %dma_wait3A_648 = arith.constant 0 : i32
    %dma_wait3A_649 = arith.constant 0 : i32
    %dma_wait3A_650 = tpu.memref_slice %dma_wait3A_647[%dma_wait3A_648, %dma_wait3A_649] : memref<2048x64xf32, #tpu.memory_space<vmem_shared>> -> memref<2048x64xf32, #tpu.memory_space<vmem_shared>>
    tpu.wait_indirect_dma semaphore(%arg13 : memref<!tpu.dma_semaphore, #tpu.memory_space<semaphore_mem>>) src(%dma_wait3A_640 : memref<128x64xf32, #tpu.memory_space<vmem>>) dst(%dma_wait3A_650 : memref<2048x64xf32, #tpu.memory_space<vmem_shared>>)
    %dma_start3A_651 = arith.constant 1 : i32
    %dma_start3A_652 = arith.constant 1 : i32
    %dma_start3A_653 = arith.constant 1 : i32
    %dma_start3A_654 = arith.constant 1 : i32
    %dma_start3A_655 = arith.constant 128 : i32
    %dma_start3A_656 = arith.constant 0 : i32
    %dma_start3A_657 = tpu.memref_slice %arg10[%dma_start3A_651, %dma_start3A_655, %dma_start3A_656] : memref<2x512x64xf32, #tpu.memory_space<vmem>> -> memref<1x128x64xf32, #tpu.memory_space<vmem>>
    %dma_start3A_658 = tpu.memref_squeeze %dma_start3A_657 : memref<1x128x64xf32, #tpu.memory_space<vmem>> -> memref<128x64xf32, #tpu.memory_space<vmem>>
    %dma_start3A_659 = arith.constant 0 : i32
    %dma_start3A_660 = tpu.memref_slice %arg9[%dma_start3A_653, %dma_start3A_654, %dma_start3A_659] : memref<2x4x128xi32, #tpu.memory_space<vmem>> -> memref<1x1x128xi32, #tpu.memory_space<vmem>>
    %dma_start3A_661 = tpu.memref_squeeze %dma_start3A_660 : memref<1x1x128xi32, #tpu.memory_space<vmem>> -> memref<128xi32, #tpu.memory_space<vmem>>
    %dma_start3A_662 = arith.constant 0 : i32
    %dma_start3A_663 = arith.constant 0 : i32
    %dma_start3A_664 = tpu.memref_slice %arg11[%dma_start3A_652, %dma_start3A_662, %dma_start3A_663] : memref<2x2048x64xf32, #tpu.memory_space<vmem_shared>> -> memref<1x2048x64xf32, #tpu.memory_space<vmem_shared>>
    %dma_start3A_665 = tpu.memref_squeeze %dma_start3A_664 : memref<1x2048x64xf32, #tpu.memory_space<vmem_shared>> -> memref<2048x64xf32, #tpu.memory_space<vmem_shared>>
    %dma_start3A_666 = arith.constant 0 : i32
    %dma_start3A_667 = arith.constant 0 : i32
    %dma_start3A_668 = tpu.memref_slice %dma_start3A_665[%dma_start3A_666, %dma_start3A_667] : memref<2048x64xf32, #tpu.memory_space<vmem_shared>> -> memref<2048x64xf32, #tpu.memory_space<vmem_shared>>
    tpu.enqueue_indirect_dma source(%dma_start3A_658 : memref<128x64xf32, #tpu.memory_space<vmem>>) target(%dma_start3A_668 : memref<2048x64xf32, #tpu.memory_space<vmem_shared>>) offsets(%dma_start3A_661 : memref<128xi32, #tpu.memory_space<vmem>>) semaphore(%arg13 : memref<!tpu.dma_semaphore, #tpu.memory_space<semaphore_mem>>) {add = true}
    %dma_wait3A_669 = arith.constant 1 : i32
    %dma_wait3A_670 = arith.constant 1 : i32
    %dma_wait3A_671 = arith.constant 1 : i32
    %dma_wait3A_672 = arith.constant 1 : i32
    %dma_wait3A_673 = arith.constant 128 : i32
    %dma_wait3A_674 = arith.constant 0 : i32
    %dma_wait3A_675 = tpu.memref_slice %arg10[%dma_wait3A_669, %dma_wait3A_673, %dma_wait3A_674] : memref<2x512x64xf32, #tpu.memory_space<vmem>> -> memref<1x128x64xf32, #tpu.memory_space<vmem>>
    %dma_wait3A_676 = tpu.memref_squeeze %dma_wait3A_675 : memref<1x128x64xf32, #tpu.memory_space<vmem>> -> memref<128x64xf32, #tpu.memory_space<vmem>>
    %dma_wait3A_677 = arith.constant 0 : i32
    %dma_wait3A_678 = tpu.memref_slice %arg9[%dma_wait3A_671, %dma_wait3A_672, %dma_wait3A_677] : memref<2x4x128xi32, #tpu.memory_space<vmem>> -> memref<1x1x128xi32, #tpu.memory_space<vmem>>
    %dma_wait3A_679 = tpu.memref_squeeze %dma_wait3A_678 : memref<1x1x128xi32, #tpu.memory_space<vmem>> -> memref<128xi32, #tpu.memory_space<vmem>>
    %dma_wait3A_680 = arith.constant 0 : i32
    %dma_wait3A_681 = arith.constant 0 : i32
    %dma_wait3A_682 = tpu.memref_slice %arg11[%dma_wait3A_670, %dma_wait3A_680, %dma_wait3A_681] : memref<2x2048x64xf32, #tpu.memory_space<vmem_shared>> -> memref<1x2048x64xf32, #tpu.memory_space<vmem_shared>>
    %dma_wait3A_683 = tpu.memref_squeeze %dma_wait3A_682 : memref<1x2048x64xf32, #tpu.memory_space<vmem_shared>> -> memref<2048x64xf32, #tpu.memory_space<vmem_shared>>
    %dma_wait3A_684 = arith.constant 0 : i32
    %dma_wait3A_685 = arith.constant 0 : i32
    %dma_wait3A_686 = tpu.memref_slice %dma_wait3A_683[%dma_wait3A_684, %dma_wait3A_685] : memref<2048x64xf32, #tpu.memory_space<vmem_shared>> -> memref<2048x64xf32, #tpu.memory_space<vmem_shared>>
    tpu.wait_indirect_dma semaphore(%arg13 : memref<!tpu.dma_semaphore, #tpu.memory_space<semaphore_mem>>) src(%dma_wait3A_676 : memref<128x64xf32, #tpu.memory_space<vmem>>) dst(%dma_wait3A_686 : memref<2048x64xf32, #tpu.memory_space<vmem_shared>>)
    %dma_start3A_687 = arith.constant 1 : i32
    %dma_start3A_688 = arith.constant 0 : i32
    %dma_start3A_689 = arith.constant 1 : i32
    %dma_start3A_690 = arith.constant 2 : i32
    %dma_start3A_691 = arith.constant 256 : i32
    %dma_start3A_692 = arith.constant 0 : i32
    %dma_start3A_693 = tpu.memref_slice %arg10[%dma_start3A_687, %dma_start3A_691, %dma_start3A_692] : memref<2x512x64xf32, #tpu.memory_space<vmem>> -> memref<1x128x64xf32, #tpu.memory_space<vmem>>
    %dma_start3A_694 = tpu.memref_squeeze %dma_start3A_693 : memref<1x128x64xf32, #tpu.memory_space<vmem>> -> memref<128x64xf32, #tpu.memory_space<vmem>>
    %dma_start3A_695 = arith.constant 0 : i32
    %dma_start3A_696 = tpu.memref_slice %arg9[%dma_start3A_689, %dma_start3A_690, %dma_start3A_695] : memref<2x4x128xi32, #tpu.memory_space<vmem>> -> memref<1x1x128xi32, #tpu.memory_space<vmem>>
    %dma_start3A_697 = tpu.memref_squeeze %dma_start3A_696 : memref<1x1x128xi32, #tpu.memory_space<vmem>> -> memref<128xi32, #tpu.memory_space<vmem>>
    %dma_start3A_698 = arith.constant 0 : i32
    %dma_start3A_699 = arith.constant 0 : i32
    %dma_start3A_700 = tpu.memref_slice %arg11[%dma_start3A_688, %dma_start3A_698, %dma_start3A_699] : memref<2x2048x64xf32, #tpu.memory_space<vmem_shared>> -> memref<1x2048x64xf32, #tpu.memory_space<vmem_shared>>
    %dma_start3A_701 = tpu.memref_squeeze %dma_start3A_700 : memref<1x2048x64xf32, #tpu.memory_space<vmem_shared>> -> memref<2048x64xf32, #tpu.memory_space<vmem_shared>>
    %dma_start3A_702 = arith.constant 0 : i32
    %dma_start3A_703 = arith.constant 0 : i32
    %dma_start3A_704 = tpu.memref_slice %dma_start3A_701[%dma_start3A_702, %dma_start3A_703] : memref<2048x64xf32, #tpu.memory_space<vmem_shared>> -> memref<2048x64xf32, #tpu.memory_space<vmem_shared>>
    tpu.enqueue_indirect_dma source(%dma_start3A_694 : memref<128x64xf32, #tpu.memory_space<vmem>>) target(%dma_start3A_704 : memref<2048x64xf32, #tpu.memory_space<vmem_shared>>) offsets(%dma_start3A_697 : memref<128xi32, #tpu.memory_space<vmem>>) semaphore(%arg13 : memref<!tpu.dma_semaphore, #tpu.memory_space<semaphore_mem>>) {add = true}
    %dma_wait3A_705 = arith.constant 1 : i32
    %dma_wait3A_706 = arith.constant 0 : i32
    %dma_wait3A_707 = arith.constant 1 : i32
    %dma_wait3A_708 = arith.constant 2 : i32
    %dma_wait3A_709 = arith.constant 256 : i32
    %dma_wait3A_710 = arith.constant 0 : i32
    %dma_wait3A_711 = tpu.memref_slice %arg10[%dma_wait3A_705, %dma_wait3A_709, %dma_wait3A_710] : memref<2x512x64xf32, #tpu.memory_space<vmem>> -> memref<1x128x64xf32, #tpu.memory_space<vmem>>
    %dma_wait3A_712 = tpu.memref_squeeze %dma_wait3A_711 : memref<1x128x64xf32, #tpu.memory_space<vmem>> -> memref<128x64xf32, #tpu.memory_space<vmem>>
    %dma_wait3A_713 = arith.constant 0 : i32
    %dma_wait3A_714 = tpu.memref_slice %arg9[%dma_wait3A_707, %dma_wait3A_708, %dma_wait3A_713] : memref<2x4x128xi32, #tpu.memory_space<vmem>> -> memref<1x1x128xi32, #tpu.memory_space<vmem>>
    %dma_wait3A_715 = tpu.memref_squeeze %dma_wait3A_714 : memref<1x1x128xi32, #tpu.memory_space<vmem>> -> memref<128xi32, #tpu.memory_space<vmem>>
    %dma_wait3A_716 = arith.constant 0 : i32
    %dma_wait3A_717 = arith.constant 0 : i32
    %dma_wait3A_718 = tpu.memref_slice %arg11[%dma_wait3A_706, %dma_wait3A_716, %dma_wait3A_717] : memref<2x2048x64xf32, #tpu.memory_space<vmem_shared>> -> memref<1x2048x64xf32, #tpu.memory_space<vmem_shared>>
    %dma_wait3A_719 = tpu.memref_squeeze %dma_wait3A_718 : memref<1x2048x64xf32, #tpu.memory_space<vmem_shared>> -> memref<2048x64xf32, #tpu.memory_space<vmem_shared>>
    %dma_wait3A_720 = arith.constant 0 : i32
    %dma_wait3A_721 = arith.constant 0 : i32
    %dma_wait3A_722 = tpu.memref_slice %dma_wait3A_719[%dma_wait3A_720, %dma_wait3A_721] : memref<2048x64xf32, #tpu.memory_space<vmem_shared>> -> memref<2048x64xf32, #tpu.memory_space<vmem_shared>>
    tpu.wait_indirect_dma semaphore(%arg13 : memref<!tpu.dma_semaphore, #tpu.memory_space<semaphore_mem>>) src(%dma_wait3A_712 : memref<128x64xf32, #tpu.memory_space<vmem>>) dst(%dma_wait3A_722 : memref<2048x64xf32, #tpu.memory_space<vmem_shared>>)
    %dma_start3A_723 = arith.constant 1 : i32
    %dma_start3A_724 = arith.constant 1 : i32
    %dma_start3A_725 = arith.constant 1 : i32
    %dma_start3A_726 = arith.constant 3 : i32
    %dma_start3A_727 = arith.constant 384 : i32
    %dma_start3A_728 = arith.constant 0 : i32
    %dma_start3A_729 = tpu.memref_slice %arg10[%dma_start3A_723, %dma_start3A_727, %dma_start3A_728] : memref<2x512x64xf32, #tpu.memory_space<vmem>> -> memref<1x128x64xf32, #tpu.memory_space<vmem>>
    %dma_start3A_730 = tpu.memref_squeeze %dma_start3A_729 : memref<1x128x64xf32, #tpu.memory_space<vmem>> -> memref<128x64xf32, #tpu.memory_space<vmem>>
    %dma_start3A_731 = arith.constant 0 : i32
    %dma_start3A_732 = tpu.memref_slice %arg9[%dma_start3A_725, %dma_start3A_726, %dma_start3A_731] : memref<2x4x128xi32, #tpu.memory_space<vmem>> -> memref<1x1x128xi32, #tpu.memory_space<vmem>>
    %dma_start3A_733 = tpu.memref_squeeze %dma_start3A_732 : memref<1x1x128xi32, #tpu.memory_space<vmem>> -> memref<128xi32, #tpu.memory_space<vmem>>
    %dma_start3A_734 = arith.constant 0 : i32
    %dma_start3A_735 = arith.constant 0 : i32
    %dma_start3A_736 = tpu.memref_slice %arg11[%dma_start3A_724, %dma_start3A_734, %dma_start3A_735] : memref<2x2048x64xf32, #tpu.memory_space<vmem_shared>> -> memref<1x2048x64xf32, #tpu.memory_space<vmem_shared>>
    %dma_start3A_737 = tpu.memref_squeeze %dma_start3A_736 : memref<1x2048x64xf32, #tpu.memory_space<vmem_shared>> -> memref<2048x64xf32, #tpu.memory_space<vmem_shared>>
    %dma_start3A_738 = arith.constant 0 : i32
    %dma_start3A_739 = arith.constant 0 : i32
    %dma_start3A_740 = tpu.memref_slice %dma_start3A_737[%dma_start3A_738, %dma_start3A_739] : memref<2048x64xf32, #tpu.memory_space<vmem_shared>> -> memref<2048x64xf32, #tpu.memory_space<vmem_shared>>
    tpu.enqueue_indirect_dma source(%dma_start3A_730 : memref<128x64xf32, #tpu.memory_space<vmem>>) target(%dma_start3A_740 : memref<2048x64xf32, #tpu.memory_space<vmem_shared>>) offsets(%dma_start3A_733 : memref<128xi32, #tpu.memory_space<vmem>>) semaphore(%arg13 : memref<!tpu.dma_semaphore, #tpu.memory_space<semaphore_mem>>) {add = true}
    %dma_wait3A_741 = arith.constant 1 : i32
    %dma_wait3A_742 = arith.constant 1 : i32
    %dma_wait3A_743 = arith.constant 1 : i32
    %dma_wait3A_744 = arith.constant 3 : i32
    %dma_wait3A_745 = arith.constant 384 : i32
    %dma_wait3A_746 = arith.constant 0 : i32
    %dma_wait3A_747 = tpu.memref_slice %arg10[%dma_wait3A_741, %dma_wait3A_745, %dma_wait3A_746] : memref<2x512x64xf32, #tpu.memory_space<vmem>> -> memref<1x128x64xf32, #tpu.memory_space<vmem>>
    %dma_wait3A_748 = tpu.memref_squeeze %dma_wait3A_747 : memref<1x128x64xf32, #tpu.memory_space<vmem>> -> memref<128x64xf32, #tpu.memory_space<vmem>>
    %dma_wait3A_749 = arith.constant 0 : i32
    %dma_wait3A_750 = tpu.memref_slice %arg9[%dma_wait3A_743, %dma_wait3A_744, %dma_wait3A_749] : memref<2x4x128xi32, #tpu.memory_space<vmem>> -> memref<1x1x128xi32, #tpu.memory_space<vmem>>
    %dma_wait3A_751 = tpu.memref_squeeze %dma_wait3A_750 : memref<1x1x128xi32, #tpu.memory_space<vmem>> -> memref<128xi32, #tpu.memory_space<vmem>>
    %dma_wait3A_752 = arith.constant 0 : i32
    %dma_wait3A_753 = arith.constant 0 : i32
    %dma_wait3A_754 = tpu.memref_slice %arg11[%dma_wait3A_742, %dma_wait3A_752, %dma_wait3A_753] : memref<2x2048x64xf32, #tpu.memory_space<vmem_shared>> -> memref<1x2048x64xf32, #tpu.memory_space<vmem_shared>>
    %dma_wait3A_755 = tpu.memref_squeeze %dma_wait3A_754 : memref<1x2048x64xf32, #tpu.memory_space<vmem_shared>> -> memref<2048x64xf32, #tpu.memory_space<vmem_shared>>
    %dma_wait3A_756 = arith.constant 0 : i32
    %dma_wait3A_757 = arith.constant 0 : i32
    %dma_wait3A_758 = tpu.memref_slice %dma_wait3A_755[%dma_wait3A_756, %dma_wait3A_757] : memref<2048x64xf32, #tpu.memory_space<vmem_shared>> -> memref<2048x64xf32, #tpu.memory_space<vmem_shared>>
    tpu.wait_indirect_dma semaphore(%arg13 : memref<!tpu.dma_semaphore, #tpu.memory_space<semaphore_mem>>) src(%dma_wait3A_748 : memref<128x64xf32, #tpu.memory_space<vmem>>) dst(%dma_wait3A_758 : memref<2048x64xf32, #tpu.memory_space<vmem_shared>>)
    %run_scoped3A_759 = arith.constant 0 : i32
    %run_scoped3A_760 = arith.constant 0 : i32
    "tpu.region"() ({
      %run_scoped3A_776 = tpu.sem_alloc : memref<!tpu.dma_semaphore, #tpu.memory_space<semaphore_mem>>
      %dma_start3A_777 = arith.constant 0 : i32
      %dma_start3A_778 = arith.constant 0 : i32
      %dma_start3A_779 = tpu.memref_slice %arg10[%run_scoped3A_760, %dma_start3A_777, %dma_start3A_778] : memref<2x512x64xf32, #tpu.memory_space<vmem>> -> memref<1x128x64xf32, #tpu.memory_space<vmem>>
      %dma_start3A_780 = tpu.memref_squeeze %dma_start3A_779 : memref<1x128x64xf32, #tpu.memory_space<vmem>> -> memref<128x64xf32, #tpu.memory_space<vmem>>
      %dma_start3A_781 = arith.constant 0 : i32
      %dma_start3A_782 = tpu.memref_slice %arg11[%run_scoped3A_759, %mul3A_0, %dma_start3A_781] : memref<2x2048x64xf32, #tpu.memory_space<vmem_shared>> -> memref<1x128x64xf32, #tpu.memory_space<vmem_shared>>
      %dma_start3A_783 = tpu.memref_squeeze %dma_start3A_782 : memref<1x128x64xf32, #tpu.memory_space<vmem_shared>> -> memref<128x64xf32, #tpu.memory_space<vmem_shared>>
      %dma_start3A_784 = arith.constant 0 : i32
      %dma_start3A_785 = arith.constant 0 : i32
      %dma_start3A_786 = tpu.memref_slice %arg10[%run_scoped3A_760, %dma_start3A_784, %dma_start3A_785] : memref<2x512x64xf32, #tpu.memory_space<vmem>> -> memref<1x128x64xf32, #tpu.memory_space<vmem>>
      %dma_start3A_787 = tpu.memref_squeeze %dma_start3A_786 : memref<1x128x64xf32, #tpu.memory_space<vmem>> -> memref<128x64xf32, #tpu.memory_space<vmem>>
      %dma_start3A_788 = arith.constant 0 : i32
      %dma_start3A_789 = tpu.memref_slice %arg11[%run_scoped3A_759, %mul3A_0, %dma_start3A_788] : memref<2x2048x64xf32, #tpu.memory_space<vmem_shared>> -> memref<1x128x64xf32, #tpu.memory_space<vmem_shared>>
      %dma_start3A_790 = tpu.memref_squeeze %dma_start3A_789 : memref<1x128x64xf32, #tpu.memory_space<vmem_shared>> -> memref<128x64xf32, #tpu.memory_space<vmem_shared>>
      tpu.enqueue_dma source(%dma_start3A_790 : memref<128x64xf32, #tpu.memory_space<vmem_shared>>) target(%dma_start3A_787 : memref<128x64xf32, #tpu.memory_space<vmem>>) target_semaphore(%run_scoped3A_776 : memref<!tpu.dma_semaphore, #tpu.memory_space<semaphore_mem>>)
      %dma_wait3A_791 = arith.constant 0 : i32
      %dma_wait3A_792 = arith.constant 0 : i32
      %dma_wait3A_793 = tpu.memref_slice %arg10[%run_scoped3A_760, %dma_wait3A_791, %dma_wait3A_792] : memref<2x512x64xf32, #tpu.memory_space<vmem>> -> memref<1x128x64xf32, #tpu.memory_space<vmem>>
      %dma_wait3A_794 = tpu.memref_squeeze %dma_wait3A_793 : memref<1x128x64xf32, #tpu.memory_space<vmem>> -> memref<128x64xf32, #tpu.memory_space<vmem>>
      %dma_wait3A_795 = arith.constant 0 : i32
      %dma_wait3A_796 = tpu.memref_slice %arg11[%run_scoped3A_759, %mul3A_0, %dma_wait3A_795] : memref<2x2048x64xf32, #tpu.memory_space<vmem_shared>> -> memref<1x128x64xf32, #tpu.memory_space<vmem_shared>>
      %dma_wait3A_797 = tpu.memref_squeeze %dma_wait3A_796 : memref<1x128x64xf32, #tpu.memory_space<vmem_shared>> -> memref<128x64xf32, #tpu.memory_space<vmem_shared>>
      %dma_wait3A_798 = arith.constant 0 : i32
      %dma_wait3A_799 = arith.constant 0 : i32
      %dma_wait3A_800 = tpu.memref_slice %arg10[%run_scoped3A_760, %dma_wait3A_798, %dma_wait3A_799] : memref<2x512x64xf32, #tpu.memory_space<vmem>> -> memref<1x128x64xf32, #tpu.memory_space<vmem>>
      %dma_wait3A_801 = tpu.memref_squeeze %dma_wait3A_800 : memref<1x128x64xf32, #tpu.memory_space<vmem>> -> memref<128x64xf32, #tpu.memory_space<vmem>>
      %dma_wait3A_802 = arith.constant 0 : i32
      %dma_wait3A_803 = tpu.memref_slice %arg11[%run_scoped3A_759, %mul3A_0, %dma_wait3A_802] : memref<2x2048x64xf32, #tpu.memory_space<vmem_shared>> -> memref<1x128x64xf32, #tpu.memory_space<vmem_shared>>
      %dma_wait3A_804 = tpu.memref_squeeze %dma_wait3A_803 : memref<1x128x64xf32, #tpu.memory_space<vmem_shared>> -> memref<128x64xf32, #tpu.memory_space<vmem_shared>>
      tpu.wait_dma2 semaphore(%run_scoped3A_776 : memref<!tpu.dma_semaphore, #tpu.memory_space<semaphore_mem>>) src(%dma_wait3A_804 : memref<128x64xf32, #tpu.memory_space<vmem_shared>>) dst(%dma_wait3A_801 : memref<128x64xf32, #tpu.memory_space<vmem>>)
      tpu.yield
    }) : () -> ()
    %run_scoped3A_761 = arith.constant 1 : i32
    %run_scoped3A_762 = arith.constant 1 : i32
    "tpu.region"() ({
      %run_scoped3A_776 = tpu.sem_alloc : memref<!tpu.dma_semaphore, #tpu.memory_space<semaphore_mem>>
      %dma_start3A_777 = arith.constant 0 : i32
      %dma_start3A_778 = arith.constant 0 : i32
      %dma_start3A_779 = tpu.memref_slice %arg10[%run_scoped3A_762, %dma_start3A_777, %dma_start3A_778] : memref<2x512x64xf32, #tpu.memory_space<vmem>> -> memref<1x128x64xf32, #tpu.memory_space<vmem>>
      %dma_start3A_780 = tpu.memref_squeeze %dma_start3A_779 : memref<1x128x64xf32, #tpu.memory_space<vmem>> -> memref<128x64xf32, #tpu.memory_space<vmem>>
      %dma_start3A_781 = arith.constant 0 : i32
      %dma_start3A_782 = tpu.memref_slice %arg11[%run_scoped3A_761, %mul3A_0, %dma_start3A_781] : memref<2x2048x64xf32, #tpu.memory_space<vmem_shared>> -> memref<1x128x64xf32, #tpu.memory_space<vmem_shared>>
      %dma_start3A_783 = tpu.memref_squeeze %dma_start3A_782 : memref<1x128x64xf32, #tpu.memory_space<vmem_shared>> -> memref<128x64xf32, #tpu.memory_space<vmem_shared>>
      %dma_start3A_784 = arith.constant 0 : i32
      %dma_start3A_785 = arith.constant 0 : i32
      %dma_start3A_786 = tpu.memref_slice %arg10[%run_scoped3A_762, %dma_start3A_784, %dma_start3A_785] : memref<2x512x64xf32, #tpu.memory_space<vmem>> -> memref<1x128x64xf32, #tpu.memory_space<vmem>>
      %dma_start3A_787 = tpu.memref_squeeze %dma_start3A_786 : memref<1x128x64xf32, #tpu.memory_space<vmem>> -> memref<128x64xf32, #tpu.memory_space<vmem>>
      %dma_start3A_788 = arith.constant 0 : i32
      %dma_start3A_789 = tpu.memref_slice %arg11[%run_scoped3A_761, %mul3A_0, %dma_start3A_788] : memref<2x2048x64xf32, #tpu.memory_space<vmem_shared>> -> memref<1x128x64xf32, #tpu.memory_space<vmem_shared>>
      %dma_start3A_790 = tpu.memref_squeeze %dma_start3A_789 : memref<1x128x64xf32, #tpu.memory_space<vmem_shared>> -> memref<128x64xf32, #tpu.memory_space<vmem_shared>>
      tpu.enqueue_dma source(%dma_start3A_790 : memref<128x64xf32, #tpu.memory_space<vmem_shared>>) target(%dma_start3A_787 : memref<128x64xf32, #tpu.memory_space<vmem>>) target_semaphore(%run_scoped3A_776 : memref<!tpu.dma_semaphore, #tpu.memory_space<semaphore_mem>>)
      %dma_wait3A_791 = arith.constant 0 : i32
      %dma_wait3A_792 = arith.constant 0 : i32
      %dma_wait3A_793 = tpu.memref_slice %arg10[%run_scoped3A_762, %dma_wait3A_791, %dma_wait3A_792] : memref<2x512x64xf32, #tpu.memory_space<vmem>> -> memref<1x128x64xf32, #tpu.memory_space<vmem>>
      %dma_wait3A_794 = tpu.memref_squeeze %dma_wait3A_793 : memref<1x128x64xf32, #tpu.memory_space<vmem>> -> memref<128x64xf32, #tpu.memory_space<vmem>>
      %dma_wait3A_795 = arith.constant 0 : i32
      %dma_wait3A_796 = tpu.memref_slice %arg11[%run_scoped3A_761, %mul3A_0, %dma_wait3A_795] : memref<2x2048x64xf32, #tpu.memory_space<vmem_shared>> -> memref<1x128x64xf32, #tpu.memory_space<vmem_shared>>
      %dma_wait3A_797 = tpu.memref_squeeze %dma_wait3A_796 : memref<1x128x64xf32, #tpu.memory_space<vmem_shared>> -> memref<128x64xf32, #tpu.memory_space<vmem_shared>>
      %dma_wait3A_798 = arith.constant 0 : i32
      %dma_wait3A_799 = arith.constant 0 : i32
      %dma_wait3A_800 = tpu.memref_slice %arg10[%run_scoped3A_762, %dma_wait3A_798, %dma_wait3A_799] : memref<2x512x64xf32, #tpu.memory_space<vmem>> -> memref<1x128x64xf32, #tpu.memory_space<vmem>>
      %dma_wait3A_801 = tpu.memref_squeeze %dma_wait3A_800 : memref<1x128x64xf32, #tpu.memory_space<vmem>> -> memref<128x64xf32, #tpu.memory_space<vmem>>
      %dma_wait3A_802 = arith.constant 0 : i32
      %dma_wait3A_803 = tpu.memref_slice %arg11[%run_scoped3A_761, %mul3A_0, %dma_wait3A_802] : memref<2x2048x64xf32, #tpu.memory_space<vmem_shared>> -> memref<1x128x64xf32, #tpu.memory_space<vmem_shared>>
      %dma_wait3A_804 = tpu.memref_squeeze %dma_wait3A_803 : memref<1x128x64xf32, #tpu.memory_space<vmem_shared>> -> memref<128x64xf32, #tpu.memory_space<vmem_shared>>
      tpu.wait_dma2 semaphore(%run_scoped3A_776 : memref<!tpu.dma_semaphore, #tpu.memory_space<semaphore_mem>>) src(%dma_wait3A_804 : memref<128x64xf32, #tpu.memory_space<vmem_shared>>) dst(%dma_wait3A_801 : memref<128x64xf32, #tpu.memory_space<vmem>>)
      tpu.yield
    }) : () -> ()
    %scan3A_763 = arith.constant 0 : i32
    %scan3A_764 = arith.constant 0 : i32
    %scan3A_765 = arith.constant 128 : i32
    %scan3A_766 = arith.addi %scan3A_764, %scan3A_765 : i32
    %scan3A_767 = arith.constant 1 : i32
    scf.for %scan3A_776 = %scan3A_764 to %scan3A_766 step %scan3A_767  : i32 {
      %get3A_777 = arith.constant 0 : i32
      %get3A_778 = arith.index_cast %get3A_777 : i32 to index
      %get3A_779 = arith.index_cast %scan3A_776 : i32 to index
      %get3A_780 = arith.constant 0 : index
      %get3A_781 = tpu.vector_load %arg10[%get3A_778, %get3A_779, %get3A_780] {strides = array<i32>} : memref<2x512x64xf32, #tpu.memory_space<vmem>>, vector<1x1x16xf32>,
      %get3A_782 = vector.shape_cast %get3A_781 : vector<1x1x16xf32> to vector<16xf32>
      %get3A_783 = arith.constant 1 : i32
      %get3A_784 = arith.index_cast %get3A_783 : i32 to index
      %get3A_785 = arith.index_cast %scan3A_776 : i32 to index
      %get3A_786 = arith.constant 0 : index
      %get3A_787 = tpu.vector_load %arg10[%get3A_784, %get3A_785, %get3A_786] {strides = array<i32>} : memref<2x512x64xf32, #tpu.memory_space<vmem>>, vector<1x1x16xf32>,
      %get3A_788 = vector.shape_cast %get3A_787 : vector<1x1x16xf32> to vector<16xf32>
      %add3A_789 = arith.addf %get3A_782, %get3A_788 : vector<16xf32>
      %swap3A_790 = arith.constant 0 : i32
      %swap3A_791 = arith.index_cast %swap3A_790 : i32 to index
      %swap3A_792 = arith.index_cast %scan3A_776 : i32 to index
      %swap3A_793 = arith.constant 0 : index
      %swap3A_794 = tpu.vector_load %arg10[%swap3A_791, %swap3A_792, %swap3A_793] {strides = array<i32>} : memref<2x512x64xf32, #tpu.memory_space<vmem>>, vector<1x1x16xf32>,
      %swap3A_795 = vector.shape_cast %swap3A_794 : vector<1x1x16xf32> to vector<16xf32>
      %swap3A_796 = vector.shape_cast %add3A_789 : vector<16xf32> to vector<1x1x16xf32>
      tpu.vector_store %arg10[%swap3A_791, %swap3A_792, %swap3A_793], %swap3A_796 {strides = array<i32>} : memref<2x512x64xf32, #tpu.memory_space<vmem>>, vector<1x1x16xf32>,
      %get3A_797 = arith.constant 0 : i32
      %get3A_798 = arith.index_cast %get3A_797 : i32 to index
      %get3A_799 = arith.index_cast %scan3A_776 : i32 to index
      %get3A_800 = arith.constant 16 : index
      %get3A_801 = tpu.vector_load %arg10[%get3A_798, %get3A_799, %get3A_800] {strides = array<i32>} : memref<2x512x64xf32, #tpu.memory_space<vmem>>, vector<1x1x16xf32>,
      %get3A_802 = vector.shape_cast %get3A_801 : vector<1x1x16xf32> to vector<16xf32>
      %get3A_803 = arith.constant 1 : i32
      %get3A_804 = arith.index_cast %get3A_803 : i32 to index
      %get3A_805 = arith.index_cast %scan3A_776 : i32 to index
      %get3A_806 = arith.constant 16 : index
      %get3A_807 = tpu.vector_load %arg10[%get3A_804, %get3A_805, %get3A_806] {strides = array<i32>} : memref<2x512x64xf32, #tpu.memory_space<vmem>>, vector<1x1x16xf32>,
      %get3A_808 = vector.shape_cast %get3A_807 : vector<1x1x16xf32> to vector<16xf32>
      %add3A_809 = arith.addf %get3A_802, %get3A_808 : vector<16xf32>
      %swap3A_810 = arith.constant 0 : i32
      %swap3A_811 = arith.index_cast %swap3A_810 : i32 to index
      %swap3A_812 = arith.index_cast %scan3A_776 : i32 to index
      %swap3A_813 = arith.constant 16 : index
      %swap3A_814 = tpu.vector_load %arg10[%swap3A_811, %swap3A_812, %swap3A_813] {strides = array<i32>} : memref<2x512x64xf32, #tpu.memory_space<vmem>>, vector<1x1x16xf32>,
      %swap3A_815 = vector.shape_cast %swap3A_814 : vector<1x1x16xf32> to vector<16xf32>
      %swap3A_816 = vector.shape_cast %add3A_809 : vector<16xf32> to vector<1x1x16xf32>
      tpu.vector_store %arg10[%swap3A_811, %swap3A_812, %swap3A_813], %swap3A_816 {strides = array<i32>} : memref<2x512x64xf32, #tpu.memory_space<vmem>>, vector<1x1x16xf32>,
      %get3A_817 = arith.constant 0 : i32
      %get3A_818 = arith.index_cast %get3A_817 : i32 to index
      %get3A_819 = arith.index_cast %scan3A_776 : i32 to index
      %get3A_820 = arith.constant 32 : index
      %get3A_821 = tpu.vector_load %arg10[%get3A_818, %get3A_819, %get3A_820] {strides = array<i32>} : memref<2x512x64xf32, #tpu.memory_space<vmem>>, vector<1x1x16xf32>,
      %get3A_822 = vector.shape_cast %get3A_821 : vector<1x1x16xf32> to vector<16xf32>
      %get3A_823 = arith.constant 1 : i32
      %get3A_824 = arith.index_cast %get3A_823 : i32 to index
      %get3A_825 = arith.index_cast %scan3A_776 : i32 to index
      %get3A_826 = arith.constant 32 : index
      %get3A_827 = tpu.vector_load %arg10[%get3A_824, %get3A_825, %get3A_826] {strides = array<i32>} : memref<2x512x64xf32, #tpu.memory_space<vmem>>, vector<1x1x16xf32>,
      %get3A_828 = vector.shape_cast %get3A_827 : vector<1x1x16xf32> to vector<16xf32>
      %add3A_829 = arith.addf %get3A_822, %get3A_828 : vector<16xf32>
      %swap3A_830 = arith.constant 0 : i32
      %swap3A_831 = arith.index_cast %swap3A_830 : i32 to index
      %swap3A_832 = arith.index_cast %scan3A_776 : i32 to index
      %swap3A_833 = arith.constant 32 : index
      %swap3A_834 = tpu.vector_load %arg10[%swap3A_831, %swap3A_832, %swap3A_833] {strides = array<i32>} : memref<2x512x64xf32, #tpu.memory_space<vmem>>, vector<1x1x16xf32>,
      %swap3A_835 = vector.shape_cast %swap3A_834 : vector<1x1x16xf32> to vector<16xf32>
      %swap3A_836 = vector.shape_cast %add3A_829 : vector<16xf32> to vector<1x1x16xf32>
      tpu.vector_store %arg10[%swap3A_831, %swap3A_832, %swap3A_833], %swap3A_836 {strides = array<i32>} : memref<2x512x64xf32, #tpu.memory_space<vmem>>, vector<1x1x16xf32>,
      %get3A_837 = arith.constant 0 : i32
      %get3A_838 = arith.index_cast %get3A_837 : i32 to index
      %get3A_839 = arith.index_cast %scan3A_776 : i32 to index
      %get3A_840 = arith.constant 48 : index
      %get3A_841 = tpu.vector_load %arg10[%get3A_838, %get3A_839, %get3A_840] {strides = array<i32>} : memref<2x512x64xf32, #tpu.memory_space<vmem>>, vector<1x1x16xf32>,
      %get3A_842 = vector.shape_cast %get3A_841 : vector<1x1x16xf32> to vector<16xf32>
      %get3A_843 = arith.constant 1 : i32
      %get3A_844 = arith.index_cast %get3A_843 : i32 to index
      %get3A_845 = arith.index_cast %scan3A_776 : i32 to index
      %get3A_846 = arith.constant 48 : index
      %get3A_847 = tpu.vector_load %arg10[%get3A_844, %get3A_845, %get3A_846] {strides = array<i32>} : memref<2x512x64xf32, #tpu.memory_space<vmem>>, vector<1x1x16xf32>,
      %get3A_848 = vector.shape_cast %get3A_847 : vector<1x1x16xf32> to vector<16xf32>
      %add3A_849 = arith.addf %get3A_842, %get3A_848 : vector<16xf32>
      %swap3A_850 = arith.constant 0 : i32
      %swap3A_851 = arith.index_cast %swap3A_850 : i32 to index
      %swap3A_852 = arith.index_cast %scan3A_776 : i32 to index
      %swap3A_853 = arith.constant 48 : index
      %swap3A_854 = tpu.vector_load %arg10[%swap3A_851, %swap3A_852, %swap3A_853] {strides = array<i32>} : memref<2x512x64xf32, #tpu.memory_space<vmem>>, vector<1x1x16xf32>,
      %swap3A_855 = vector.shape_cast %swap3A_854 : vector<1x1x16xf32> to vector<16xf32>
      %swap3A_856 = vector.shape_cast %add3A_849 : vector<16xf32> to vector<1x1x16xf32>
      tpu.vector_store %arg10[%swap3A_851, %swap3A_852, %swap3A_853], %swap3A_856 {strides = array<i32>} : memref<2x512x64xf32, #tpu.memory_space<vmem>>, vector<1x1x16xf32>,
    }
    %scan3A_768 = arith.constant 128 : i32
    %mul3A_769 = arith.constant 2048 : i32
    %mul3A_770 = arith.muli %arg0, %mul3A_769 : i32
    %mul3A_771 = arith.constant 128 : i32
    %mul3A_772 = arith.muli %arg1, %mul3A_771 : i32
    %add3A_773 = arith.addi %mul3A_770, %mul3A_772 : i32
    %multiple_of3A_774 = tpu.assume_multiple %add3A_773, 128 : i32
    %run_scoped3A_775 = arith.constant 0 : i32
    "tpu.region"() ({
      %run_scoped3A_776 = tpu.sem_alloc : memref<!tpu.dma_semaphore, #tpu.memory_space<semaphore_mem>>
      %dma_start3A_777 = arith.constant 0 : i32
      %dma_start3A_778 = arith.constant 0 : i32
      %dma_start3A_779 = tpu.memref_slice %arg10[%run_scoped3A_775, %dma_start3A_777, %dma_start3A_778] : memref<2x512x64xf32, #tpu.memory_space<vmem>> -> memref<1x128x64xf32, #tpu.memory_space<vmem>>
      %dma_start3A_780 = tpu.memref_squeeze %dma_start3A_779 : memref<1x128x64xf32, #tpu.memory_space<vmem>> -> memref<128x64xf32, #tpu.memory_space<vmem>>
      %dma_start3A_781 = arith.constant 0 : i32
      %dma_start3A_782 = tpu.memref_slice %arg6[%multiple_of3A_774, %dma_start3A_781] : memref<4096x64xf32, #tpu.memory_space<hbm>> -> memref<128x64xf32, #tpu.memory_space<hbm>>
      %dma_start3A_783 = arith.constant 0 : i32
      %dma_start3A_784 = tpu.memref_slice %arg6[%multiple_of3A_774, %dma_start3A_783] : memref<4096x64xf32, #tpu.memory_space<hbm>> -> memref<128x64xf32, #tpu.memory_space<hbm>>
      %dma_start3A_785 = arith.constant 0 : i32
      %dma_start3A_786 = arith.constant 0 : i32
      %dma_start3A_787 = tpu.memref_slice %arg10[%run_scoped3A_775, %dma_start3A_785, %dma_start3A_786] : memref<2x512x64xf32, #tpu.memory_space<vmem>> -> memref<1x128x64xf32, #tpu.memory_space<vmem>>
      %dma_start3A_788 = tpu.memref_squeeze %dma_start3A_787 : memref<1x128x64xf32, #tpu.memory_space<vmem>> -> memref<128x64xf32, #tpu.memory_space<vmem>>
      tpu.enqueue_dma source(%dma_start3A_788 : memref<128x64xf32, #tpu.memory_space<vmem>>) target(%dma_start3A_784 : memref<128x64xf32, #tpu.memory_space<hbm>>) target_semaphore(%run_scoped3A_776 : memref<!tpu.dma_semaphore, #tpu.memory_space<semaphore_mem>>)
      %dma_wait3A_789 = arith.constant 0 : i32
      %dma_wait3A_790 = arith.constant 0 : i32
      %dma_wait3A_791 = tpu.memref_slice %arg10[%run_scoped3A_775, %dma_wait3A_789, %dma_wait3A_790] : memref<2x512x64xf32, #tpu.memory_space<vmem>> -> memref<1x128x64xf32, #tpu.memory_space<vmem>>
      %dma_wait3A_792 = tpu.memref_squeeze %dma_wait3A_791 : memref<1x128x64xf32, #tpu.memory_space<vmem>> -> memref<128x64xf32, #tpu.memory_space<vmem>>
      %dma_wait3A_793 = arith.constant 0 : i32
      %dma_wait3A_794 = tpu.memref_slice %arg6[%multiple_of3A_774, %dma_wait3A_793] : memref<4096x64xf32, #tpu.memory_space<hbm>> -> memref<128x64xf32, #tpu.memory_space<hbm>>
      %dma_wait3A_795 = arith.constant 0 : i32
      %dma_wait3A_796 = tpu.memref_slice %arg6[%multiple_of3A_774, %dma_wait3A_795] : memref<4096x64xf32, #tpu.memory_space<hbm>> -> memref<128x64xf32, #tpu.memory_space<hbm>>
      %dma_wait3A_797 = arith.constant 0 : i32
      %dma_wait3A_798 = arith.constant 0 : i32
      %dma_wait3A_799 = tpu.memref_slice %arg10[%run_scoped3A_775, %dma_wait3A_797, %dma_wait3A_798] : memref<2x512x64xf32, #tpu.memory_space<vmem>> -> memref<1x128x64xf32, #tpu.memory_space<vmem>>
      %dma_wait3A_800 = tpu.memref_squeeze %dma_wait3A_799 : memref<1x128x64xf32, #tpu.memory_space<vmem>> -> memref<128x64xf32, #tpu.memory_space<vmem>>
      tpu.wait_dma2 semaphore(%run_scoped3A_776 : memref<!tpu.dma_semaphore, #tpu.memory_space<semaphore_mem>>) src(%dma_wait3A_800 : memref<128x64xf32, #tpu.memory_space<vmem>>) dst(%dma_wait3A_796 : memref<128x64xf32, #tpu.memory_space<hbm>>)
      tpu.yield
    }) : () -> ()
    return
  }
}

module attributes {stable_mosaic.version = 14 : i64} {
  func.func @_repack_body(%arg0: i32, %arg1: memref<64x4096xf32, #tpu.memory_space<vmem>>, %arg2: memref<2048x128xf32, #tpu.memory_space<vmem>>) attributes {dimension_semantics = [#tpu.dimension_semantics<arbitrary>], iteration_bounds = array<i64: 245>, scalar_prefetch = 0 : i64, scratch_operands = 0 : i64, tpu.core_type = #tpu.core_type<tc>, window_params = [{transform_indices = @transform_0, window_bounds = array<i64: 64, 4096>}, {transform_indices = @transform_1, window_bounds = array<i64: 2048, 128>}]} {
    %get3A = arith.constant 0 : index
    %get3A_0 = arith.constant 0 : index
    %get3A_1 = vector.load %arg1[%get3A, %get3A_0] : memref<64x4096xf32, #tpu.memory_space<vmem>>, vector<64x4096xf32>
    %transpose3A = tpu.transpose %get3A_1, [1, 0] : vector<64x4096xf32> -> vector<4096x64xf32>
    %slice3A = vector.extract_strided_slice %transpose3A {offsets = [0, 0], sizes = [2048, 64], strides = [1, 1]} : vector<4096x64xf32> to vector<2048x64xf32>
    %slice3A_2 = vector.extract_strided_slice %transpose3A {offsets = [2048, 0], sizes = [2048, 64], strides = [1, 1]} : vector<4096x64xf32> to vector<2048x64xf32>
    %concatenate3A = tpu.concatenate %slice3A, %slice3A_2 in 1 : vector<2048x64xf32>, vector<2048x64xf32> -> vector<2048x128xf32>
    %swap3A = arith.constant 0 : index
    %swap3A_3 = arith.constant 0 : index
    %swap3A_4 = vector.load %arg2[%swap3A, %swap3A_3] : memref<2048x128xf32, #tpu.memory_space<vmem>>, vector<2048x128xf32>
    tpu.vector_store %arg2[%swap3A, %swap3A_3], %concatenate3A {strides = array<i32>} : memref<2048x128xf32, #tpu.memory_space<vmem>>, vector<2048x128xf32>,
    return
  }
  func.func @transform_0(%arg0: i32) -> (i32, i32) {
    %c0_i32 = arith.constant 0 : i32
    %c0_i32_0 = arith.constant 0 : i32
    return %c0_i32, %arg0 : i32, i32
  }
  func.func @transform_1(%arg0: i32) -> (i32, i32) {
    %c0_i32 = arith.constant 0 : i32
    %c0_i32_0 = arith.constant 0 : i32
    return %arg0, %c0_i32 : i32, i32
  }
}

module attributes {stable_mosaic.version = 14 : i64} {
  func.func @_mlp_body(%arg0: i32, %arg1: memref<256x64xf32, #tpu.memory_space<vmem>>, %arg2: memref<64x128xf32, #tpu.memory_space<vmem>>, %arg3: memref<1x128xf32, #tpu.memory_space<vmem>>, %arg4: memref<128x64xf32, #tpu.memory_space<vmem>>, %arg5: memref<1x64xf32, #tpu.memory_space<vmem>>, %arg6: memref<256x64xf32, #tpu.memory_space<vmem>>) attributes {dimension_semantics = [#tpu.dimension_semantics<arbitrary>], iteration_bounds = array<i64: 16>, scalar_prefetch = 0 : i64, scratch_operands = 0 : i64, tpu.core_type = #tpu.core_type<tc>, window_params = [{transform_indices = @transform_0, window_bounds = array<i64: 256, 64>}, {pipeline_mode = #tpu.pipeline_mode<synchronous>, transform_indices = @transform_1, window_bounds = array<i64: 64, 128>}, {pipeline_mode = #tpu.pipeline_mode<synchronous>, transform_indices = @transform_2, window_bounds = array<i64: 1, 128>}, {pipeline_mode = #tpu.pipeline_mode<synchronous>, transform_indices = @transform_3, window_bounds = array<i64: 128, 64>}, {pipeline_mode = #tpu.pipeline_mode<synchronous>, transform_indices = @transform_4, window_bounds = array<i64: 1, 64>}, {transform_indices = @transform_5, window_bounds = array<i64: 256, 64>}]} {
    %get3A = arith.constant 0 : index
    %get3A_0 = arith.constant 0 : index
    %get3A_1 = vector.load %arg1[%get3A, %get3A_0] : memref<256x64xf32, #tpu.memory_space<vmem>>, vector<256x64xf32>
    %mul3A = arith.constant 5.000000e-03 : f32
    %mul3A_2 = vector.broadcast %mul3A : f32 to vector<256x64xf32>
    %mul3A_3 = arith.mulf %get3A_1, %mul3A_2 : vector<256x64xf32>
    %get3A_4 = arith.constant 0 : index
    %get3A_5 = arith.constant 0 : index
    %get3A_6 = vector.load %arg2[%get3A_4, %get3A_5] : memref<64x128xf32, #tpu.memory_space<vmem>>, vector<64x128xf32>
    %dot_general3A = arith.constant dense<0.000000e+00> : vector<256x128xf32>
    %dot_general3A_7 = tpu.matmul %mul3A_3, %get3A_6, %dot_general3A {dimension_numbers = #tpu.dot_dimension_numbers<[1], [0], [0], [1], [0, 0, 1, 1], [], []>, transpose_lhs_hint = false} : vector<256x64xf32>, vector<64x128xf32>, vector<256x128xf32> -> vector<256x128xf32>
    %get3A_8 = arith.constant 0 : index
    %get3A_9 = arith.constant 0 : index
    %get3A_10 = vector.load %arg3[%get3A_8, %get3A_9] : memref<1x128xf32, #tpu.memory_space<vmem>>, vector<1x128xf32>
    %add3A = vector.broadcast %get3A_10 : vector<1x128xf32> to vector<256x128xf32>
    %add3A_11 = arith.addf %dot_general3A_7, %add3A : vector<256x128xf32>
    %max3A = arith.constant 0.000000e+00 : f32
    %max3A_12 = vector.broadcast %max3A : f32 to vector<256x128xf32>
    %max3A_13 = arith.maximumf %add3A_11, %max3A_12 : vector<256x128xf32>
    %get3A_14 = arith.constant 0 : index
    %get3A_15 = arith.constant 0 : index
    %get3A_16 = vector.load %arg4[%get3A_14, %get3A_15] : memref<128x64xf32, #tpu.memory_space<vmem>>, vector<128x64xf32>
    %dot_general3A_17 = arith.constant dense<0.000000e+00> : vector<256x64xf32>
    %dot_general3A_18 = tpu.matmul %max3A_13, %get3A_16, %dot_general3A_17 {dimension_numbers = #tpu.dot_dimension_numbers<[1], [0], [0], [1], [0, 0, 1, 1], [], []>, transpose_lhs_hint = false} : vector<256x128xf32>, vector<128x64xf32>, vector<256x64xf32> -> vector<256x64xf32>
    %get3A_19 = arith.constant 0 : index
    %get3A_20 = arith.constant 0 : index
    %get3A_21 = vector.load %arg5[%get3A_19, %get3A_20] : memref<1x64xf32, #tpu.memory_space<vmem>>, vector<1x64xf32>
    %add3A_22 = vector.broadcast %get3A_21 : vector<1x64xf32> to vector<256x64xf32>
    %add3A_23 = arith.addf %dot_general3A_18, %add3A_22 : vector<256x64xf32>
    %mul3A_24 = arith.mulf %add3A_23, %add3A_23 : vector<256x64xf32>
    %reduce_sum3A = arith.constant dense<0.000000e+00> : vector<256xf32>
    %reduce_sum3A_25 = vector.multi_reduction <add>, %mul3A_24, %reduce_sum3A [1] : vector<256x64xf32> to vector<256xf32>
    %broadcast_in_dim3A = vector.shape_cast %reduce_sum3A_25 : vector<256xf32> to vector<256x1xf32>
    %sqrt3A = math.sqrt %broadcast_in_dim3A : vector<256x1xf32>
    %max3A_26 = arith.constant 1.000000e-15 : f32
    %max3A_27 = vector.broadcast %max3A_26 : f32 to vector<256x1xf32>
    %max3A_28 = arith.maximumf %sqrt3A, %max3A_27 : vector<256x1xf32>
    %gt3A = arith.constant 0.999989986 : f32
    %gt3A_29 = vector.broadcast %gt3A : f32 to vector<256x1xf32>
    %gt3A_30 = arith.cmpf ogt, %max3A_28, %gt3A_29 : vector<256x1xf32>
    %div3A = arith.constant 0.999989986 : f32
    %div3A_31 = vector.broadcast %div3A : f32 to vector<256x1xf32>
    %div3A_32 = arith.divf %div3A_31, %max3A_28 : vector<256x1xf32>
    %jit3A = arith.constant 1.000000e+00 : f32
    %broadcast_in_dim3A_33 = vector.broadcast %jit3A : f32 to vector<256x1xf32>
    %select_n3A = arith.select %gt3A_30, %div3A_32, %broadcast_in_dim3A_33 : vector<256x1xi1>, vector<256x1xf32>
    %mul3A_34 = vector.broadcast %select_n3A : vector<256x1xf32> to vector<256x64xf32>
    %mul3A_35 = arith.mulf %add3A_23, %mul3A_34 : vector<256x64xf32>
    %swap3A = arith.constant 0 : index
    %swap3A_36 = arith.constant 0 : index
    %swap3A_37 = vector.load %arg6[%swap3A, %swap3A_36] : memref<256x64xf32, #tpu.memory_space<vmem>>, vector<256x64xf32>
    tpu.vector_store %arg6[%swap3A, %swap3A_36], %mul3A_35 {strides = array<i32>} : memref<256x64xf32, #tpu.memory_space<vmem>>, vector<256x64xf32>,
    return
  }
  func.func @transform_0(%arg0: i32) -> (i32, i32) {
    %c0_i32 = arith.constant 0 : i32
    %c0_i32_0 = arith.constant 0 : i32
    return %arg0, %c0_i32 : i32, i32
  }
  func.func @transform_1(%arg0: i32) -> (i32, i32) {
    %c0_i32 = arith.constant 0 : i32
    %c0_i32_0 = arith.constant 0 : i32
    %c0_i32_1 = arith.constant 0 : i32
    return %c0_i32, %c0_i32_0 : i32, i32
  }
  func.func @transform_2(%arg0: i32) -> (i32, i32) {
    %c0_i32 = arith.constant 0 : i32
    %c0_i32_0 = arith.constant 0 : i32
    %c0_i32_1 = arith.constant 0 : i32
    return %c0_i32, %c0_i32_0 : i32, i32
  }
  func.func @transform_3(%arg0: i32) -> (i32, i32) {
    %c0_i32 = arith.constant 0 : i32
    %c0_i32_0 = arith.constant 0 : i32
    %c0_i32_1 = arith.constant 0 : i32
    return %c0_i32, %c0_i32_0 : i32, i32
  }
  func.func @transform_4(%arg0: i32) -> (i32, i32) {
    %c0_i32 = arith.constant 0 : i32
    %c0_i32_0 = arith.constant 0 : i32
    %c0_i32_1 = arith.constant 0 : i32
    return %c0_i32, %c0_i32_0 : i32, i32
  }
  func.func @transform_5(%arg0: i32) -> (i32, i32) {
    %c0_i32 = arith.constant 0 : i32
    %c0_i32_0 = arith.constant 0 : i32
    return %arg0, %c0_i32 : i32, i32
  }
}

</mosaic_0001>

<sc_bundles>
// kernel: kernel.5.cloned.1.call-start
scs
__scs_entry_jumppad:
0x0: {  	(pc) =	sbr.rel $0x88, $3  }
0x1: {  	(tag) =	ssettag $0x0;
	lr =	simm.s32 $0x1  }
0x2: {  	[smem:$0x3F9B] =	sst lr;
	_ =	strace $0xD0000000  }
0x3: {  	_ = 	snop  }
0x4: {  	_ = 	snop  }
0x5: {  	_ = 	snop  }
0x6: {  	_ = 	snop  }
0x7: {  	_ = 	snop  }
__scs_overlays_trampoline_lowered:
0x8: {  	[smem:$0x3FAA] =	sst s0  }
0x9: {  	[smem:$0x3FAB] =	sst s1  }
0xa: {  	[smem:$0x3FAC] =	sst s2  }
0xb: {  	[smem:$0x3FAD] =	sst s3  }
0xc: {  	[smem:$0x3FAE] =	sst s4  }
0xd: {  	[smem:$0x3FAF] =	sst s5  }
0xe: {  	[smem:$0x3FB0] =	sst s6  }
0xf: {  	[smem:$0x3FB1] =	sst s7  }
0x10: {  	[smem:$0x3FB2] =	sst s8  }
0x11: {  	[smem:$0x3FB3] =	sst s9;
	s0 =	simm.s32 @!p0 $0x0  }
0x12: {  	s1 =	sld [smem:$0x3F99];
	s0 =	simm.s32 @p0 $0x1  }
0x13: {  	[smem:$0x3FB4] =	sst s0;
	s0 =	simm.s32 @!p1 $0x0  }
0x14: {  	s2 =	sld [smem:$0x3F98];
	s0 =	simm.s32 @p1 $0x1  }
0x15: {  	[smem:$0x3FB5] =	sst s0;
	s0 =	simm.s32 @!p2 $0x0  }
0x16: {  	s3 =	sld [smem:$0x3FDB];
	s0 =	simm.s32 @p2 $0x1  }
0x17: {  	s4 =	simm.s32 $0x1BF5;
	[smem:$0x3FB7] =	sst s0  }
0x18: {  	s0 =	sld [smem:$0x3F9A];
	_ =	swait.ge [sflag:s4], $0x0  }
0x19: {  	s7 =	sld [smem:$0x3F9B]  }
0x1a: {  	s8 =	sadd.s32 $0xFFFFE003, lr  }
0x1b: {  	s9 =	sadd.s32 $0xFFFFFEF7, lr;
	s5 =	simm.s32 $0xFFFFFFFF;
	p2 =	slt.u32 s8, $0xFFFFF086  }
0x1c: {  	p1 =	slt.u32 s9, $0xF7A;
	s5 =	simm.s32 @!p2 $0x0  }
0x1d: {  	s5 =	simm.s32 @p1 $0x1;
	p0 =	seq.s32 s7, s2  }
0x1e: {  	s7 =	smul.u32 @!p0 $0xF7A, s2;
	p2 =	seq.s32 @!p0 s5, $0x0  }
0x1f: {  	s9 =	smul.u32 $0xF7A, s1;
	s8 =	simm.s32 @!p0 $0x1BF5;
	p2 =	por !p2, p0  }
0x20: {  	[sflag:s8] =	ssyncset.s32 @!p0 $0xFFFFF086;
	s6 =	sadd.s32 @!p0 s3, s7;
	s7 =	simm.s32 @!p0 $0x108  }
0x21: {  	s3 =	sadd.s32 s3, s9;
	s6 =	sadd.s32 @!p0 $0x88, s6;
	s7 =	simm.s32 @p2 $0x1082  }
0x22: {  	[simem:s7], [sflag:s8] =	dma.local @!p0 [hbm:s6], $0xF7A  }
0x23: {  	s9 =	sor.u32 $0xD0000000, s2;
	s6 =	simm.s32 $0x108;
	_ =	swait.ge @!p0 [sflag:s8], $0x0  }
0x24: {  	s3 =	sadd.s32 $0x88, s3;
	s6 =	simm.s32 @!p1 $0x1082;
	[sflag:s4] =	ssyncset.s32 $0xFFFFF086  }
0x25: {  	[simem:s6], [sflag:s4] =	dma.local [hbm:s3], $0xF7A  }
0x26: {  	[smem:$0x3F9B] =	sst s1;
	(tag) =	ssettag s2;
	_ =	strace s9  }
0x27: {  	s1 =	sld [smem:$0x3FAB]  }
0x28: {  	s2 =	sld [smem:$0x3FAC]  }
0x29: {  	s4 =	sld [smem:$0x3FAE]  }
0x2a: {  	p0 =	seq.s32 s5, $0x0;
	s5 =	sld [smem:$0x3FAF]  }
0x2b: {  	s6 =	sld [smem:$0x3FB0]  }
0x2c: {  	s7 =	sld [smem:$0x3FB1]  }
0x2d: {  	s3 =	simm.s32 $0x108;
	s8 =	sld [smem:$0x3FB2]  }
0x2e: {  	s3 =	simm.s32 @!p0 $0x1082;
	s9 =	sld [smem:$0x3FB3]  }
0x2f: {  	lr =	sadd.s32 s0, s3;
	s0 =	sld [smem:$0x3FAA]  }
0x30: {  	s3 =	sld [smem:$0x3FAD]  }
0x31: {  	[smem:$0x3FB6] =	sst s10  }
0x32: {  	s10 =	sld [smem:$0x3FB4];
	_ =	sdelay $0x3  }
0x33: {  	p0 =	seq.s32 s10, $0x1;
	s10 =	sld [smem:$0x3FB6];
	_ =	sdelay $0x3  }
0x34: {  	[smem:$0x3FB6] =	sst s10  }
0x35: {  	s10 =	sld [smem:$0x3FB5];
	_ =	sdelay $0x3  }
0x36: {  	p1 =	seq.s32 s10, $0x1;
	s10 =	sld [smem:$0x3FB6];
	_ =	sdelay $0x3  }
0x37: {  	[smem:$0x3FB6] =	sst s10  }
0x38: {  	s10 =	sld [smem:$0x3FB7]  }
0x39: {  	_ = 	snop;
	(pc) =	sbr.ind lr, $3  }
0x3a: {  	_ = 	snop  }
0x3b: {  	_ = 	snop  }
0x3c: {  	p2 =	seq.s32 s10, $0x1;
	s10 =	sld [smem:$0x3FB6]  }
0x3d: {  	_ =	shalt  }
0x3e: {  	_ =	shalt  }
0x3f: {  	_ =	shalt  }
0x40: {  	_ =	shalt  }
0x41: {  	_ =	shalt  }
0x42: {  	_ =	shalt  }
0x43: {  	_ =	shalt  }
0x44: {  	_ =	shalt  }
0x45: {  	_ =	shalt  }
0x46: {  	_ =	shalt  }
0x47: {  	_ =	shalt  }
0x48: {  	_ =	shalt  }
0x49: {  	_ =	shalt  }
0x4a: {  	_ =	shalt  }
0x4b: {  	_ =	shalt  }
0x4c: {  	_ =	shalt  }
0x4d: {  	_ =	shalt  }
0x4e: {  	_ =	shalt  }
0x4f: {  	_ =	shalt  }
0x50: {  	_ =	shalt  }
0x51: {  	_ =	shalt  }
0x52: {  	_ =	shalt  }
0x53: {  	_ =	shalt  }
0x54: {  	_ =	shalt  }
0x55: {  	_ =	shalt  }
0x56: {  	_ =	shalt  }
0x57: {  	_ =	shalt  }
0x58: {  	_ =	shalt  }
0x59: {  	_ =	shalt  }
0x5a: {  	_ =	shalt  }
0x5b: {  	_ =	shalt  }
0x5c: {  	_ =	shalt  }
0x5d: {  	_ =	shalt  }
0x5e: {  	_ =	shalt  }
0x5f: {  	_ =	shalt  }
0x60: {  	_ =	shalt  }
0x61: {  	_ =	shalt  }
0x62: {  	_ =	shalt  }
0x63: {  	_ =	shalt  }
0x64: {  	_ =	shalt  }
0x65: {  	_ =	shalt  }
0x66: {  	_ =	shalt  }
0x67: {  	_ =	shalt  }
0x68: {  	_ =	shalt  }
0x69: {  	_ =	shalt  }
0x6a: {  	_ =	shalt  }
0x6b: {  	_ =	shalt  }
0x6c: {  	_ =	shalt  }
0x6d: {  	_ =	shalt  }
0x6e: {  	_ =	shalt  }
0x6f: {  	_ =	shalt  }
0x70: {  	_ =	shalt  }
0x71: {  	_ =	shalt  }
0x72: {  	_ =	shalt  }
0x73: {  	_ =	shalt  }
0x74: {  	_ =	shalt  }
0x75: {  	_ =	shalt  }
0x76: {  	_ =	shalt  }
0x77: {  	_ =	shalt  }
0x78: {  	_ =	shalt  }
0x79: {  	_ =	shalt  }
0x7a: {  	_ =	shalt  }
0x7b: {  	_ =	shalt  }
0x7c: {  	_ =	shalt  }
0x7d: {  	_ =	shalt  }
0x7e: {  	_ =	shalt  }
0x7f: {  	_ =	shalt  }
0x80: {  	_ =	shalt  }
0x81: {  	_ =	shalt  }
0x82: {  	_ =	shalt  }
0x83: {  	_ =	shalt  }
0x84: {  	_ =	shalt  }
0x85: {  	_ =	shalt  }
0x86: {  	_ =	shalt  }
0x87: {  	_ =	shalt  }
.Lfunc_end0:
.L_simem_size_0:
called_computation_lowered:
.L_overlay_start_0:
0x88: {  	s2 =	sld [smem:$0x3FD9]  }
0x89: {  	s3 =	sld [smem:$0x3FFE];
	_ =	sdelay $0x1  }
0x8a: {  	s1 =	srdreg.scid  }
0x8b: {  	s0 =	sand.u32 $0x1, s1  }
0x8c: {  	s17 =	sshll.u32 s0, $0xA;
	s2 =	sadd.s32 s3, s2  }
0x8d: {  	s2 =	sadd.s32 s2, s17  }
0x8e: {  	[smem:$0x3FC2] =	sst s2  }
0x8f: {  	_ = 	snop  }
0x90: {  	s2 =	sld [smem:$0x3FD0];
	(tm) =	ssettm $0x1  }
0x91: {  	s18 =	sld [smem:$0x3FFB];
	_ =	sdelay $0x3  }
0x92: {  	_ =	strace s18  }
0x93: {  	s3 =	sld [smem:$0x3FFC];
	_ =	sdelay $0x3  }
0x94: {  	_ =	strace s3  }
0x95: {  	s3 =	sld [smem:$0x3FFD];
	_ =	sdelay $0x3  }
0x96: {  	_ =	strace s3  }
0x97: {  	_ =	strace $0x8FFFFFFF  }
0x98: {  	s19 =	sld [smem:$0x3FDB];
	_ =	sdelay $0x1  }
0x99: {  	s4 =	simm.s32 $_scs_section_size  }
0x9a: {  	s5 =	simm.s32 $_size__tile_overlayer_lowered;
	s6 =	simm.s32 $_tile_overlayer_lowered  }
0x9b: {  	s22 =	simm.s32 $0x1BFF;
	s21 =	sshll.u32 s6, $0x1;
	s3 =	sadd.s32 s4, s19  }
0x9c: {  	s7 =	simm.s32 $0x0;
	s20 =	sshll.u32 s5, $0x1;
	s5 =	sadd.s32 s21, s3  }
0x9d: {  	[timem:s7], [sflag:s22] =	dma.local [hbm:s5], s20  }
0x9e: {  	_ =	swait.ge [sflag:s22], s20  }
0x9f: {  	s4 =	ssub.s32 $0x0, s20;
	[sflag:s22] =	ssyncset.done $0x0  }
0xa0: {  	[sflag:s22] =	ssyncadd.s32 s4;
	_ =	sdelay $0x1  }
0xa1: {  	s23 =	simm.s32 $0x1B8B  }
0xa2: {  	_ =	swait.ge [sflag:s23], $0x1  }
0xa3: {  	[sflag:s23] =	ssyncset.done $0x0  }
0xa4: {  	s25 =	simm.s32 $0x1B8E;
	s24 =	sld [smem:$0x3FFE];
	[sflag:s23] =	ssyncadd.s32 $0xFFFFFFFF  }
0xa5: {  	s26 =	simm.s32 $execute0_lowered;
	[smem:$0x3FD2] =	sst s25  }
0xa6: {  	s5 =	sshll.u32 s26, $0x1;
	_ =	strace $0x80000046;
	[dreg:$0x1] =	wrdreg $0xFFFFFFFF  }
0xa7: {  	s28 =	simm.s32 $_size_execute0_lowered;
	s3 =	sadd.s32 s3, s5;
	[dreg:$0x0] =	wrdreg $0x0  }
0xa8: {  	s5 =	sshll.u32 s28, $0x1;
	[dreg:$0x2] =	wrdreg s3  }
0xa9: {  	[dreg:$0x3] =	wrdreg s5  }
0xaa: {  	[dreg:$0x4] =	wrdreg $0xC0  }
0xab: {  	_ =	task [dreg:s7], $0x5FFFF  }
0xac: {  	[dreg:$0x1] =	wrdreg $0xFFFFFFFF  }
0xad: {  	[dreg:$0x0] =	wrdreg $0x60  }
0xae: {  	[dreg:$0x2] =	wrdreg s24  }
0xaf: {  	[dreg:$0x3] =	wrdreg s2  }
0xb0: {  	[dreg:$0x4] =	wrdreg $0x174800  }
0xb1: {  	[dreg:$0x5] =	wrdreg $0x9  }
0xb2: {  	_ =	task.clear_ibuf [dreg:s7], $0x6FFFF;
	_ =	strace $0x90000046  }
0xb3: {  	s29 =	simm.s32 $0x9;
	_ =	strace $0x80000048  }
0xb4: {  	_ =	swait.ge [sflag:s29], $0x1  }
0xb5: {  	[sflag:s29] =	ssyncadd.s32 $0xFFFFFFFF  }
0xb6: {  	_ =	strace $0x90000048  }
0xb7: {  	_ =	sfence  }
0xb8: {  	s30 =	sld [smem:$0x0];
	_ =	sdelay $0x2  }
0xb9: {  	s31 =	sshll.u32 s1, $0xD;
	s1 =	sshrl.u32 s1, $0x2  }
0xba: {  	s3 =	sand.u32 $0x4000, s31;
	s1 =	sadd.s32 s1, s30  }
0xbb: {  	s0 =	sor.u32 s3, s0;
	s1 =	sshll.u32 s1, $0x11  }
0xbc: {  	s0 =	sor.u32 s1, s0  }
0xbd: {  	s0 =	sadd.s32 $0x8F2B, s0  }
0xbe: {  	[sflag:s0] =	ssyncadd.remote.s32 $0x1  }
0xbf: {  	_ =	sfence.sel $0xFFFF  }
0xc0: {  	[dreg:$0x0] =	wrdreg $0xFFFFFFFF;
	(pc) =	sbr.abs _section_cstart, $3  }
0xc1: {  	[dreg:$0x1] =	wrdreg $0xFFFFFFFF  }
0xc2: {  	_ =	task.clear_ibuf [dreg:s7], $0x2FFFF;
	_ =	strace $0x9FFFFFFF  }
0xc3: {  	(tm) =	ssettm $0x7FFFFFFF  }
tec
execute0_lowered:
.L_overlay_start_1:
0x0: {  	(tag) =	ssettag $0x1  }
0x1: {  	s0 =	rddreg [dreg:$0x0]  }
0x2: {  	s1 =	srdreg.scid;
	s4 =	rddreg [dreg:$0x1]  }
0x3: {  	s9 =	stileid.u32;
	s2 =	rddreg [dreg:$0x2]  }
0x4: {  	s3 =	simm.s32 $0x0;
	s16 =	simm.s32 $0x3;
	s19 =	simm.s32 $0x80  }
0x5: {  	s20 =	simm.s32 $0x7480;
	s28 =	simm.s32 $0x2;
	s30 =	simm.s32 $0xF480  }
0x6: {  	s23 =	simm.s32 $0x0;
	s1 =	sand.u32 $0x1, s1;
	s6 =	smul.u32 $0x6400, s9  }
0x7: {  	[smem:$0x7FF] =	sst s3;
	s26 =	sadd.s32 $0xE00, s0;
	s12 =	sshll.u32 s9, $0xD  }
0x8: {  	s5 =	smul.u32 $0x64000, s1;
	_ =	strace $0x80000047;
	s7 =	ssub.s32 $0x2, s1  }
0x9: {  	[dreg:$0x4] =	wrdreg s26;
	s1 =	sshll.u32 s1, $0x11;
	s26 =	simm.s32 $0x1  }
0xa: {  	s8 =	sshrl.u32 s7, $0x1;
	s1 =	sor.u32 s12, s1;
	s5 =	sadd.s32 s6, s5  }
0xb: {  	s6 =	sadd.s32 $0x1000, s0;
	s29 =	ssub.s32 s7, s8;
	s7 =	sshll.u32 s9, $0x7  }
0xc: {  	s9 =	sshll.u32 s9, $0x6;
	s8 =	sadd.s32 s12, s2;
	s12 =	sadd.s32 $0x20000, s2  }
0xd: {  	s1 =	sshrl.u32 s1, $0x3;
	s5 =	sshrl.u32 s5, $0x3;
	s9 =	sor.u32 $0x1C03, s9  }
0xe: {  	s10 =	sadd.s32 $0x20000, s8;
	s1 =	sadd.s32 s4, s1;
	s11 =	sadd.s32 s5, s0  }
0xf: {  	s5 =	sadd.s32 $0x7C2000, s0;
	[dreg:$0x6] =	wrdreg s1;
	s0 =	smax.u32 s29, $0x1  }
0x10: {  	s31 =	sor.u32 $0x70, s7;
	s11 =	sadd.s32 $0x7A9000, s11;
	[dreg:$0x7] =	wrdreg s0  }
0x11: {  	s15 =	sshrl.u32 s8, $0x3;
	s17 =	sshrl.u32 s10, $0x3;
	v0 =	vmov s31;
	[dreg:$0x5] =	wrdreg s11  }
.LBB2_1:
0x12: {  	[spmem:s15], [sflag:s9] =	dma.local [hbm:s5], $0x400  }
0x13: {  	_ =	swait.ge [sflag:s16], $0x400  }
0x14: {  	[sflag:s16] =	ssyncset.done $0x0  }
0x15: {  	[sflag:s16] =	ssyncadd.s32 $0xFFFFFC00  }
0x16: {  	[spmem:s17], [sflag:s9] =	dma.local [hbm:s5], $0x400  }
0x17: {  	_ =	swait.ge [sflag:s16], $0x400  }
0x18: {  	[sflag:s16] =	ssyncset.done $0x0  }
0x19: {  	s0 =	rddreg [dreg:$0x5];
	[sflag:s16] =	ssyncadd.s32 $0xFFFFFC00  }
0x1a: {  	[tilespmem:s3], [sflag:$0x3] =	stream.linear.gather [hbm4b:s0+s3], $0x6400, $0x38;
	[tilespmem:$0x1B480] =	vst v63  }
0x1b: {  	_ =	swait.ge [sflag:s16], $0x6400  }
0x1c: {  	[sflag:s16] =	ssyncset.done $0x0  }
0x1d: {  	s1 =	simm.s32 $0x6400;
	s11 =	rddreg [dreg:$0x4];
	[sflag:s16] =	ssyncadd.s32 $0xFFFF9C00  }
0x1e: {  	[tilespmem:s1], [sflag:$0x3] =	stream.linear.gather [hbm4b:s11+s3], $0xC80, $0x38;
	[tilespmem:$0x1B480] =	vst v63  }
0x1f: {  	_ =	swait.ge [sflag:s16], $0xC80  }
0x20: {  	[sflag:s16] =	ssyncset.done $0x0  }
0x21: {  	[sflag:s16] =	ssyncadd.s32 $0xFFFFF380  }
0x22: {  	[tilespmem:s20], [sflag:$0x1] =	stream.indirect.gather [hbm4b:s6+s19], $0x40, s3, s19, $0xb8;
	[tilespmem:$0x1B480] =	vst v63  }
0x23: {  	s13 =	simm.s32 $0x9480  }
0x24: {  	[tilespmem:s13], [sflag:$0x1] =	stream.indirect.gather [hbm4b:s6+s19], $0x40, s19, s19, $0xb8;
	[tilespmem:$0x1B480] =	vst v63  }
0x25: {  	s14 =	simm.s32 $0x100;
	s18 =	simm.s32 $0xB480  }
0x26: {  	[tilespmem:s18], [sflag:$0x1] =	stream.indirect.gather [hbm4b:s6+s19], $0x40, s14, s19, $0xb8;
	[tilespmem:$0x1B480] =	vst v63  }
0x27: {  	s21 =	simm.s32 $0x180;
	s22 =	simm.s32 $0xD480  }
0x28: {  	[tilespmem:s22], [sflag:$0x1] =	stream.indirect.gather [hbm4b:s6+s19], $0x40, s21, s19, $0xb8;
	[tilespmem:$0x1B480] =	vst v63  }
0x29: {  	_ =	swait.ge [sflag:s26], $0x2000  }
0x2a: {  	[sflag:s26] =	ssyncset.done $0x0  }
0x2b: {  	s4 =	simm.s32 $0x0;
	[sflag:s26] =	ssyncadd.s32 $0xFFFFE000  }
0x2c: {  	s24 =	sand.u32 $0xFC, s4;
	_ =	swait.ge [sflag:s26], $0x2000  }
0x2d: {  	s0 =	smul.u32 $0x29, s24;
	[sflag:s26] =	ssyncset.done $0x0  }
0x2e: {  	[sflag:s26] =	ssyncadd.s32 $0xFFFFE000  }
0x2f: {  	s0 =	sshrl.u32 s0, $0xA;
	_ =	swait.ge [sflag:s26], $0x2000  }
0x30: {  	s25 =	smul.u32 $0x19, s0;
	[sflag:s26] =	ssyncset.done $0x0  }
0x31: {  	[sflag:s26] =	ssyncadd.s32 $0xFFFFE000  }
0x32: {  	s1 =	ssub.s32 $0x0, s25;
	_ =	swait.ge [sflag:s26], $0x2000  }
0x33: {  	s1 =	sand.u32 $0xFF, s1;
	[sflag:s26] =	ssyncset.done $0x0  }
0x34: {  	s11 =	sshll.u32 s1, $0x7;
	[sflag:s26] =	ssyncadd.s32 $0xFFFFE000  }
0x35: {  	v1 =	vld [tilespmem:s11+$0x6400];
	_ =	sdelay $0x2  }
0x36: {  	s0 =	sshll.u32 s0, $0x4  }
0x37: {  	s1 =	sand.u32 $0x1, s3;
	s13 =	sadd.s32 s0, s7  }
0x38: {  	s0 =	sshll.u32 s1, $0x9;
	v1 =	vadd.s32 s13, v1  }
0x39: {  	[tilespmem:s0+$0x7080] =	vst v1  }
0x3a: {  	v1 =	vld [tilespmem:s11+$0x6410];
	_ =	sdelay $0x4  }
0x3b: {  	v1 =	vadd.s32 s13, v1  }
0x3c: {  	[tilespmem:s0+$0x7090] =	vst v1  }
0x3d: {  	v1 =	vld [tilespmem:s11+$0x6420];
	_ =	sdelay $0x4  }
0x3e: {  	v1 =	vadd.s32 s13, v1  }
0x3f: {  	[tilespmem:s0+$0x70A0] =	vst v1  }
0x40: {  	v1 =	vld [tilespmem:s11+$0x6430];
	_ =	sdelay $0x4  }
0x41: {  	v1 =	vadd.s32 s13, v1  }
0x42: {  	[tilespmem:s0+$0x70B0] =	vst v1  }
0x43: {  	v1 =	vld [tilespmem:s11+$0x6440];
	_ =	sdelay $0x4  }
0x44: {  	v1 =	vadd.s32 s13, v1  }
0x45: {  	[tilespmem:s0+$0x70C0] =	vst v1  }
0x46: {  	v1 =	vld [tilespmem:s11+$0x6450];
	_ =	sdelay $0x4  }
0x47: {  	v1 =	vadd.s32 s13, v1  }
0x48: {  	[tilespmem:s0+$0x70D0] =	vst v1  }
0x49: {  	v1 =	vld [tilespmem:s11+$0x6460];
	_ =	sdelay $0x3  }
0x4a: {  	s18 =	sor.u32 $0x1, s4  }
0x4b: {  	s21 =	sand.u32 $0xFD, s18;
	v1 =	vadd.s32 s13, v1  }
0x4c: {  	s21 =	smul.u32 $0x29, s21;
	[tilespmem:s0+$0x70E0] =	vst v1  }
0x4d: {  	v1 =	vld [tilespmem:s11+$0x6470]  }
0x4e: {  	s31 =	sshrl.u32 s21, $0xA  }
0x4f: {  	s21 =	smul.u32 $0x19, s31;
	_ =	sdelay $0x1  }
0x50: {  	s18 =	ssub.s32 s18, s21  }
0x51: {  	s18 =	sand.u32 $0xFF, s18;
	v1 =	vadd.s32 s13, v1  }
0x52: {  	s14 =	sshll.u32 s18, $0x7;
	[tilespmem:s0+$0x70F0] =	vst v1  }
0x53: {  	v1 =	vld [tilespmem:s14+$0x6400];
	_ =	sdelay $0x2  }
0x54: {  	s11 =	sshll.u32 s31, $0x4  }
0x55: {  	s11 =	sadd.s32 s11, s7  }
0x56: {  	v1 =	vadd.s32 s11, v1  }
0x57: {  	[tilespmem:s0+$0x7100] =	vst v1  }
0x58: {  	v1 =	vld [tilespmem:s14+$0x6410];
	_ =	sdelay $0x4  }
0x59: {  	v1 =	vadd.s32 s11, v1  }
0x5a: {  	[tilespmem:s0+$0x7110] =	vst v1  }
0x5b: {  	v1 =	vld [tilespmem:s14+$0x6420];
	_ =	sdelay $0x4  }
0x5c: {  	v1 =	vadd.s32 s11, v1  }
0x5d: {  	[tilespmem:s0+$0x7120] =	vst v1  }
0x5e: {  	v1 =	vld [tilespmem:s14+$0x6430];
	_ =	sdelay $0x4  }
0x5f: {  	v1 =	vadd.s32 s11, v1  }
0x60: {  	[tilespmem:s0+$0x7130] =	vst v1  }
0x61: {  	v1 =	vld [tilespmem:s14+$0x6440];
	_ =	sdelay $0x4  }
0x62: {  	v1 =	vadd.s32 s11, v1  }
0x63: {  	[tilespmem:s0+$0x7140] =	vst v1  }
0x64: {  	v1 =	vld [tilespmem:s14+$0x6450];
	_ =	sdelay $0x4  }
0x65: {  	v1 =	vadd.s32 s11, v1  }
0x66: {  	[tilespmem:s0+$0x7150] =	vst v1  }
0x67: {  	v1 =	vld [tilespmem:s14+$0x6460];
	_ =	sdelay $0x3  }
0x68: {  	s4 =	sor.u32 $0x2, s4  }
0x69: {  	s21 =	sand.u32 $0xFE, s4;
	v1 =	vadd.s32 s11, v1  }
0x6a: {  	s18 =	smul.u32 $0x29, s21;
	[tilespmem:s0+$0x7160] =	vst v1  }
0x6b: {  	v1 =	vld [tilespmem:s14+$0x6470]  }
0x6c: {  	s22 =	sshrl.u32 s18, $0xA  }
0x6d: {  	s18 =	smul.u32 $0x19, s22;
	_ =	sdelay $0x1  }
0x6e: {  	s4 =	ssub.s32 s4, s18  }
0x6f: {  	s4 =	sand.u32 $0xFF, s4;
	v1 =	vadd.s32 s11, v1  }
0x70: {  	s4 =	sshll.u32 s4, $0x7;
	[tilespmem:s0+$0x7170] =	vst v1  }
0x71: {  	v1 =	vld [tilespmem:s4+$0x6400];
	_ =	sdelay $0x2  }
0x72: {  	s24 =	sshll.u32 s22, $0x4  }
0x73: {  	s11 =	sadd.s32 s24, s7  }
0x74: {  	v1 =	vadd.s32 s11, v1  }
0x75: {  	[tilespmem:s0+$0x7180] =	vst v1  }
0x76: {  	v1 =	vld [tilespmem:s4+$0x6410];
	_ =	sdelay $0x4  }
0x77: {  	v1 =	vadd.s32 s11, v1  }
0x78: {  	[tilespmem:s0+$0x7190] =	vst v1  }
0x79: {  	v1 =	vld [tilespmem:s4+$0x6420];
	_ =	sdelay $0x4  }
0x7a: {  	v1 =	vadd.s32 s11, v1  }
0x7b: {  	[tilespmem:s0+$0x71A0] =	vst v1  }
0x7c: {  	v1 =	vld [tilespmem:s4+$0x6430];
	_ =	sdelay $0x4  }
0x7d: {  	v1 =	vadd.s32 s11, v1  }
0x7e: {  	[tilespmem:s0+$0x71B0] =	vst v1  }
0x7f: {  	v1 =	vld [tilespmem:s4+$0x6440];
	_ =	sdelay $0x4  }
0x80: {  	v1 =	vadd.s32 s11, v1  }
0x81: {  	[tilespmem:s0+$0x71C0] =	vst v1  }
0x82: {  	v1 =	vld [tilespmem:s4+$0x6450];
	_ =	sdelay $0x4  }
0x83: {  	v1 =	vadd.s32 s11, v1  }
0x84: {  	[tilespmem:s0+$0x71D0] =	vst v1  }
0x85: {  	v1 =	vld [tilespmem:s4+$0x6460];
	_ =	sdelay $0x3  }
0x86: {  	s25 =	sshllo.u32 s3, $0x2  }
0x87: {  	s31 =	sand.u32 $0xFF, s25;
	v1 =	vadd.s32 s11, v1  }
0x88: {  	s18 =	smul.u32 $0x29, s31;
	[tilespmem:s0+$0x71E0] =	vst v1  }
0x89: {  	v1 =	vld [tilespmem:s4+$0x6470]  }
0x8a: {  	s14 =	sshrl.u32 s18, $0xA  }
0x8b: {  	s18 =	smul.u32 $0x19, s14;
	_ =	sdelay $0x1  }
0x8c: {  	s13 =	ssub.s32 s25, s18  }
0x8d: {  	s21 =	sand.u32 $0xFF, s13;
	v1 =	vadd.s32 s11, v1  }
0x8e: {  	s11 =	sshll.u32 s21, $0x7;
	[tilespmem:s0+$0x71F0] =	vst v1  }
0x8f: {  	v1 =	vld [tilespmem:s11+$0x6400];
	_ =	sdelay $0x2  }
0x90: {  	s4 =	sshll.u32 s14, $0x4  }
0x91: {  	s4 =	sadd.s32 s4, s7  }
0x92: {  	v1 =	vadd.s32 s4, v1  }
0x93: {  	[tilespmem:s0+$0x7200] =	vst v1  }
0x94: {  	v1 =	vld [tilespmem:s11+$0x6410];
	_ =	sdelay $0x4  }
0x95: {  	v1 =	vadd.s32 s4, v1  }
0x96: {  	[tilespmem:s0+$0x7210] =	vst v1  }
0x97: {  	v1 =	vld [tilespmem:s11+$0x6420];
	_ =	sdelay $0x4  }
0x98: {  	v1 =	vadd.s32 s4, v1  }
0x99: {  	[tilespmem:s0+$0x7220] =	vst v1  }
0x9a: {  	v1 =	vld [tilespmem:s11+$0x6430];
	_ =	sdelay $0x4  }
0x9b: {  	v1 =	vadd.s32 s4, v1  }
0x9c: {  	[tilespmem:s0+$0x7230] =	vst v1  }
0x9d: {  	v1 =	vld [tilespmem:s11+$0x6440];
	_ =	sdelay $0x4  }
0x9e: {  	v1 =	vadd.s32 s4, v1  }
0x9f: {  	[tilespmem:s0+$0x7240] =	vst v1  }
0xa0: {  	v1 =	vld [tilespmem:s11+$0x6450];
	_ =	sdelay $0x4  }
0xa1: {  	v1 =	vadd.s32 s4, v1  }
0xa2: {  	[tilespmem:s0+$0x7250] =	vst v1  }
0xa3: {  	v1 =	vld [tilespmem:s11+$0x6460];
	_ =	sdelay $0x4  }
0xa4: {  	v1 =	vadd.s32 s4, v1  }
0xa5: {  	[tilespmem:s0+$0x7260] =	vst v1  }
0xa6: {  	v1 =	vld [tilespmem:s11+$0x6470];
	_ =	sdelay $0x4  }
0xa7: {  	s1 =	sshll.u32 s1, $0xF;
	v1 =	vadd.s32 s4, v1  }
0xa8: {  	s22 =	sor.u32 $0x7480, s1;
	s24 =	sor.u32 $0x7080, s0;
	[tilespmem:s0+$0x7270] =	vst v1  }
0xa9: {  	[spmem:s2] =	stream.indirect.scatter.add.f32 [tilespmem:s22], [sflag:$0x2], $0x40, s24, s19, $0xb8;
	[tilespmem:$0x1B480] =	vst v63  }
0xaa: {  	_ =	swait.ge [sflag:s28], $0x2000  }
0xab: {  	[sflag:s28] =	ssyncset.done $0x0  }
0xac: {  	s31 =	sor.u32 $0x7100, s0;
	s25 =	sadd.s32 $0x9480, s1;
	[sflag:s28] =	ssyncadd.s32 $0xFFFFE000  }
0xad: {  	[spmem:s12] =	stream.indirect.scatter.add.f32 [tilespmem:s25], [sflag:$0x2], $0x40, s31, s19, $0xb8;
	[tilespmem:$0x1B480] =	vst v63  }
0xae: {  	_ =	swait.ge [sflag:s28], $0x2000  }
0xaf: {  	[sflag:s28] =	ssyncset.done $0x0  }
0xb0: {  	s13 =	sor.u32 $0x7180, s0;
	s11 =	sadd.s32 $0xB480, s1;
	[sflag:s28] =	ssyncadd.s32 $0xFFFFE000  }
0xb1: {  	[spmem:s2] =	stream.indirect.scatter.add.f32 [tilespmem:s11], [sflag:$0x2], $0x40, s13, s19, $0xb8;
	[tilespmem:$0x1B480] =	vst v63  }
0xb2: {  	_ =	swait.ge [sflag:s28], $0x2000  }
0xb3: {  	[sflag:s28] =	ssyncset.done $0x0  }
0xb4: {  	s14 =	sadd.s32 $0xD480, s1;
	s0 =	sadd.s32 $0x7200, s0;
	[sflag:s28] =	ssyncadd.s32 $0xFFFFE000  }
0xb5: {  	[spmem:s12] =	stream.indirect.scatter.add.f32 [tilespmem:s14], [sflag:$0x2], $0x40, s0, s19, $0xb8;
	[tilespmem:$0x1B480] =	vst v63  }
0xb6: {  	_ =	swait.ge [sflag:s28], $0x2000  }
0xb7: {  	[sflag:s28] =	ssyncset.done $0x0  }
0xb8: {  	s18 =	sxor.u32 $0xF480, s1;
	s21 =	simm.s32 $0x200;
	[sflag:s28] =	ssyncadd.s32 $0xFFFFE000  }
0xb9: {  	[tilespmem:s18], [sflag:$0x1] =	stream.indirect.gather [hbm4b:s6+s19], $0x40, s21, s19, $0xb8;
	[tilespmem:$0x1B480] =	vst v63  }
0xba: {  	s22 =	ssub.s32 $0x11480, s1;
	s24 =	simm.s32 $0x280  }
0xbb: {  	[tilespmem:s22], [sflag:$0x1] =	stream.indirect.gather [hbm4b:s6+s19], $0x40, s24, s19, $0xb8;
	[tilespmem:$0x1B480] =	vst v63  }
0xbc: {  	s29 =	simm.s32 $0x580;
	s25 =	ssub.s32 $0x13480, s1;
	s31 =	simm.s32 $0x300  }
0xbd: {  	[tilespmem:s25], [sflag:$0x1] =	stream.indirect.gather [hbm4b:s6+s19], $0x40, s31, s19, $0xb8;
	[tilespmem:$0x1B480] =	vst v63  }
0xbe: {  	s0 =	ssub.s32 $0x15480, s1;
	s24 =	simm.s32 $0x380;
	s25 =	simm.s32 $0x1  }
.LBB2_2:
0xbf: {  	[tilespmem:s0], [sflag:$0x1] =	stream.indirect.gather [hbm4b:s6+s19], $0x40, s24, s19, $0xb8;
	[tilespmem:$0x1B480] =	vst v63  }
0xc0: {  	s0 =	smov.u32 s25;
	s24 =	smov.u32 s29  }
0xc1: {  	p0 =	sne.s32 s25, $0x30;
	s25 =	sadd.s32 $0x1, s25;
	_ =	swait.ge [sflag:s26], $0x2000  }
0xc2: {  	[sflag:s26] =	ssyncset.done $0x0  }
0xc3: {  	s1 =	sshll.u32 s0, $0x2;
	[sflag:s26] =	ssyncadd.s32 $0xFFFFE000  }
0xc4: {  	s4 =	sand.u32 $0xFC, s1;
	s13 =	sor.u32 $0x1, s1;
	_ =	swait.ge [sflag:s26], $0x2000  }
0xc5: {  	s4 =	smul.u32 $0x29, s4;
	s11 =	sand.u32 $0xFD, s13;
	[sflag:s26] =	ssyncset.done $0x0  }
0xc6: {  	s21 =	sor.u32 $0x2, s1;
	s11 =	smul.u32 $0x29, s11;
	[sflag:s26] =	ssyncadd.s32 $0xFFFFE000  }
0xc7: {  	s18 =	sand.u32 $0xFE, s21;
	s4 =	sshrl.u32 s4, $0xA;
	_ =	swait.ge [sflag:s26], $0x2000  }
0xc8: {  	s22 =	smul.u32 $0x19, s4;
	s31 =	sshll.u32 s4, $0x4;
	[sflag:s26] =	ssyncset.done $0x0  }
0xc9: {  	s18 =	smul.u32 $0x29, s18;
	s4 =	sshrl.u32 s11, $0xA;
	[sflag:s26] =	ssyncadd.s32 $0xFFFFE000  }
0xca: {  	s14 =	smul.u32 $0x19, s4;
	s1 =	ssub.s32 s1, s22;
	_ =	swait.ge [sflag:s26], $0x2000  }
0xcb: {  	s22 =	sshll.u32 s4, $0x4;
	s1 =	sand.u32 $0xFF, s1;
	[sflag:s26] =	ssyncset.done $0x0  }
0xcc: {  	s11 =	sshll.u32 s1, $0x7;
	s1 =	ssub.s32 s13, s14;
	[sflag:s26] =	ssyncadd.s32 $0xFFFFE000  }
0xcd: {  	s4 =	sand.u32 $0xFF, s1;
	s1 =	sshrl.u32 s18, $0xA;
	v1 =	vld [tilespmem:s11+$0x6400]  }
0xce: {  	s13 =	smul.u32 $0x19, s1;
	s18 =	sshll.u32 s1, $0x4;
	_ =	sdelay $0x1  }
0xcf: {  	s1 =	ssub.s32 s21, s13  }
0xd0: {  	s14 =	sand.u32 $0x1, s0;
	s13 =	sadd.s32 s31, s7;
	s21 =	sand.u32 $0xFF, s1  }
0xd1: {  	s31 =	sshll.u32 s14, $0xF;
	s1 =	sshll.u32 s14, $0x9;
	v1 =	vadd.s32 s13, v1  }
0xd2: {  	[tilespmem:s1+$0x7080] =	vst v1  }
0xd3: {  	v1 =	vld [tilespmem:s11+$0x6410];
	_ =	sdelay $0x4  }
0xd4: {  	v1 =	vadd.s32 s13, v1  }
0xd5: {  	[tilespmem:s1+$0x7090] =	vst v1  }
0xd6: {  	v1 =	vld [tilespmem:s11+$0x6420];
	_ =	sdelay $0x4  }
0xd7: {  	v1 =	vadd.s32 s13, v1  }
0xd8: {  	[tilespmem:s1+$0x70A0] =	vst v1  }
0xd9: {  	v1 =	vld [tilespmem:s11+$0x6430];
	_ =	sdelay $0x4  }
0xda: {  	v1 =	vadd.s32 s13, v1  }
0xdb: {  	[tilespmem:s1+$0x70B0] =	vst v1  }
0xdc: {  	v1 =	vld [tilespmem:s11+$0x6440];
	_ =	sdelay $0x4  }
0xdd: {  	v1 =	vadd.s32 s13, v1  }
0xde: {  	[tilespmem:s1+$0x70C0] =	vst v1  }
0xdf: {  	v1 =	vld [tilespmem:s11+$0x6450];
	_ =	sdelay $0x4  }
0xe0: {  	v1 =	vadd.s32 s13, v1  }
0xe1: {  	[tilespmem:s1+$0x70D0] =	vst v1  }
0xe2: {  	v1 =	vld [tilespmem:s11+$0x6460];
	_ =	sdelay $0x4  }
0xe3: {  	v1 =	vadd.s32 s13, v1  }
0xe4: {  	[tilespmem:s1+$0x70E0] =	vst v1  }
0xe5: {  	v1 =	vld [tilespmem:s11+$0x6470];
	_ =	sdelay $0x4  }
0xe6: {  	v1 =	vadd.s32 s13, v1  }
0xe7: {  	s4 =	sshll.u32 s4, $0x7;
	[tilespmem:s1+$0x70F0] =	vst v1  }
0xe8: {  	v1 =	vld [tilespmem:s4+$0x6400];
	_ =	sdelay $0x3  }
0xe9: {  	s11 =	sadd.s32 s22, s7  }
0xea: {  	v1 =	vadd.s32 s11, v1  }
0xeb: {  	[tilespmem:s1+$0x7100] =	vst v1  }
0xec: {  	v1 =	vld [tilespmem:s4+$0x6410];
	_ =	sdelay $0x4  }
0xed: {  	v1 =	vadd.s32 s11, v1  }
0xee: {  	[tilespmem:s1+$0x7110] =	vst v1  }
0xef: {  	v1 =	vld [tilespmem:s4+$0x6420];
	_ =	sdelay $0x4  }
0xf0: {  	v1 =	vadd.s32 s11, v1  }
0xf1: {  	[tilespmem:s1+$0x7120] =	vst v1  }
0xf2: {  	v1 =	vld [tilespmem:s4+$0x6430];
	_ =	sdelay $0x4  }
0xf3: {  	v1 =	vadd.s32 s11, v1  }
0xf4: {  	[tilespmem:s1+$0x7130] =	vst v1  }
0xf5: {  	v1 =	vld [tilespmem:s4+$0x6440];
	_ =	sdelay $0x4  }
0xf6: {  	v1 =	vadd.s32 s11, v1  }
0xf7: {  	[tilespmem:s1+$0x7140] =	vst v1  }
0xf8: {  	v1 =	vld [tilespmem:s4+$0x6450];
	_ =	sdelay $0x4  }
0xf9: {  	v1 =	vadd.s32 s11, v1  }
0xfa: {  	[tilespmem:s1+$0x7150] =	vst v1  }
0xfb: {  	v1 =	vld [tilespmem:s4+$0x6460];
	_ =	sdelay $0x4  }
0xfc: {  	v1 =	vadd.s32 s11, v1  }
0xfd: {  	[tilespmem:s1+$0x7160] =	vst v1  }
0xfe: {  	v1 =	vld [tilespmem:s4+$0x6470];
	_ =	sdelay $0x4  }
0xff: {  	v1 =	vadd.s32 s11, v1  }
0x100: {  	s11 =	sshll.u32 s21, $0x7;
	[tilespmem:s1+$0x7170] =	vst v1  }
0x101: {  	v1 =	vld [tilespmem:s11+$0x6400];
	_ =	sdelay $0x3  }
0x102: {  	s4 =	sadd.s32 s18, s7  }
0x103: {  	v1 =	vadd.s32 s4, v1  }
0x104: {  	[tilespmem:s1+$0x7180] =	vst v1  }
0x105: {  	v1 =	vld [tilespmem:s11+$0x6410];
	_ =	sdelay $0x4  }
0x106: {  	v1 =	vadd.s32 s4, v1  }
0x107: {  	[tilespmem:s1+$0x7190] =	vst v1  }
0x108: {  	v1 =	vld [tilespmem:s11+$0x6420];
	_ =	sdelay $0x4  }
0x109: {  	v1 =	vadd.s32 s4, v1  }
0x10a: {  	[tilespmem:s1+$0x71A0] =	vst v1  }
0x10b: {  	v1 =	vld [tilespmem:s11+$0x6430];
	_ =	sdelay $0x4  }
0x10c: {  	v1 =	vadd.s32 s4, v1  }
0x10d: {  	[tilespmem:s1+$0x71B0] =	vst v1  }
0x10e: {  	v1 =	vld [tilespmem:s11+$0x6440];
	_ =	sdelay $0x4  }
0x10f: {  	v1 =	vadd.s32 s4, v1  }
0x110: {  	[tilespmem:s1+$0x71C0] =	vst v1  }
0x111: {  	v1 =	vld [tilespmem:s11+$0x6450];
	_ =	sdelay $0x4  }
0x112: {  	v1 =	vadd.s32 s4, v1  }
0x113: {  	[tilespmem:s1+$0x71D0] =	vst v1  }
0x114: {  	v1 =	vld [tilespmem:s11+$0x6460];
	_ =	sdelay $0x3  }
0x115: {  	s0 =	sshllo.u32 s0, $0x2  }
0x116: {  	s13 =	sand.u32 $0xFF, s0;
	v1 =	vadd.s32 s4, v1  }
0x117: {  	s13 =	smul.u32 $0x29, s13;
	[tilespmem:s1+$0x71E0] =	vst v1  }
0x118: {  	v1 =	vld [tilespmem:s11+$0x6470]  }
0x119: {  	s11 =	sshrl.u32 s13, $0xA  }
0x11a: {  	s13 =	smul.u32 $0x19, s11;
	s11 =	sshll.u32 s11, $0x4;
	_ =	sdelay $0x1  }
0x11b: {  	s0 =	ssub.s32 s0, s13  }
0x11c: {  	s0 =	sand.u32 $0xFF, s0;
	v1 =	vadd.s32 s4, v1  }
0x11d: {  	s0 =	sshll.u32 s0, $0x7;
	[tilespmem:s1+$0x71F0] =	vst v1  }
0x11e: {  	v1 =	vld [tilespmem:s0+$0x6400];
	_ =	sdelay $0x3  }
0x11f: {  	s4 =	sadd.s32 s11, s7  }
0x120: {  	v1 =	vadd.s32 s4, v1  }
0x121: {  	[tilespmem:s1+$0x7200] =	vst v1  }
0x122: {  	v1 =	vld [tilespmem:s0+$0x6410];
	_ =	sdelay $0x4  }
0x123: {  	v1 =	vadd.s32 s4, v1  }
0x124: {  	[tilespmem:s1+$0x7210] =	vst v1  }
0x125: {  	v1 =	vld [tilespmem:s0+$0x6420];
	_ =	sdelay $0x4  }
0x126: {  	v1 =	vadd.s32 s4, v1  }
0x127: {  	[tilespmem:s1+$0x7220] =	vst v1  }
0x128: {  	v1 =	vld [tilespmem:s0+$0x6430];
	_ =	sdelay $0x4  }
0x129: {  	v1 =	vadd.s32 s4, v1  }
0x12a: {  	[tilespmem:s1+$0x7230] =	vst v1  }
0x12b: {  	v1 =	vld [tilespmem:s0+$0x6440];
	_ =	sdelay $0x4  }
0x12c: {  	v1 =	vadd.s32 s4, v1  }
0x12d: {  	[tilespmem:s1+$0x7240] =	vst v1  }
0x12e: {  	v1 =	vld [tilespmem:s0+$0x6450];
	_ =	sdelay $0x4  }
0x12f: {  	v1 =	vadd.s32 s4, v1  }
0x130: {  	[tilespmem:s1+$0x7250] =	vst v1  }
0x131: {  	v1 =	vld [tilespmem:s0+$0x6460];
	_ =	sdelay $0x4  }
0x132: {  	v1 =	vadd.s32 s4, v1  }
0x133: {  	[tilespmem:s1+$0x7260] =	vst v1  }
0x134: {  	v1 =	vld [tilespmem:s0+$0x6470];
	_ =	sdelay $0x4  }
0x135: {  	v1 =	vadd.s32 s4, v1  }
0x136: {  	s0 =	sor.u32 $0x7480, s31;
	s4 =	sor.u32 $0x7080, s1;
	[tilespmem:s1+$0x7270] =	vst v1  }
0x137: {  	[spmem:s2] =	stream.indirect.scatter.add.f32 [tilespmem:s0], [sflag:$0x2], $0x40, s4, s19, $0xb8;
	[tilespmem:$0x1B480] =	vst v63  }
0x138: {  	_ =	swait.ge [sflag:s28], $0x2000  }
0x139: {  	[sflag:s28] =	ssyncset.done $0x0  }
0x13a: {  	s0 =	sadd.s32 $0x9480, s31;
	s4 =	sor.u32 $0x7100, s1;
	[sflag:s28] =	ssyncadd.s32 $0xFFFFE000  }
0x13b: {  	[spmem:s12] =	stream.indirect.scatter.add.f32 [tilespmem:s0], [sflag:$0x2], $0x40, s4, s19, $0xb8;
	[tilespmem:$0x1B480] =	vst v63  }
0x13c: {  	_ =	swait.ge [sflag:s28], $0x2000  }
0x13d: {  	[sflag:s28] =	ssyncset.done $0x0  }
0x13e: {  	s0 =	sadd.s32 $0xB480, s31;
	s4 =	sor.u32 $0x7180, s1;
	[sflag:s28] =	ssyncadd.s32 $0xFFFFE000  }
0x13f: {  	[spmem:s2] =	stream.indirect.scatter.add.f32 [tilespmem:s0], [sflag:$0x2], $0x40, s4, s19, $0xb8;
	[tilespmem:$0x1B480] =	vst v63  }
0x140: {  	_ =	swait.ge [sflag:s28], $0x2000  }
0x141: {  	[sflag:s28] =	ssyncset.done $0x0  }
0x142: {  	s1 =	sadd.s32 $0x7200, s1;
	s0 =	sadd.s32 $0xD480, s31;
	[sflag:s28] =	ssyncadd.s32 $0xFFFFE000  }
0x143: {  	[spmem:s12] =	stream.indirect.scatter.add.f32 [tilespmem:s0], [sflag:$0x2], $0x40, s1, s19, $0xb8;
	[tilespmem:$0x1B480] =	vst v63  }
0x144: {  	_ =	swait.ge [sflag:s28], $0x2000  }
0x145: {  	[sflag:s28] =	ssyncset.done $0x0  }
0x146: {  	s0 =	sxor.u32 $0xF480, s31;
	s1 =	sadd.s32 $0xFFFFFE80, s29;
	[sflag:s28] =	ssyncadd.s32 $0xFFFFE000  }
0x147: {  	[tilespmem:s0], [sflag:$0x1] =	stream.indirect.gather [hbm4b:s6+s19], $0x40, s1, s19, $0xb8;
	[tilespmem:$0x1B480] =	vst v63  }
.Ltmp0:
0x148: {  	s0 =	ssub.s32 $0x11480, s31;
	s1 =	sadd.s32 $0xFFFFFF00, s29;
	(pc) =	sbr.rel @p0 .LBB2_2-.Ltmp0, $4  }
0x149: {  	[tilespmem:s0], [sflag:$0x1] =	stream.indirect.gather [hbm4b:s6+s19], $0x40, s1, s19, $0xb8;
	[tilespmem:$0x1B480] =	vst v63  }
0x14a: {  	s0 =	ssub.s32 $0x13480, s31;
	s1 =	sadd.s32 $0xFFFFFF80, s29  }
0x14b: {  	[tilespmem:s0], [sflag:$0x1] =	stream.indirect.gather [hbm4b:s6+s19], $0x40, s1, s19, $0xb8;
	[tilespmem:$0x1B480] =	vst v63  }
0x14c: {  	s29 =	sadd.s32 $0x200, s29;
	s0 =	ssub.s32 $0x15480, s31  }
0x14d: {  	[tilespmem:s0], [sflag:$0x1] =	stream.indirect.gather [hbm4b:s6+s19], $0x40, s24, s19, $0xb8;
	[tilespmem:$0x1B480] =	vst v63  }
0x14e: {  	_ =	swait.ge [sflag:s26], $0x2000  }
0x14f: {  	[sflag:s26] =	ssyncset.done $0x0  }
0x150: {  	[sflag:s26] =	ssyncadd.s32 $0xFFFFE000  }
0x151: {  	_ =	swait.ge [sflag:s26], $0x2000  }
0x152: {  	[sflag:s26] =	ssyncset.done $0x0  }
0x153: {  	[sflag:s26] =	ssyncadd.s32 $0xFFFFE000  }
0x154: {  	_ =	swait.ge [sflag:s26], $0x2000  }
0x155: {  	[sflag:s26] =	ssyncset.done $0x0  }
0x156: {  	[sflag:s26] =	ssyncadd.s32 $0xFFFFE000  }
0x157: {  	_ =	swait.ge [sflag:s26], $0x2000  }
0x158: {  	[sflag:s26] =	ssyncset.done $0x0  }
0x159: {  	[sflag:s26] =	ssyncadd.s32 $0xFFFFE000  }
0x15a: {  	v1 =	vld [tilespmem:$0x6E80]  }
0x15b: {  	v2 =	vld [tilespmem:$0x6E90]  }
0x15c: {  	v3 =	vld [tilespmem:$0x6EA0]  }
0x15d: {  	v4 =	vld [tilespmem:$0x6EB0]  }
0x15e: {  	v5 =	vld [tilespmem:$0x6EC0]  }
0x15f: {  	v6 =	vld [tilespmem:$0x6ED0];
	v1 =	vadd.s32 v0, v1  }
0x160: {  	[tilespmem:$0x7280] =	vst v1;
	v1 =	vadd.s32 v0, v2;
	v2 =	vld [tilespmem:$0x6EE0]  }
0x161: {  	[tilespmem:$0x7290] =	vst v1;
	v1 =	vadd.s32 v0, v3;
	v3 =	vld [tilespmem:$0x6EF0]  }
0x162: {  	[tilespmem:$0x72A0] =	vst v1;
	v1 =	vadd.s32 v0, v4;
	v4 =	vld [tilespmem:$0x6F00]  }
0x163: {  	[tilespmem:$0x72B0] =	vst v1;
	v1 =	vadd.s32 v0, v5;
	v5 =	vld [tilespmem:$0x6F10]  }
0x164: {  	[tilespmem:$0x72C0] =	vst v1;
	v1 =	vadd.s32 v0, v6;
	v6 =	vld [tilespmem:$0x6F20]  }
0x165: {  	[tilespmem:$0x72D0] =	vst v1;
	v1 =	vadd.s32 v0, v2;
	v2 =	vld [tilespmem:$0x6F30]  }
0x166: {  	[tilespmem:$0x72E0] =	vst v1;
	v1 =	vadd.s32 v0, v3;
	v3 =	vld [tilespmem:$0x6F40]  }
0x167: {  	[tilespmem:$0x72F0] =	vst v1;
	v1 =	vadd.s32 v0, v4;
	v4 =	vld [tilespmem:$0x6F50]  }
0x168: {  	[tilespmem:$0x7300] =	vst v1;
	v1 =	vadd.s32 v0, v5;
	v5 =	vld [tilespmem:$0x6F60]  }
0x169: {  	[tilespmem:$0x7310] =	vst v1;
	v1 =	vadd.s32 v0, v6;
	v6 =	vld [tilespmem:$0x6F70]  }
0x16a: {  	[tilespmem:$0x7320] =	vst v1;
	v1 =	vadd.s32 v0, v2;
	v2 =	vld [tilespmem:$0x6F80]  }
0x16b: {  	[tilespmem:$0x7330] =	vst v1;
	v1 =	vadd.s32 v0, v3;
	v3 =	vld [tilespmem:$0x6F90]  }
0x16c: {  	[tilespmem:$0x7340] =	vst v1;
	v1 =	vadd.s32 v0, v4;
	v4 =	vld [tilespmem:$0x6FA0]  }
0x16d: {  	[tilespmem:$0x7350] =	vst v1;
	v1 =	vadd.s32 v0, v5;
	v5 =	vld [tilespmem:$0x6FB0]  }
0x16e: {  	[tilespmem:$0x7360] =	vst v1;
	v1 =	vadd.s32 v0, v6;
	v6 =	vld [tilespmem:$0x6FC0]  }
0x16f: {  	[tilespmem:$0x7370] =	vst v1;
	v1 =	vadd.s32 v0, v2;
	v2 =	vld [tilespmem:$0x6FD0]  }
0x170: {  	[tilespmem:$0x7380] =	vst v1;
	v1 =	vadd.s32 v0, v3;
	v3 =	vld [tilespmem:$0x6FE0]  }
0x171: {  	[tilespmem:$0x7390] =	vst v1;
	v1 =	vadd.s32 v0, v4;
	v4 =	vld [tilespmem:$0x6FF0]  }
0x172: {  	[tilespmem:$0x73A0] =	vst v1;
	v1 =	vadd.s32 v0, v5;
	v5 =	vld [tilespmem:$0x7000]  }
0x173: {  	[tilespmem:$0x73B0] =	vst v1;
	v1 =	vadd.s32 v0, v6;
	v6 =	vld [tilespmem:$0x7010]  }
0x174: {  	[tilespmem:$0x73C0] =	vst v1;
	v1 =	vadd.s32 v0, v2;
	v2 =	vld [tilespmem:$0x7020]  }
0x175: {  	[tilespmem:$0x73D0] =	vst v1;
	v1 =	vadd.s32 v0, v3;
	v3 =	vld [tilespmem:$0x7030]  }
0x176: {  	[tilespmem:$0x73E0] =	vst v1;
	v1 =	vadd.s32 v0, v4;
	v4 =	vld [tilespmem:$0x7040]  }
0x177: {  	[tilespmem:$0x73F0] =	vst v1;
	v1 =	vadd.s32 v0, v5;
	v5 =	vld [tilespmem:$0x7050]  }
0x178: {  	[tilespmem:$0x7400] =	vst v1;
	v1 =	vadd.s32 v0, v6;
	v6 =	vld [tilespmem:$0x7060]  }
0x179: {  	[tilespmem:$0x7410] =	vst v1;
	v1 =	vadd.s32 v0, v2;
	v2 =	vld [tilespmem:$0x7070]  }
0x17a: {  	[tilespmem:$0x7420] =	vst v1;
	v1 =	vadd.s32 v0, v3  }
0x17b: {  	[tilespmem:$0x7430] =	vst v1;
	v1 =	vadd.s32 v0, v4  }
0x17c: {  	[tilespmem:$0x7440] =	vst v1;
	v1 =	vadd.s32 v0, v5  }
0x17d: {  	[tilespmem:$0x7450] =	vst v1;
	v1 =	vadd.s32 v0, v6  }
0x17e: {  	[tilespmem:$0x7460] =	vst v1;
	v1 =	vadd.s32 v0, v2  }
0x17f: {  	s21 =	simm.s32 $0x7280;
	[tilespmem:$0x7470] =	vst v1  }
0x180: {  	[spmem:s2] =	stream.indirect.scatter.add.f32 [tilespmem:s30], [sflag:$0x2], $0x40, s21, s19, $0xb8;
	[tilespmem:$0x1B480] =	vst v63  }
0x181: {  	_ =	swait.ge [sflag:s28], $0x2000  }
0x182: {  	[sflag:s28] =	ssyncset.done $0x0  }
0x183: {  	s22 =	simm.s32 $0x7300;
	s1 =	simm.s32 $0x11480;
	[sflag:s28] =	ssyncadd.s32 $0xFFFFE000  }
0x184: {  	[spmem:s12] =	stream.indirect.scatter.add.f32 [tilespmem:s1], [sflag:$0x2], $0x40, s22, s19, $0xb8;
	[tilespmem:$0x1B480] =	vst v63  }
0x185: {  	_ =	swait.ge [sflag:s28], $0x2000  }
0x186: {  	[sflag:s28] =	ssyncset.done $0x0  }
0x187: {  	s24 =	simm.s32 $0x7380;
	s25 =	simm.s32 $0x13480;
	[sflag:s28] =	ssyncadd.s32 $0xFFFFE000  }
0x188: {  	[spmem:s2] =	stream.indirect.scatter.add.f32 [tilespmem:s25], [sflag:$0x2], $0x40, s24, s19, $0xb8;
	[tilespmem:$0x1B480] =	vst v63  }
0x189: {  	_ =	swait.ge [sflag:s28], $0x2000  }
0x18a: {  	[sflag:s28] =	ssyncset.done $0x0  }
0x18b: {  	s29 =	simm.s32 $0x7400;
	s31 =	simm.s32 $0x15480;
	[sflag:s28] =	ssyncadd.s32 $0xFFFFE000  }
0x18c: {  	[spmem:s12] =	stream.indirect.scatter.add.f32 [tilespmem:s31], [sflag:$0x2], $0x40, s29, s19, $0xb8;
	[tilespmem:$0x1B480] =	vst v63  }
0x18d: {  	_ =	swait.ge [sflag:s28], $0x2000  }
0x18e: {  	[sflag:s28] =	ssyncset.done $0x0  }
0x18f: {  	[sflag:s28] =	ssyncadd.s32 $0xFFFFE000  }
0x190: {  	[tilespmem:s20], [sflag:$0x3] =	stream.linear.gather [spmem:s8], $0x2000, $0x38;
	[tilespmem:$0x1B480] =	vst v63  }
0x191: {  	_ =	swait.ge [sflag:s16], $0x2000  }
0x192: {  	[sflag:s16] =	ssyncset.done $0x0  }
0x193: {  	[sflag:s16] =	ssyncadd.s32 $0xFFFFE000  }
0x194: {  	[tilespmem:s30], [sflag:$0x3] =	stream.linear.gather [spmem:s10], $0x2000, $0x38;
	[tilespmem:$0x1B480] =	vst v63  }
0x195: {  	_ =	swait.ge [sflag:s16], $0x2000  }
0x196: {  	[sflag:s16] =	ssyncset.done $0x0  }
0x197: {  	s0 =	simm.s32 $0x0;
	[sflag:s16] =	ssyncadd.s32 $0xFFFFE000  }
0x198: {  	v6 =	vld [tilespmem:s0+$0xF480]  }
0x199: {  	v7 =	vld [tilespmem:s0+$0xF490]  }
0x19a: {  	v2 =	vld [tilespmem:s0+$0xF4A0]  }
0x19b: {  	v1 =	vld [tilespmem:s0+$0xF4B0]  }
0x19c: {  	v3 =	vld [tilespmem:s0+$0x7480]  }
0x19d: {  	v5 =	vld [tilespmem:s0+$0x7490]  }
0x19e: {  	s1 =	simm.s32 $0x100;
	v4 =	vld [tilespmem:s0+$0x74A0]  }
.LBB2_4:
0x19f: {  	s4 =	sshra.s32 s1, $0x2;
	p0 =	sne.s32 s1, $0x7F00;
	v8 =	vld [tilespmem:s0+$0x74B0];
	v9 =	vmov v2  }
0x1a0: {  	v10 =	vld [tilespmem:s4+$0xF480];
	v11 =	vmov v1  }
0x1a1: {  	v12 =	vld [tilespmem:s4+$0xF490];
	v3 =	vadd.f32 v6, v3  }
.Ltmp1:
0x1a2: {  	v2 =	vld [tilespmem:s4+$0xF4A0];
	v5 =	vadd.f32 v7, v5;
	(pc) =	sbr.rel @p0 .LBB2_4-.Ltmp1, $4  }
0x1a3: {  	v1 =	vld [tilespmem:s4+$0xF4B0];
	[tilespmem:s0+$0x7480] =	vst v3;
	v4 =	vadd.f32 v9, v4  }
0x1a4: {  	v3 =	vld [tilespmem:s4+$0x7480];
	[tilespmem:s0+$0x7490] =	vst v5;
	v8 =	vadd.f32 v11, v8  }
0x1a5: {  	v5 =	vld [tilespmem:s4+$0x7490];
	[tilespmem:s0+$0x74A0] =	vst v4;
	v6 =	vmov v10  }
0x1a6: {  	s1 =	sadd.s32 $0x100, s1;
	v4 =	vld [tilespmem:s4+$0x74A0];
	[tilespmem:s0+$0x74B0] =	vst v8;
	v7 =	vmov v12;
	s0 =	smov.u32 s4  }
0x1a7: {  	v8 =	vld [tilespmem:s0+$0x74B0];
	_ =	sdelay $0x1  }
0x1a8: {  	v3 =	vadd.f32 v6, v3  }
0x1a9: {  	v5 =	vadd.f32 v7, v5  }
0x1aa: {  	[tilespmem:s0+$0x7480] =	vst v3;
	v2 =	vadd.f32 v2, v4  }
0x1ab: {  	[tilespmem:s0+$0x7490] =	vst v5;
	v1 =	vadd.f32 v1, v8  }
0x1ac: {  	[tilespmem:s0+$0x74A0] =	vst v2  }
0x1ad: {  	s29 =	rddreg [dreg:$0x6];
	[tilespmem:s0+$0x74B0] =	vst v1  }
0x1ae: {  	[hbm4b:s29+s3] =	stream.linear.scatter [tilespmem:s20], [sflag:$0x3], $0x2000, $0x38;
	[tilespmem:$0x1B480] =	vst v63  }
0x1af: {  	_ =	swait.ge [sflag:s16], $0x2000  }
0x1b0: {  	s23 =	sadd.s32 $0x1, s23;
	s31 =	rddreg [dreg:$0x7]  }
0x1b1: {  	p0 =	sne.s32 s23, s31  }
.Ltmp2:
0x1b2: {  	_ = 	snop;
	(pc) =	sbr.rel @p0 .LBB2_1-.Ltmp2, $3  }
0x1b3: {  	_ =	sdelay $0x1  }
0x1b4: {  	[sflag:s16] =	ssyncset.done $0x0  }
0x1b5: {  	[sflag:s16] =	ssyncadd.s32 $0xFFFFE000  }
0x1b6: {  	_ =	sfence.sel $0x180000  }
0x1b7: {  	[bflag:$0x0] =	sbarrier.arrive $0xFFFF  }
0x1b8: {  	_ =	strace $0x90000047  }
0x1b9: {  	s0 =	stileid.u32;
	[bflag:$0x2] =	sbarrier.arrive $0xFFFF  }
0x1ba: {  	p0 =	sne.s32 s0, $0x0;
	s0 =	rddreg [dreg:$0x3]  }
0x1bb: {  	s0 =	sadd.s32 @!p0 $0x100000, s0  }
0x1bc: {  	[sflag:s0] =	ssyncadd.tile.s32 @!p0 $0x1;
	_ =	shalt  }
.Lfunc_end2:
_tile_overlayer_lowered:
.L_overlay_start_2:
0x1bd: {  	(tag) =	ssettag $0x2  }
0x1be: {  	s0 =	rddreg [dreg:$0x0];
	s2 =	stileid.u32  }
0x1bf: {  	s1 =	rddreg [dreg:$0x1];
	p0 =	sne.s32 s2, $0x0  }
0x1c0: {  	s3 =	rddreg [dreg:$0x2];
	[bflag:$0x3] =	sbarrier.arrive $0xFFFF;
	s2 =	simm.s32 @!p0 $0x1C03  }
0x1c1: {  	[timem:s3], [sflag:s2] =	dma.local @!p0 [hbm:s0], s1  }
0x1c2: {  	s0 =	simm.s32 @!p0 $0x3  }
0x1c3: {  	_ =	swait.ge @!p0 [sflag:s0], s1  }
0x1c4: {  	s1 =	ssub.s32 @!p0 $0x0, s1;
	[sflag:s0] =	ssyncset.done @!p0 $0x0  }
0x1c5: {  	[sflag:s0] =	ssyncadd.s32 @!p0 s1  }
0x1c6: {  	[bflag:$0x3] =	sbarrier.arrive $0xFFFF  }
0x1c7: {  	_ =	shalt  }

</sc_bundles>
